<compile_context>
chip_gen: v7x
topology: tpu7x:2x2x1
jax: 0.10.2.dev20260603
libtpu: 0.0.44.dev20260713+nightly
codegen_flags: <defaults>
</compile_context>

<pallas_src>
import jax
import jax.numpy as jnp
from jax import lax
from jax.experimental import pallas as pl
from jax.experimental.pallas import tpu as pltpu
from jax.experimental.pallas import tpu_sc as plsc

ARITY = 4
GROUPS = 512
OUT_DIM = 16
N_TOK = 2048
NVALS = 81
REF_IND = 40
NC, NS, L = 2, 16, 16
NW = NC * NS
GPW = GROUPS // NW
T_CHUNK = 64
N_CHUNKS = N_TOK // T_CHUNK
XCOLS = GPW * ARITY
XSLICE = 128
OCOLS = GPW * OUT_DIM
POW3 = (1, 3, 9, 27)
PROW = 32
GSTRIDE = NVALS * PROW + 1
PSIZE = GPW * GSTRIDE


def _body(x_hbm, p_hbm, out_hbm, params_v, x_v, out_v, bse_v, cf_v, xsem, osem):
    wid = lax.axis_index("s") * NC + lax.axis_index("c")
    g0 = wid * GPW

    pltpu.sync_copy(p_hbm.at[pl.ds(wid * PSIZE, PSIZE)], params_v)

    xbase = (g0 * ARITY) // XSLICE * XSLICE
    xoff = g0 * ARITY - xbase

    iota = lax.iota(jnp.int32, L)
    iota4 = iota * ARITY + xoff
    oiota = iota * OUT_DIM
    g_off = iota * GSTRIDE

    def front_body(t, toff, bse_v, cf_v):
        tv = jnp.full((L,), t + toff, jnp.int32)
        a = [plsc.load_gather(x_v, [tv, iota4 + j]) for j in range(ARITY)]
        va = [jnp.abs(x) for x in a]
        tc = [
            jnp.where(a[j] >= 0.0, jnp.int32(POW3[j]), jnp.int32(-POW3[j]))
            for j in range(ARITY)
        ]

        def cswap(i, k):
            m = va[i] <= va[k]
            lo = jnp.minimum(va[i], va[k])
            hi = jnp.maximum(va[i], va[k])
            tlo = jnp.where(m, tc[i], tc[k])
            thi = jnp.where(m, tc[k], tc[i])
            va[i], va[k] = lo, hi
            tc[i], tc[k] = tlo, thi

        cswap(0, 1)
        cswap(2, 3)
        cswap(0, 2)
        cswap(1, 3)
        cswap(1, 2)

        c = [va[0], va[1] - va[0], va[2] - va[1], va[3] - va[2]]
        i3 = tc[3] + REF_IND
        i2 = i3 + tc[2]
        i1 = i2 + tc[1]
        i0 = i1 + tc[0]
        inds = [i0, i1, i2, i3]

        for j in range(ARITY):
            bse_v[pl.ds(t * (ARITY * L) + j * L, L)] = g_off + inds[j] * PROW
            cf_v[pl.ds(t * (ARITY * L) + j * L, L)] = c[j]

    def combine_body(t, toff, bse_v, cf_v):
        tv = jnp.full((L,), t + toff, jnp.int32)
        base = [bse_v[pl.ds(t * (ARITY * L) + j * L, L)] for j in range(ARITY)]
        c = [cf_v[pl.ds(t * (ARITY * L) + j * L, L)] for j in range(ARITY)]
        acc = [
            c[0] * plsc.load_gather(params_v, [base[0] + d])
            for d in range(OUT_DIM)
        ]
        for j in range(1, ARITY):
            for d in range(OUT_DIM):
                acc[d] = acc[d] + c[j] * plsc.load_gather(params_v, [base[j] + d])
        for d in range(OUT_DIM):
            plsc.store_scatter(out_v, [tv, iota + d * OUT_DIM], acc[d])

    def start_x_copy(ci, buf):
        pltpu.async_copy(
            x_hbm.at[pl.ds(ci * T_CHUNK, T_CHUNK), pl.ds(xbase, XSLICE)],
            x_v.at[pl.ds(buf * T_CHUNK, T_CHUNK)],
            xsem,
        )

    def start_out_copy(ci, buf):
        pltpu.async_copy(
            out_v.at[pl.ds(buf * T_CHUNK, T_CHUNK)],
            out_hbm.at[pl.ds(ci * T_CHUNK, T_CHUNK), pl.ds(g0 * OUT_DIM, OCOLS)],
            osem,
        )

    def wait_x(buf):
        pltpu.make_async_copy(
            x_hbm.at[pl.ds(0, T_CHUNK), pl.ds(xbase, XSLICE)],
            x_v.at[pl.ds(buf * T_CHUNK, T_CHUNK)],
            xsem,
        ).wait()

    def wait_out(buf):
        pltpu.make_async_copy(
            out_v.at[pl.ds(buf * T_CHUNK, T_CHUNK)],
            out_hbm.at[pl.ds(0, T_CHUNK), pl.ds(g0 * OUT_DIM, OCOLS)],
            osem,
        ).wait()

    start_x_copy(0, 0)

    def chunk_body(ci, carry):
        cur = lax.rem(ci, 2)
        wait_x(cur)

        @pl.when(ci + 1 < N_CHUNKS)
        def _():
            start_x_copy(ci + 1, 1 - cur)

        @pl.when(ci >= 2)
        def _():
            wait_out(cur)

        toff = cur * T_CHUNK
        plsc.parallel_loop(0, T_CHUNK, 1, unroll=16)(
            lambda t: front_body(t, toff, bse_v, cf_v)
        )
        plsc.parallel_loop(0, T_CHUNK, 1, unroll=4)(
            lambda t: combine_body(t, toff, bse_v, cf_v)
        )
        start_out_copy(ci, cur)
        return carry

    lax.fori_loop(0, N_CHUNKS, chunk_body, 0)
    wait_out(jnp.int32(N_CHUNKS - 2) % 2)
    wait_out(jnp.int32(N_CHUNKS - 1) % 2)


@jax.jit
def kernel(X, params):
    mesh = plsc.VectorSubcoreMesh(core_axis_name="c", subcore_axis_name="s")
    f = pl.kernel(
        _body,
        out_type=jax.ShapeDtypeStruct((N_TOK, GROUPS * OUT_DIM), jnp.float32),
        mesh=mesh,
        compiler_params=pltpu.CompilerParams(needs_layout_passes=False),
        scratch_types=[
            pltpu.VMEM((PSIZE,), jnp.float32),
            pltpu.VMEM((2 * T_CHUNK, XSLICE), jnp.float32),
            pltpu.VMEM((2 * T_CHUNK, OCOLS), jnp.float32),
            pltpu.VMEM((T_CHUNK * ARITY * L,), jnp.int32),
            pltpu.VMEM((T_CHUNK * ARITY * L,), jnp.float32),
            pltpu.SemaphoreType.DMA,
            pltpu.SemaphoreType.DMA,
        ],
    )
    p_pad = jnp.pad(
        params.reshape(GROUPS, NVALS, OUT_DIM),
        ((0, 0), (0, 0), (0, PROW - OUT_DIM)),
    ).reshape(NW, GPW, NVALS * PROW)
    p_pad = jnp.pad(p_pad, ((0, 0), (0, 0), (0, GSTRIDE - NVALS * PROW)))
    return f(X, p_pad.reshape(-1))

# --- scband reference (transcript-rebuilt; emitter-appended) ---
"""Pipeline reference for scband-batch-high-order-activation-b-16741782520155 (READ-ONLY COPY).

The authoritative reference and input builder live on the scoring server;
editing this copy changes nothing except your own understanding.
"""

import jax, jax.numpy as jnp
import numpy as np

ARITY = 4
GROUPS = 512
OUT_DIM = 16
N_TOK = 2048


def cartesian_power(values, power):
    if power == 0:
        return np.zeros((1, 0), dtype=np.float32)
    A = cartesian_power(values, power - 1)
    return np.concatenate([np.concatenate([A, np.full((A.shape[0], 1), x, dtype=np.float32)], axis=1) for x in values], axis=0)


def setup_inputs(seed: int = 0) -> dict:
    key = jax.random.key(seed)
    X = jax.random.normal(key, (N_TOK, GROUPS * ARITY), dtype=jnp.float32)
    coords = cartesian_power([-1.0, 0.0, 1.0], ARITY)
    base = coords.max(axis=1).reshape(1, 3 ** ARITY, 1).astype(np.float32)
    params_np = np.broadcast_to(base, (GROUPS, 3 ** ARITY, OUT_DIM)).copy() * (1.0 / 1.0)
    params = jnp.asarray(params_np, dtype=jnp.float32)
    return {"X": X, "params": params}


def reference(X, params):
    G = params.shape[0]
    D = params.shape[2]
    k = ARITY
    N = X.shape[0]
    # X is 2D: transpose(1, 1) is identity
    A = X.reshape(N, G, k)
    ref_ind = sum(3 ** i for i in range(k))
    A_abs = jnp.abs(A)
    A_ind = jnp.argsort(A_abs, axis=2).astype(jnp.int32)
    A_sort = jnp.take_along_axis(A_abs, A_ind, axis=2)
    A_sgn = jnp.where(A >= 0, jnp.int32(1), jnp.int32(-1))
    A_sgn = jnp.take_along_axis(A_sgn, A_ind, axis=2)
    A_diff = A_sort[:, :, 1:] - A_sort[:, :, :-1]
    coef = jnp.concatenate([A_sort[:, :, 0:1], A_diff], axis=2)
    t = A_sgn * (3 ** A_ind)
    params_A_ind = jnp.flip(jnp.cumsum(jnp.flip(t, axis=2), axis=2), axis=2) + ref_ind
    ind0b = jnp.arange(G, dtype=jnp.int32)[:, None, None]
    ind1b = jnp.transpose(params_A_ind, (1, 0, 2))
    params_gather = params[ind0b, ind1b, :]  # [G, N, k, D]
    out = jnp.einsum('jikl,ijk->ijl', params_gather, coef)  # [N, G, D]
    return out.reshape(N, G * D)


if False:  # reference __main__ guard neutralized (emitter)
    inp = setup_inputs()
    o = reference(**inp)
    print(o.shape)

if __name__ == "__main__":
    import jax
    _d = setup_inputs()
    print(jax.jit(kernel)(*tuple(_d.values())))

</pallas_src>

<mosaic_0001>
#map = affine_map<(d0, d1) -> (0, 0)>
#map1 = affine_map<(d0, d1) -> (0)>
module attributes {stable_mosaic.version = 14 : i64} {
  func.func @_body(%arg0: i32, %arg1: i32, %arg2: memref<2048x2048xf32, #tpu.memory_space<hbm>>, %arg3: memref<1327616xf32, #tpu.memory_space<hbm>>, %arg4: memref<2048x8192xf32, #tpu.memory_space<hbm>>, %arg5: memref<41488xf32, #tpu.memory_space<vmem>>, %arg6: memref<128x128xf32, #tpu.memory_space<vmem>>, %arg7: memref<128x256xf32, #tpu.memory_space<vmem>>, %arg8: memref<4096xi32, #tpu.memory_space<vmem>>, %arg9: memref<4096xf32, #tpu.memory_space<vmem>>, %arg10: memref<!tpu.dma_semaphore, #tpu.memory_space<semaphore_mem>>, %arg11: memref<!tpu.dma_semaphore, #tpu.memory_space<semaphore_mem>>) attributes {dimension_semantics = [#tpu.dimension_semantics<core_parallel>, #tpu.dimension_semantics<subcore_parallel>], iteration_bounds = array<i64: 2, 16>, scalar_prefetch = 0 : i64, scratch_operands = 7 : i64, tpu.core_type = #tpu.core_type<sc_vector_subcore>, window_params = [{transform_indices = #map}, {transform_indices = #map1}, {transform_indices = #map}]} {
    %mul3A = arith.constant 2 : i32
    %mul3A_0 = arith.muli %arg1, %mul3A : i32
    %add3A = arith.addi %mul3A_0, %arg0 : i32
    %mul3A_1 = arith.constant 16 : i32
    %mul3A_2 = arith.muli %add3A, %mul3A_1 : i32
    %mul3A_3 = arith.constant 41488 : i32
    %mul3A_4 = arith.muli %add3A, %mul3A_3 : i32
    "tpu.region"() ({
      %run_scoped3A = tpu.sem_alloc : memref<!tpu.dma_semaphore, #tpu.memory_space<semaphore_mem>>
      %dma_start3A_108 = tpu.memref_slice %arg3[%mul3A_4] : memref<1327616xf32, #tpu.memory_space<hbm>> -> memref<41488xf32, #tpu.memory_space<hbm>>
      %dma_start3A_109 = tpu.memref_slice %arg3[%mul3A_4] : memref<1327616xf32, #tpu.memory_space<hbm>> -> memref<41488xf32, #tpu.memory_space<hbm>>
      tpu.enqueue_dma source(%dma_start3A_109 : memref<41488xf32, #tpu.memory_space<hbm>>) target(%arg5 : memref<41488xf32, #tpu.memory_space<vmem>>) target_semaphore(%run_scoped3A : memref<!tpu.dma_semaphore, #tpu.memory_space<semaphore_mem>>)
      %dma_wait3A_110 = tpu.memref_slice %arg3[%mul3A_4] : memref<1327616xf32, #tpu.memory_space<hbm>> -> memref<41488xf32, #tpu.memory_space<hbm>>
      %dma_wait3A_111 = tpu.memref_slice %arg3[%mul3A_4] : memref<1327616xf32, #tpu.memory_space<hbm>> -> memref<41488xf32, #tpu.memory_space<hbm>>
      tpu.wait_dma2 semaphore(%run_scoped3A : memref<!tpu.dma_semaphore, #tpu.memory_space<semaphore_mem>>) src(%dma_wait3A_111 : memref<41488xf32, #tpu.memory_space<hbm>>) dst(%arg5 : memref<41488xf32, #tpu.memory_space<vmem>>)
      tpu.yield
    }) : () -> ()
    %mul3A_5 = arith.constant 4 : i32
    %mul3A_6 = arith.muli %mul3A_2, %mul3A_5 : i32
    %jit3A = arith.constant 128 : i32
    %div3A = arith.divsi %mul3A_6, %jit3A : i32
    %sign3A = arith.constant 0 : i32
    %sign3A_7 = arith.cmpi sgt, %mul3A_6, %sign3A : i32
    %sign3A_8 = arith.extui %sign3A_7 : i1 to i32
    %sign3A_9 = arith.constant 0 : i32
    %sign3A_10 = arith.cmpi slt, %mul3A_6, %sign3A_9 : i32
    %sign3A_11 = arith.extui %sign3A_10 : i1 to i32
    %sign3A_12 = arith.subi %sign3A_8, %sign3A_11 : i32
    %sign3A_13 = arith.constant 0 : i32
    %sign3A_14 = arith.cmpi sgt, %jit3A, %sign3A_13 : i32
    %sign3A_15 = arith.extui %sign3A_14 : i1 to i32
    %sign3A_16 = arith.constant 0 : i32
    %sign3A_17 = arith.cmpi slt, %jit3A, %sign3A_16 : i32
    %sign3A_18 = arith.extui %sign3A_17 : i1 to i32
    %sign3A_19 = arith.subi %sign3A_15, %sign3A_18 : i32
    %ne3A = arith.cmpi ne, %sign3A_12, %sign3A_19 : i32
    %rem3A = arith.remsi %mul3A_6, %jit3A : i32
    %ne3A_20 = arith.constant 0 : i32
    %ne3A_21 = arith.cmpi ne, %rem3A, %ne3A_20 : i32
    %and3A = arith.andi %ne3A, %ne3A_21 : i1
    %sub3A = arith.constant 1 : i32
    %sub3A_22 = arith.subi %div3A, %sub3A : i32
    %select_n3A = arith.select %and3A, %sub3A_22, %div3A : i32
    %mul3A_23 = arith.constant 128 : i32
    %mul3A_24 = arith.muli %select_n3A, %mul3A_23 : i32
    %mul3A_25 = arith.constant 4 : i32
    %mul3A_26 = arith.muli %mul3A_2, %mul3A_25 : i32
    %sub3A_27 = arith.subi %mul3A_26, %mul3A_24 : i32
    %iota3A = tpu.iota {dimensions = array<i32: 0>} : vector<16xi32>
    %mul3A_28 = arith.constant 4 : i32
    %mul3A_29 = vector.broadcast %mul3A_28 : i32 to vector<16xi32>
    %mul3A_30 = arith.muli %iota3A, %mul3A_29 : vector<16xi32>
    %add3A_31 = vector.broadcast %sub3A_27 : i32 to vector<16xi32>
    %add3A_32 = arith.addi %mul3A_30, %add3A_31 : vector<16xi32>
    %mul3A_33 = arith.constant 16 : i32
    %mul3A_34 = vector.broadcast %mul3A_33 : i32 to vector<16xi32>
    %mul3A_35 = arith.muli %iota3A, %mul3A_34 : vector<16xi32>
    %mul3A_36 = arith.constant 2593 : i32
    %mul3A_37 = vector.broadcast %mul3A_36 : i32 to vector<16xi32>
    %mul3A_38 = arith.muli %iota3A, %mul3A_37 : vector<16xi32>
    %dma_start3A = arith.constant 0 : i32
    %dma_start3A_39 = arith.constant 0 : i32
    %dma_start3A_40 = tpu.memref_slice %arg6[%dma_start3A, %dma_start3A_39] : memref<128x128xf32, #tpu.memory_space<vmem>> -> memref<64x128xf32, #tpu.memory_space<vmem>>
    %dma_start3A_41 = arith.constant 0 : i32
    %dma_start3A_42 = tpu.memref_slice %arg2[%dma_start3A_41, %mul3A_24] : memref<2048x2048xf32, #tpu.memory_space<hbm>> -> memref<64x128xf32, #tpu.memory_space<hbm>>
    %dma_start3A_43 = arith.constant 0 : i32
    %dma_start3A_44 = arith.constant 0 : i32
    %dma_start3A_45 = tpu.memref_slice %arg6[%dma_start3A_43, %dma_start3A_44] : memref<128x128xf32, #tpu.memory_space<vmem>> -> memref<64x128xf32, #tpu.memory_space<vmem>>
    %dma_start3A_46 = arith.constant 0 : i32
    %dma_start3A_47 = tpu.memref_slice %arg2[%dma_start3A_46, %mul3A_24] : memref<2048x2048xf32, #tpu.memory_space<hbm>> -> memref<64x128xf32, #tpu.memory_space<hbm>>
    tpu.enqueue_dma source(%dma_start3A_47 : memref<64x128xf32, #tpu.memory_space<hbm>>) target(%dma_start3A_45 : memref<64x128xf32, #tpu.memory_space<vmem>>) target_semaphore(%arg10 : memref<!tpu.dma_semaphore, #tpu.memory_space<semaphore_mem>>)
    %scan3A = arith.constant 0 : i32
    %scan3A_48 = arith.constant 0 : i32
    %scan3A_49 = arith.constant 32 : i32
    %scan3A_50 = arith.addi %scan3A_48, %scan3A_49 : i32
    %scan3A_51 = arith.constant 1 : i32
    scf.for %scan3A_108 = %scan3A_48 to %scan3A_50 step %scan3A_51  : i32 {
      %rem3A_109 = arith.constant 2 : i32
      %rem3A_110 = arith.remsi %scan3A_108, %rem3A_109 : i32
      %mul3A_111 = arith.constant 64 : i32
      %mul3A_112 = arith.muli %rem3A_110, %mul3A_111 : i32
      %dma_wait3A_113 = arith.constant 0 : i32
      %dma_wait3A_114 = tpu.memref_slice %arg6[%mul3A_112, %dma_wait3A_113] : memref<128x128xf32, #tpu.memory_space<vmem>> -> memref<64x128xf32, #tpu.memory_space<vmem>>
      %dma_wait3A_115 = arith.constant 0 : i32
      %dma_wait3A_116 = tpu.memref_slice %arg2[%dma_wait3A_115, %mul3A_24] : memref<2048x2048xf32, #tpu.memory_space<hbm>> -> memref<64x128xf32, #tpu.memory_space<hbm>>
      %dma_wait3A_117 = arith.constant 0 : i32
      %dma_wait3A_118 = tpu.memref_slice %arg6[%mul3A_112, %dma_wait3A_117] : memref<128x128xf32, #tpu.memory_space<vmem>> -> memref<64x128xf32, #tpu.memory_space<vmem>>
      %dma_wait3A_119 = arith.constant 0 : i32
      %dma_wait3A_120 = tpu.memref_slice %arg2[%dma_wait3A_119, %mul3A_24] : memref<2048x2048xf32, #tpu.memory_space<hbm>> -> memref<64x128xf32, #tpu.memory_space<hbm>>
      tpu.wait_dma2 semaphore(%arg10 : memref<!tpu.dma_semaphore, #tpu.memory_space<semaphore_mem>>) src(%dma_wait3A_120 : memref<64x128xf32, #tpu.memory_space<hbm>>) dst(%dma_wait3A_118 : memref<64x128xf32, #tpu.memory_space<vmem>>)
      %add3A_121 = arith.constant 1 : i32
      %add3A_122 = arith.addi %scan3A_108, %add3A_121 : i32
      %lt3A_123 = arith.constant 32 : i32
      %lt3A_124 = arith.cmpi slt, %add3A_122, %lt3A_123 : i32
      %convert_element_type3A = arith.extui %lt3A_124 : i1 to i32
      %cond3A = arith.constant 0 : i32
      %cond3A_125 = arith.cmpi ne, %convert_element_type3A, %cond3A : i32
      scf.if %cond3A_125 {
        %add3A_149 = arith.constant 1 : i32
        %add3A_150 = arith.addi %scan3A_108, %add3A_149 : i32
        %sub3A_151 = arith.constant 1 : i32
        %sub3A_152 = arith.subi %sub3A_151, %rem3A_110 : i32
        %mul3A_153 = arith.constant 64 : i32
        %mul3A_154 = arith.muli %add3A_150, %mul3A_153 : i32
        %mul3A_155 = arith.constant 64 : i32
        %mul3A_156 = arith.muli %sub3A_152, %mul3A_155 : i32
        %dma_start3A_157 = arith.constant 0 : i32
        %dma_start3A_158 = tpu.memref_slice %arg6[%mul3A_156, %dma_start3A_157] : memref<128x128xf32, #tpu.memory_space<vmem>> -> memref<64x128xf32, #tpu.memory_space<vmem>>
        %dma_start3A_159 = tpu.memref_slice %arg2[%mul3A_154, %mul3A_24] : memref<2048x2048xf32, #tpu.memory_space<hbm>> -> memref<64x128xf32, #tpu.memory_space<hbm>>
        %dma_start3A_160 = arith.constant 0 : i32
        %dma_start3A_161 = tpu.memref_slice %arg6[%mul3A_156, %dma_start3A_160] : memref<128x128xf32, #tpu.memory_space<vmem>> -> memref<64x128xf32, #tpu.memory_space<vmem>>
        %dma_start3A_162 = tpu.memref_slice %arg2[%mul3A_154, %mul3A_24] : memref<2048x2048xf32, #tpu.memory_space<hbm>> -> memref<64x128xf32, #tpu.memory_space<hbm>>
        tpu.enqueue_dma source(%dma_start3A_162 : memref<64x128xf32, #tpu.memory_space<hbm>>) target(%dma_start3A_161 : memref<64x128xf32, #tpu.memory_space<vmem>>) target_semaphore(%arg10 : memref<!tpu.dma_semaphore, #tpu.memory_space<semaphore_mem>>)
      } else {
      }
      %ge3A = arith.constant 2 : i32
      %ge3A_126 = arith.cmpi sge, %scan3A_108, %ge3A : i32
      %convert_element_type3A_127 = arith.extui %ge3A_126 : i1 to i32
      %cond3A_128 = arith.constant 0 : i32
      %cond3A_129 = arith.cmpi ne, %convert_element_type3A_127, %cond3A_128 : i32
      scf.if %cond3A_129 {
        %mul3A_149 = arith.constant 64 : i32
        %mul3A_150 = arith.muli %rem3A_110, %mul3A_149 : i32
        %mul3A_151 = arith.constant 16 : i32
        %mul3A_152 = arith.muli %mul3A_2, %mul3A_151 : i32
        %dma_wait3A_153 = arith.constant 0 : i32
        %dma_wait3A_154 = tpu.memref_slice %arg7[%mul3A_150, %dma_wait3A_153] : memref<128x256xf32, #tpu.memory_space<vmem>> -> memref<64x256xf32, #tpu.memory_space<vmem>>
        %dma_wait3A_155 = arith.constant 0 : i32
        %dma_wait3A_156 = tpu.memref_slice %arg4[%dma_wait3A_155, %mul3A_152] : memref<2048x8192xf32, #tpu.memory_space<hbm>> -> memref<64x256xf32, #tpu.memory_space<hbm>>
        %dma_wait3A_157 = arith.constant 0 : i32
        %dma_wait3A_158 = tpu.memref_slice %arg4[%dma_wait3A_157, %mul3A_152] : memref<2048x8192xf32, #tpu.memory_space<hbm>> -> memref<64x256xf32, #tpu.memory_space<hbm>>
        %dma_wait3A_159 = arith.constant 0 : i32
        %dma_wait3A_160 = tpu.memref_slice %arg7[%mul3A_150, %dma_wait3A_159] : memref<128x256xf32, #tpu.memory_space<vmem>> -> memref<64x256xf32, #tpu.memory_space<vmem>>
        tpu.wait_dma2 semaphore(%arg11 : memref<!tpu.dma_semaphore, #tpu.memory_space<semaphore_mem>>) src(%dma_wait3A_160 : memref<64x256xf32, #tpu.memory_space<vmem>>) dst(%dma_wait3A_158 : memref<64x256xf32, #tpu.memory_space<hbm>>)
      } else {
      }
      %mul3A_130 = arith.constant 64 : i32
      %mul3A_131 = arith.muli %rem3A_110, %mul3A_130 : i32
      %parallel_loop3A = arith.constant 0 : i32
      %parallel_loop3A_132 = arith.constant 64 : i32
      %parallel_loop3A_133 = arith.constant 1 : i32
      scf.for %parallel_loop3A_149 = %parallel_loop3A to %parallel_loop3A_132 step %parallel_loop3A_133  : i32 {
        %parallel_loop3A_150 = arith.addi %parallel_loop3A_149, %mul3A_131 : i32
        %parallel_loop3A_151 = vector.broadcast %parallel_loop3A_150 : i32 to vector<16xi32>
        %parallel_loop3A_152 = arith.constant 0 : i32
        %parallel_loop3A_153 = vector.broadcast %parallel_loop3A_152 : i32 to vector<16xi32>
        %parallel_loop3A_154 = arith.addi %add3A_32, %parallel_loop3A_153 : vector<16xi32>
        %parallel_loop3A_155 = tpu.vector_load_idx %arg6[%parallel_loop3A_151, %parallel_loop3A_154] : memref<128x128xf32, #tpu.memory_space<vmem>>[vector<16xi32>, vector<16xi32>], vector<16xf32>,
        %parallel_loop3A_156 = arith.constant 1 : i32
        %parallel_loop3A_157 = vector.broadcast %parallel_loop3A_156 : i32 to vector<16xi32>
        %parallel_loop3A_158 = arith.addi %add3A_32, %parallel_loop3A_157 : vector<16xi32>
        %parallel_loop3A_159 = tpu.vector_load_idx %arg6[%parallel_loop3A_151, %parallel_loop3A_158] : memref<128x128xf32, #tpu.memory_space<vmem>>[vector<16xi32>, vector<16xi32>], vector<16xf32>,
        %parallel_loop3A_160 = arith.constant 2 : i32
        %parallel_loop3A_161 = vector.broadcast %parallel_loop3A_160 : i32 to vector<16xi32>
        %parallel_loop3A_162 = arith.addi %add3A_32, %parallel_loop3A_161 : vector<16xi32>
        %parallel_loop3A_163 = tpu.vector_load_idx %arg6[%parallel_loop3A_151, %parallel_loop3A_162] : memref<128x128xf32, #tpu.memory_space<vmem>>[vector<16xi32>, vector<16xi32>], vector<16xf32>,
        %parallel_loop3A_164 = arith.constant 3 : i32
        %parallel_loop3A_165 = vector.broadcast %parallel_loop3A_164 : i32 to vector<16xi32>
        %parallel_loop3A_166 = arith.addi %add3A_32, %parallel_loop3A_165 : vector<16xi32>
        %parallel_loop3A_167 = tpu.vector_load_idx %arg6[%parallel_loop3A_151, %parallel_loop3A_166] : memref<128x128xf32, #tpu.memory_space<vmem>>[vector<16xi32>, vector<16xi32>], vector<16xf32>,
        %parallel_loop3A_168 = math.absf %parallel_loop3A_155 : vector<16xf32>
        %parallel_loop3A_169 = math.absf %parallel_loop3A_159 : vector<16xf32>
        %parallel_loop3A_170 = math.absf %parallel_loop3A_163 : vector<16xf32>
        %parallel_loop3A_171 = math.absf %parallel_loop3A_167 : vector<16xf32>
        %parallel_loop3A_172 = arith.constant 0.000000e+00 : f32
        %parallel_loop3A_173 = vector.broadcast %parallel_loop3A_172 : f32 to vector<16xf32>
        %parallel_loop3A_174 = arith.cmpf oge, %parallel_loop3A_155, %parallel_loop3A_173 : vector<16xf32>
        %parallel_loop3A_175 = arith.constant 1 : i32
        %parallel_loop3A_176 = arith.constant -1 : i32
        %parallel_loop3A_177 = vector.broadcast %parallel_loop3A_175 : i32 to vector<16xi32>
        %parallel_loop3A_178 = vector.broadcast %parallel_loop3A_176 : i32 to vector<16xi32>
        %parallel_loop3A_179 = arith.select %parallel_loop3A_174, %parallel_loop3A_177, %parallel_loop3A_178 : vector<16xi1>, vector<16xi32>
        %parallel_loop3A_180 = arith.constant 0.000000e+00 : f32
        %parallel_loop3A_181 = vector.broadcast %parallel_loop3A_180 : f32 to vector<16xf32>
        %parallel_loop3A_182 = arith.cmpf oge, %parallel_loop3A_159, %parallel_loop3A_181 : vector<16xf32>
        %parallel_loop3A_183 = arith.constant 3 : i32
        %parallel_loop3A_184 = arith.constant -3 : i32
        %parallel_loop3A_185 = vector.broadcast %parallel_loop3A_183 : i32 to vector<16xi32>
        %parallel_loop3A_186 = vector.broadcast %parallel_loop3A_184 : i32 to vector<16xi32>
        %parallel_loop3A_187 = arith.select %parallel_loop3A_182, %parallel_loop3A_185, %parallel_loop3A_186 : vector<16xi1>, vector<16xi32>
        %parallel_loop3A_188 = arith.constant 0.000000e+00 : f32
        %parallel_loop3A_189 = vector.broadcast %parallel_loop3A_188 : f32 to vector<16xf32>
        %parallel_loop3A_190 = arith.cmpf oge, %parallel_loop3A_163, %parallel_loop3A_189 : vector<16xf32>
        %parallel_loop3A_191 = arith.constant 9 : i32
        %parallel_loop3A_192 = arith.constant -9 : i32
        %parallel_loop3A_193 = vector.broadcast %parallel_loop3A_191 : i32 to vector<16xi32>
        %parallel_loop3A_194 = vector.broadcast %parallel_loop3A_192 : i32 to vector<16xi32>
        %parallel_loop3A_195 = arith.select %parallel_loop3A_190, %parallel_loop3A_193, %parallel_loop3A_194 : vector<16xi1>, vector<16xi32>
        %parallel_loop3A_196 = arith.constant 0.000000e+00 : f32
        %parallel_loop3A_197 = vector.broadcast %parallel_loop3A_196 : f32 to vector<16xf32>
        %parallel_loop3A_198 = arith.cmpf oge, %parallel_loop3A_167, %parallel_loop3A_197 : vector<16xf32>
        %parallel_loop3A_199 = arith.constant 27 : i32
        %parallel_loop3A_200 = arith.constant -27 : i32
        %parallel_loop3A_201 = vector.broadcast %parallel_loop3A_199 : i32 to vector<16xi32>
        %parallel_loop3A_202 = vector.broadcast %parallel_loop3A_200 : i32 to vector<16xi32>
        %parallel_loop3A_203 = arith.select %parallel_loop3A_198, %parallel_loop3A_201, %parallel_loop3A_202 : vector<16xi1>, vector<16xi32>
        %parallel_loop3A_204 = arith.cmpf ole, %parallel_loop3A_168, %parallel_loop3A_169 : vector<16xf32>
        %parallel_loop3A_205 = arith.minimumf %parallel_loop3A_168, %parallel_loop3A_169 : vector<16xf32>
        %parallel_loop3A_206 = arith.maximumf %parallel_loop3A_168, %parallel_loop3A_169 : vector<16xf32>
        %parallel_loop3A_207 = arith.select %parallel_loop3A_204, %parallel_loop3A_179, %parallel_loop3A_187 : vector<16xi1>, vector<16xi32>
        %parallel_loop3A_208 = arith.select %parallel_loop3A_204, %parallel_loop3A_187, %parallel_loop3A_179 : vector<16xi1>, vector<16xi32>
        %parallel_loop3A_209 = arith.cmpf ole, %parallel_loop3A_170, %parallel_loop3A_171 : vector<16xf32>
        %parallel_loop3A_210 = arith.minimumf %parallel_loop3A_170, %parallel_loop3A_171 : vector<16xf32>
        %parallel_loop3A_211 = arith.maximumf %parallel_loop3A_170, %parallel_loop3A_171 : vector<16xf32>
        %parallel_loop3A_212 = arith.select %parallel_loop3A_209, %parallel_loop3A_195, %parallel_loop3A_203 : vector<16xi1>, vector<16xi32>
        %parallel_loop3A_213 = arith.select %parallel_loop3A_209, %parallel_loop3A_203, %parallel_loop3A_195 : vector<16xi1>, vector<16xi32>
        %parallel_loop3A_214 = arith.cmpf ole, %parallel_loop3A_205, %parallel_loop3A_210 : vector<16xf32>
        %parallel_loop3A_215 = arith.minimumf %parallel_loop3A_205, %parallel_loop3A_210 : vector<16xf32>
        %parallel_loop3A_216 = arith.maximumf %parallel_loop3A_205, %parallel_loop3A_210 : vector<16xf32>
        %parallel_loop3A_217 = arith.select %parallel_loop3A_214, %parallel_loop3A_207, %parallel_loop3A_212 : vector<16xi1>, vector<16xi32>
        %parallel_loop3A_218 = arith.select %parallel_loop3A_214, %parallel_loop3A_212, %parallel_loop3A_207 : vector<16xi1>, vector<16xi32>
        %parallel_loop3A_219 = arith.cmpf ole, %parallel_loop3A_206, %parallel_loop3A_211 : vector<16xf32>
        %parallel_loop3A_220 = arith.minimumf %parallel_loop3A_206, %parallel_loop3A_211 : vector<16xf32>
        %parallel_loop3A_221 = arith.maximumf %parallel_loop3A_206, %parallel_loop3A_211 : vector<16xf32>
        %parallel_loop3A_222 = arith.select %parallel_loop3A_219, %parallel_loop3A_208, %parallel_loop3A_213 : vector<16xi1>, vector<16xi32>
        %parallel_loop3A_223 = arith.select %parallel_loop3A_219, %parallel_loop3A_213, %parallel_loop3A_208 : vector<16xi1>, vector<16xi32>
        %parallel_loop3A_224 = arith.cmpf ole, %parallel_loop3A_220, %parallel_loop3A_216 : vector<16xf32>
        %parallel_loop3A_225 = arith.minimumf %parallel_loop3A_220, %parallel_loop3A_216 : vector<16xf32>
        %parallel_loop3A_226 = arith.maximumf %parallel_loop3A_220, %parallel_loop3A_216 : vector<16xf32>
        %parallel_loop3A_227 = arith.select %parallel_loop3A_224, %parallel_loop3A_222, %parallel_loop3A_218 : vector<16xi1>, vector<16xi32>
        %parallel_loop3A_228 = arith.select %parallel_loop3A_224, %parallel_loop3A_218, %parallel_loop3A_222 : vector<16xi1>, vector<16xi32>
        %parallel_loop3A_229 = arith.subf %parallel_loop3A_225, %parallel_loop3A_215 : vector<16xf32>
        %parallel_loop3A_230 = arith.subf %parallel_loop3A_226, %parallel_loop3A_225 : vector<16xf32>
        %parallel_loop3A_231 = arith.subf %parallel_loop3A_221, %parallel_loop3A_226 : vector<16xf32>
        %parallel_loop3A_232 = arith.constant 40 : i32
        %parallel_loop3A_233 = vector.broadcast %parallel_loop3A_232 : i32 to vector<16xi32>
        %parallel_loop3A_234 = arith.addi %parallel_loop3A_223, %parallel_loop3A_233 : vector<16xi32>
        %parallel_loop3A_235 = arith.addi %parallel_loop3A_234, %parallel_loop3A_228 : vector<16xi32>
        %parallel_loop3A_236 = arith.addi %parallel_loop3A_235, %parallel_loop3A_227 : vector<16xi32>
        %parallel_loop3A_237 = arith.addi %parallel_loop3A_236, %parallel_loop3A_217 : vector<16xi32>
        %parallel_loop3A_238 = arith.constant 32 : i32
        %parallel_loop3A_239 = vector.broadcast %parallel_loop3A_238 : i32 to vector<16xi32>
        %parallel_loop3A_240 = arith.muli %parallel_loop3A_237, %parallel_loop3A_239 : vector<16xi32>
        %parallel_loop3A_241 = arith.addi %mul3A_38, %parallel_loop3A_240 : vector<16xi32>
        %parallel_loop3A_242 = arith.constant 64 : i32
        %parallel_loop3A_243 = arith.muli %parallel_loop3A_149, %parallel_loop3A_242 : i32
        %parallel_loop3A_244 = arith.constant 0 : i32
        %parallel_loop3A_245 = arith.addi %parallel_loop3A_243, %parallel_loop3A_244 : i32
        %parallel_loop3A_246 = arith.index_cast %parallel_loop3A_245 : i32 to index
        %parallel_loop3A_247 = tpu.vector_load %arg8[%parallel_loop3A_246] {strides = array<i32>} : memref<4096xi32, #tpu.memory_space<vmem>>, vector<16xi32>,
        tpu.vector_store %arg8[%parallel_loop3A_246], %parallel_loop3A_241 {strides = array<i32>} : memref<4096xi32, #tpu.memory_space<vmem>>, vector<16xi32>,
        %parallel_loop3A_248 = arith.constant 64 : i32
        %parallel_loop3A_249 = arith.muli %parallel_loop3A_149, %parallel_loop3A_248 : i32
        %parallel_loop3A_250 = arith.constant 0 : i32
        %parallel_loop3A_251 = arith.addi %parallel_loop3A_249, %parallel_loop3A_250 : i32
        %parallel_loop3A_252 = arith.index_cast %parallel_loop3A_251 : i32 to index
        %parallel_loop3A_253 = tpu.vector_load %arg9[%parallel_loop3A_252] {strides = array<i32>} : memref<4096xf32, #tpu.memory_space<vmem>>, vector<16xf32>,
        tpu.vector_store %arg9[%parallel_loop3A_252], %parallel_loop3A_215 {strides = array<i32>} : memref<4096xf32, #tpu.memory_space<vmem>>, vector<16xf32>,
        %parallel_loop3A_254 = arith.constant 32 : i32
        %parallel_loop3A_255 = vector.broadcast %parallel_loop3A_254 : i32 to vector<16xi32>
        %parallel_loop3A_256 = arith.muli %parallel_loop3A_236, %parallel_loop3A_255 : vector<16xi32>
        %parallel_loop3A_257 = arith.addi %mul3A_38, %parallel_loop3A_256 : vector<16xi32>
        %parallel_loop3A_258 = arith.constant 64 : i32
        %parallel_loop3A_259 = arith.muli %parallel_loop3A_149, %parallel_loop3A_258 : i32
        %parallel_loop3A_260 = arith.constant 16 : i32
        %parallel_loop3A_261 = arith.addi %parallel_loop3A_259, %parallel_loop3A_260 : i32
        %parallel_loop3A_262 = arith.index_cast %parallel_loop3A_261 : i32 to index
        %parallel_loop3A_263 = tpu.vector_load %arg8[%parallel_loop3A_262] {strides = array<i32>} : memref<4096xi32, #tpu.memory_space<vmem>>, vector<16xi32>,
        tpu.vector_store %arg8[%parallel_loop3A_262], %parallel_loop3A_257 {strides = array<i32>} : memref<4096xi32, #tpu.memory_space<vmem>>, vector<16xi32>,
        %parallel_loop3A_264 = arith.constant 64 : i32
        %parallel_loop3A_265 = arith.muli %parallel_loop3A_149, %parallel_loop3A_264 : i32
        %parallel_loop3A_266 = arith.constant 16 : i32
        %parallel_loop3A_267 = arith.addi %parallel_loop3A_265, %parallel_loop3A_266 : i32
        %parallel_loop3A_268 = arith.index_cast %parallel_loop3A_267 : i32 to index
        %parallel_loop3A_269 = tpu.vector_load %arg9[%parallel_loop3A_268] {strides = array<i32>} : memref<4096xf32, #tpu.memory_space<vmem>>, vector<16xf32>,
        tpu.vector_store %arg9[%parallel_loop3A_268], %parallel_loop3A_229 {strides = array<i32>} : memref<4096xf32, #tpu.memory_space<vmem>>, vector<16xf32>,
        %parallel_loop3A_270 = arith.constant 32 : i32
        %parallel_loop3A_271 = vector.broadcast %parallel_loop3A_270 : i32 to vector<16xi32>
        %parallel_loop3A_272 = arith.muli %parallel_loop3A_235, %parallel_loop3A_271 : vector<16xi32>
        %parallel_loop3A_273 = arith.addi %mul3A_38, %parallel_loop3A_272 : vector<16xi32>
        %parallel_loop3A_274 = arith.constant 64 : i32
        %parallel_loop3A_275 = arith.muli %parallel_loop3A_149, %parallel_loop3A_274 : i32
        %parallel_loop3A_276 = arith.constant 32 : i32
        %parallel_loop3A_277 = arith.addi %parallel_loop3A_275, %parallel_loop3A_276 : i32
        %parallel_loop3A_278 = arith.index_cast %parallel_loop3A_277 : i32 to index
        %parallel_loop3A_279 = tpu.vector_load %arg8[%parallel_loop3A_278] {strides = array<i32>} : memref<4096xi32, #tpu.memory_space<vmem>>, vector<16xi32>,
        tpu.vector_store %arg8[%parallel_loop3A_278], %parallel_loop3A_273 {strides = array<i32>} : memref<4096xi32, #tpu.memory_space<vmem>>, vector<16xi32>,
        %parallel_loop3A_280 = arith.constant 64 : i32
        %parallel_loop3A_281 = arith.muli %parallel_loop3A_149, %parallel_loop3A_280 : i32
        %parallel_loop3A_282 = arith.constant 32 : i32
        %parallel_loop3A_283 = arith.addi %parallel_loop3A_281, %parallel_loop3A_282 : i32
        %parallel_loop3A_284 = arith.index_cast %parallel_loop3A_283 : i32 to index
        %parallel_loop3A_285 = tpu.vector_load %arg9[%parallel_loop3A_284] {strides = array<i32>} : memref<4096xf32, #tpu.memory_space<vmem>>, vector<16xf32>,
        tpu.vector_store %arg9[%parallel_loop3A_284], %parallel_loop3A_230 {strides = array<i32>} : memref<4096xf32, #tpu.memory_space<vmem>>, vector<16xf32>,
        %parallel_loop3A_286 = arith.constant 32 : i32
        %parallel_loop3A_287 = vector.broadcast %parallel_loop3A_286 : i32 to vector<16xi32>
        %parallel_loop3A_288 = arith.muli %parallel_loop3A_234, %parallel_loop3A_287 : vector<16xi32>
        %parallel_loop3A_289 = arith.addi %mul3A_38, %parallel_loop3A_288 : vector<16xi32>
        %parallel_loop3A_290 = arith.constant 64 : i32
        %parallel_loop3A_291 = arith.muli %parallel_loop3A_149, %parallel_loop3A_290 : i32
        %parallel_loop3A_292 = arith.constant 48 : i32
        %parallel_loop3A_293 = arith.addi %parallel_loop3A_291, %parallel_loop3A_292 : i32
        %parallel_loop3A_294 = arith.index_cast %parallel_loop3A_293 : i32 to index
        %parallel_loop3A_295 = tpu.vector_load %arg8[%parallel_loop3A_294] {strides = array<i32>} : memref<4096xi32, #tpu.memory_space<vmem>>, vector<16xi32>,
        tpu.vector_store %arg8[%parallel_loop3A_294], %parallel_loop3A_289 {strides = array<i32>} : memref<4096xi32, #tpu.memory_space<vmem>>, vector<16xi32>,
        %parallel_loop3A_296 = arith.constant 64 : i32
        %parallel_loop3A_297 = arith.muli %parallel_loop3A_149, %parallel_loop3A_296 : i32
        %parallel_loop3A_298 = arith.constant 48 : i32
        %parallel_loop3A_299 = arith.addi %parallel_loop3A_297, %parallel_loop3A_298 : i32
        %parallel_loop3A_300 = arith.index_cast %parallel_loop3A_299 : i32 to index
        %parallel_loop3A_301 = tpu.vector_load %arg9[%parallel_loop3A_300] {strides = array<i32>} : memref<4096xf32, #tpu.memory_space<vmem>>, vector<16xf32>,
        tpu.vector_store %arg9[%parallel_loop3A_300], %parallel_loop3A_231 {strides = array<i32>} : memref<4096xf32, #tpu.memory_space<vmem>>, vector<16xf32>,
      } {sc.loop_unroll_factor = 16 : i64, sc.parallel_access}
      %parallel_loop3A_134 = arith.constant 0 : i32
      %parallel_loop3A_135 = arith.constant 64 : i32
      %parallel_loop3A_136 = arith.constant 1 : i32
      scf.for %parallel_loop3A_149 = %parallel_loop3A_134 to %parallel_loop3A_135 step %parallel_loop3A_136  : i32 {
        %parallel_loop3A_150 = arith.addi %parallel_loop3A_149, %mul3A_131 : i32
        %parallel_loop3A_151 = vector.broadcast %parallel_loop3A_150 : i32 to vector<16xi32>
        %parallel_loop3A_152 = arith.constant 64 : i32
        %parallel_loop3A_153 = arith.muli %parallel_loop3A_149, %parallel_loop3A_152 : i32
        %parallel_loop3A_154 = arith.constant 0 : i32
        %parallel_loop3A_155 = arith.addi %parallel_loop3A_153, %parallel_loop3A_154 : i32
        %parallel_loop3A_156 = arith.index_cast %parallel_loop3A_155 : i32 to index
        %parallel_loop3A_157 = tpu.vector_load %arg8[%parallel_loop3A_156] {strides = array<i32>} : memref<4096xi32, #tpu.memory_space<vmem>>, vector<16xi32>,
        %parallel_loop3A_158 = arith.constant 64 : i32
        %parallel_loop3A_159 = arith.muli %parallel_loop3A_149, %parallel_loop3A_158 : i32
        %parallel_loop3A_160 = arith.constant 16 : i32
        %parallel_loop3A_161 = arith.addi %parallel_loop3A_159, %parallel_loop3A_160 : i32
        %parallel_loop3A_162 = arith.index_cast %parallel_loop3A_161 : i32 to index
        %parallel_loop3A_163 = tpu.vector_load %arg8[%parallel_loop3A_162] {strides = array<i32>} : memref<4096xi32, #tpu.memory_space<vmem>>, vector<16xi32>,
        %parallel_loop3A_164 = arith.constant 64 : i32
        %parallel_loop3A_165 = arith.muli %parallel_loop3A_149, %parallel_loop3A_164 : i32
        %parallel_loop3A_166 = arith.constant 32 : i32
        %parallel_loop3A_167 = arith.addi %parallel_loop3A_165, %parallel_loop3A_166 : i32
        %parallel_loop3A_168 = arith.index_cast %parallel_loop3A_167 : i32 to index
        %parallel_loop3A_169 = tpu.vector_load %arg8[%parallel_loop3A_168] {strides = array<i32>} : memref<4096xi32, #tpu.memory_space<vmem>>, vector<16xi32>,
        %parallel_loop3A_170 = arith.constant 64 : i32
        %parallel_loop3A_171 = arith.muli %parallel_loop3A_149, %parallel_loop3A_170 : i32
        %parallel_loop3A_172 = arith.constant 48 : i32
        %parallel_loop3A_173 = arith.addi %parallel_loop3A_171, %parallel_loop3A_172 : i32
        %parallel_loop3A_174 = arith.index_cast %parallel_loop3A_173 : i32 to index
        %parallel_loop3A_175 = tpu.vector_load %arg8[%parallel_loop3A_174] {strides = array<i32>} : memref<4096xi32, #tpu.memory_space<vmem>>, vector<16xi32>,
        %parallel_loop3A_176 = arith.constant 64 : i32
        %parallel_loop3A_177 = arith.muli %parallel_loop3A_149, %parallel_loop3A_176 : i32
        %parallel_loop3A_178 = arith.constant 0 : i32
        %parallel_loop3A_179 = arith.addi %parallel_loop3A_177, %parallel_loop3A_178 : i32
        %parallel_loop3A_180 = arith.index_cast %parallel_loop3A_179 : i32 to index
        %parallel_loop3A_181 = tpu.vector_load %arg9[%parallel_loop3A_180] {strides = array<i32>} : memref<4096xf32, #tpu.memory_space<vmem>>, vector<16xf32>,
        %parallel_loop3A_182 = arith.constant 64 : i32
        %parallel_loop3A_183 = arith.muli %parallel_loop3A_149, %parallel_loop3A_182 : i32
        %parallel_loop3A_184 = arith.constant 16 : i32
        %parallel_loop3A_185 = arith.addi %parallel_loop3A_183, %parallel_loop3A_184 : i32
        %parallel_loop3A_186 = arith.index_cast %parallel_loop3A_185 : i32 to index
        %parallel_loop3A_187 = tpu.vector_load %arg9[%parallel_loop3A_186] {strides = array<i32>} : memref<4096xf32, #tpu.memory_space<vmem>>, vector<16xf32>,
        %parallel_loop3A_188 = arith.constant 64 : i32
        %parallel_loop3A_189 = arith.muli %parallel_loop3A_149, %parallel_loop3A_188 : i32
        %parallel_loop3A_190 = arith.constant 32 : i32
        %parallel_loop3A_191 = arith.addi %parallel_loop3A_189, %parallel_loop3A_190 : i32
        %parallel_loop3A_192 = arith.index_cast %parallel_loop3A_191 : i32 to index
        %parallel_loop3A_193 = tpu.vector_load %arg9[%parallel_loop3A_192] {strides = array<i32>} : memref<4096xf32, #tpu.memory_space<vmem>>, vector<16xf32>,
        %parallel_loop3A_194 = arith.constant 64 : i32
        %parallel_loop3A_195 = arith.muli %parallel_loop3A_149, %parallel_loop3A_194 : i32
        %parallel_loop3A_196 = arith.constant 48 : i32
        %parallel_loop3A_197 = arith.addi %parallel_loop3A_195, %parallel_loop3A_196 : i32
        %parallel_loop3A_198 = arith.index_cast %parallel_loop3A_197 : i32 to index
        %parallel_loop3A_199 = tpu.vector_load %arg9[%parallel_loop3A_198] {strides = array<i32>} : memref<4096xf32, #tpu.memory_space<vmem>>, vector<16xf32>,
        %parallel_loop3A_200 = arith.constant 0 : i32
        %parallel_loop3A_201 = vector.broadcast %parallel_loop3A_200 : i32 to vector<16xi32>
        %parallel_loop3A_202 = arith.addi %parallel_loop3A_157, %parallel_loop3A_201 : vector<16xi32>
        %parallel_loop3A_203 = tpu.vector_load_idx %arg5[%parallel_loop3A_202] : memref<41488xf32, #tpu.memory_space<vmem>>[vector<16xi32>], vector<16xf32>,
        %parallel_loop3A_204 = arith.mulf %parallel_loop3A_181, %parallel_loop3A_203 : vector<16xf32>
        %parallel_loop3A_205 = arith.constant 1 : i32
        %parallel_loop3A_206 = vector.broadcast %parallel_loop3A_205 : i32 to vector<16xi32>
        %parallel_loop3A_207 = arith.addi %parallel_loop3A_157, %parallel_loop3A_206 : vector<16xi32>
        %parallel_loop3A_208 = tpu.vector_load_idx %arg5[%parallel_loop3A_207] : memref<41488xf32, #tpu.memory_space<vmem>>[vector<16xi32>], vector<16xf32>,
        %parallel_loop3A_209 = arith.mulf %parallel_loop3A_181, %parallel_loop3A_208 : vector<16xf32>
        %parallel_loop3A_210 = arith.constant 2 : i32
        %parallel_loop3A_211 = vector.broadcast %parallel_loop3A_210 : i32 to vector<16xi32>
        %parallel_loop3A_212 = arith.addi %parallel_loop3A_157, %parallel_loop3A_211 : vector<16xi32>
        %parallel_loop3A_213 = tpu.vector_load_idx %arg5[%parallel_loop3A_212] : memref<41488xf32, #tpu.memory_space<vmem>>[vector<16xi32>], vector<16xf32>,
        %parallel_loop3A_214 = arith.mulf %parallel_loop3A_181, %parallel_loop3A_213 : vector<16xf32>
        %parallel_loop3A_215 = arith.constant 3 : i32
        %parallel_loop3A_216 = vector.broadcast %parallel_loop3A_215 : i32 to vector<16xi32>
        %parallel_loop3A_217 = arith.addi %parallel_loop3A_157, %parallel_loop3A_216 : vector<16xi32>
        %parallel_loop3A_218 = tpu.vector_load_idx %arg5[%parallel_loop3A_217] : memref<41488xf32, #tpu.memory_space<vmem>>[vector<16xi32>], vector<16xf32>,
        %parallel_loop3A_219 = arith.mulf %parallel_loop3A_181, %parallel_loop3A_218 : vector<16xf32>
        %parallel_loop3A_220 = arith.constant 4 : i32
        %parallel_loop3A_221 = vector.broadcast %parallel_loop3A_220 : i32 to vector<16xi32>
        %parallel_loop3A_222 = arith.addi %parallel_loop3A_157, %parallel_loop3A_221 : vector<16xi32>
        %parallel_loop3A_223 = tpu.vector_load_idx %arg5[%parallel_loop3A_222] : memref<41488xf32, #tpu.memory_space<vmem>>[vector<16xi32>], vector<16xf32>,
        %parallel_loop3A_224 = arith.mulf %parallel_loop3A_181, %parallel_loop3A_223 : vector<16xf32>
        %parallel_loop3A_225 = arith.constant 5 : i32
        %parallel_loop3A_226 = vector.broadcast %parallel_loop3A_225 : i32 to vector<16xi32>
        %parallel_loop3A_227 = arith.addi %parallel_loop3A_157, %parallel_loop3A_226 : vector<16xi32>
        %parallel_loop3A_228 = tpu.vector_load_idx %arg5[%parallel_loop3A_227] : memref<41488xf32, #tpu.memory_space<vmem>>[vector<16xi32>], vector<16xf32>,
        %parallel_loop3A_229 = arith.mulf %parallel_loop3A_181, %parallel_loop3A_228 : vector<16xf32>
        %parallel_loop3A_230 = arith.constant 6 : i32
        %parallel_loop3A_231 = vector.broadcast %parallel_loop3A_230 : i32 to vector<16xi32>
        %parallel_loop3A_232 = arith.addi %parallel_loop3A_157, %parallel_loop3A_231 : vector<16xi32>
        %parallel_loop3A_233 = tpu.vector_load_idx %arg5[%parallel_loop3A_232] : memref<41488xf32, #tpu.memory_space<vmem>>[vector<16xi32>], vector<16xf32>,
        %parallel_loop3A_234 = arith.mulf %parallel_loop3A_181, %parallel_loop3A_233 : vector<16xf32>
        %parallel_loop3A_235 = arith.constant 7 : i32
        %parallel_loop3A_236 = vector.broadcast %parallel_loop3A_235 : i32 to vector<16xi32>
        %parallel_loop3A_237 = arith.addi %parallel_loop3A_157, %parallel_loop3A_236 : vector<16xi32>
        %parallel_loop3A_238 = tpu.vector_load_idx %arg5[%parallel_loop3A_237] : memref<41488xf32, #tpu.memory_space<vmem>>[vector<16xi32>], vector<16xf32>,
        %parallel_loop3A_239 = arith.mulf %parallel_loop3A_181, %parallel_loop3A_238 : vector<16xf32>
        %parallel_loop3A_240 = arith.constant 8 : i32
        %parallel_loop3A_241 = vector.broadcast %parallel_loop3A_240 : i32 to vector<16xi32>
        %parallel_loop3A_242 = arith.addi %parallel_loop3A_157, %parallel_loop3A_241 : vector<16xi32>
        %parallel_loop3A_243 = tpu.vector_load_idx %arg5[%parallel_loop3A_242] : memref<41488xf32, #tpu.memory_space<vmem>>[vector<16xi32>], vector<16xf32>,
        %parallel_loop3A_244 = arith.mulf %parallel_loop3A_181, %parallel_loop3A_243 : vector<16xf32>
        %parallel_loop3A_245 = arith.constant 9 : i32
        %parallel_loop3A_246 = vector.broadcast %parallel_loop3A_245 : i32 to vector<16xi32>
        %parallel_loop3A_247 = arith.addi %parallel_loop3A_157, %parallel_loop3A_246 : vector<16xi32>
        %parallel_loop3A_248 = tpu.vector_load_idx %arg5[%parallel_loop3A_247] : memref<41488xf32, #tpu.memory_space<vmem>>[vector<16xi32>], vector<16xf32>,
        %parallel_loop3A_249 = arith.mulf %parallel_loop3A_181, %parallel_loop3A_248 : vector<16xf32>
        %parallel_loop3A_250 = arith.constant 10 : i32
        %parallel_loop3A_251 = vector.broadcast %parallel_loop3A_250 : i32 to vector<16xi32>
        %parallel_loop3A_252 = arith.addi %parallel_loop3A_157, %parallel_loop3A_251 : vector<16xi32>
        %parallel_loop3A_253 = tpu.vector_load_idx %arg5[%parallel_loop3A_252] : memref<41488xf32, #tpu.memory_space<vmem>>[vector<16xi32>], vector<16xf32>,
        %parallel_loop3A_254 = arith.mulf %parallel_loop3A_181, %parallel_loop3A_253 : vector<16xf32>
        %parallel_loop3A_255 = arith.constant 11 : i32
        %parallel_loop3A_256 = vector.broadcast %parallel_loop3A_255 : i32 to vector<16xi32>
        %parallel_loop3A_257 = arith.addi %parallel_loop3A_157, %parallel_loop3A_256 : vector<16xi32>
        %parallel_loop3A_258 = tpu.vector_load_idx %arg5[%parallel_loop3A_257] : memref<41488xf32, #tpu.memory_space<vmem>>[vector<16xi32>], vector<16xf32>,
        %parallel_loop3A_259 = arith.mulf %parallel_loop3A_181, %parallel_loop3A_258 : vector<16xf32>
        %parallel_loop3A_260 = arith.constant 12 : i32
        %parallel_loop3A_261 = vector.broadcast %parallel_loop3A_260 : i32 to vector<16xi32>
        %parallel_loop3A_262 = arith.addi %parallel_loop3A_157, %parallel_loop3A_261 : vector<16xi32>
        %parallel_loop3A_263 = tpu.vector_load_idx %arg5[%parallel_loop3A_262] : memref<41488xf32, #tpu.memory_space<vmem>>[vector<16xi32>], vector<16xf32>,
        %parallel_loop3A_264 = arith.mulf %parallel_loop3A_181, %parallel_loop3A_263 : vector<16xf32>
        %parallel_loop3A_265 = arith.constant 13 : i32
        %parallel_loop3A_266 = vector.broadcast %parallel_loop3A_265 : i32 to vector<16xi32>
        %parallel_loop3A_267 = arith.addi %parallel_loop3A_157, %parallel_loop3A_266 : vector<16xi32>
        %parallel_loop3A_268 = tpu.vector_load_idx %arg5[%parallel_loop3A_267] : memref<41488xf32, #tpu.memory_space<vmem>>[vector<16xi32>], vector<16xf32>,
        %parallel_loop3A_269 = arith.mulf %parallel_loop3A_181, %parallel_loop3A_268 : vector<16xf32>
        %parallel_loop3A_270 = arith.constant 14 : i32
        %parallel_loop3A_271 = vector.broadcast %parallel_loop3A_270 : i32 to vector<16xi32>
        %parallel_loop3A_272 = arith.addi %parallel_loop3A_157, %parallel_loop3A_271 : vector<16xi32>
        %parallel_loop3A_273 = tpu.vector_load_idx %arg5[%parallel_loop3A_272] : memref<41488xf32, #tpu.memory_space<vmem>>[vector<16xi32>], vector<16xf32>,
        %parallel_loop3A_274 = arith.mulf %parallel_loop3A_181, %parallel_loop3A_273 : vector<16xf32>
        %parallel_loop3A_275 = arith.constant 15 : i32
        %parallel_loop3A_276 = vector.broadcast %parallel_loop3A_275 : i32 to vector<16xi32>
        %parallel_loop3A_277 = arith.addi %parallel_loop3A_157, %parallel_loop3A_276 : vector<16xi32>
        %parallel_loop3A_278 = tpu.vector_load_idx %arg5[%parallel_loop3A_277] : memref<41488xf32, #tpu.memory_space<vmem>>[vector<16xi32>], vector<16xf32>,
        %parallel_loop3A_279 = arith.mulf %parallel_loop3A_181, %parallel_loop3A_278 : vector<16xf32>
        %parallel_loop3A_280 = arith.constant 0 : i32
        %parallel_loop3A_281 = vector.broadcast %parallel_loop3A_280 : i32 to vector<16xi32>
        %parallel_loop3A_282 = arith.addi %parallel_loop3A_163, %parallel_loop3A_281 : vector<16xi32>
        %parallel_loop3A_283 = tpu.vector_load_idx %arg5[%parallel_loop3A_282] : memref<41488xf32, #tpu.memory_space<vmem>>[vector<16xi32>], vector<16xf32>,
        %parallel_loop3A_284 = arith.mulf %parallel_loop3A_187, %parallel_loop3A_283 : vector<16xf32>
        %parallel_loop3A_285 = arith.addf %parallel_loop3A_204, %parallel_loop3A_284 : vector<16xf32>
        %parallel_loop3A_286 = arith.constant 1 : i32
        %parallel_loop3A_287 = vector.broadcast %parallel_loop3A_286 : i32 to vector<16xi32>
        %parallel_loop3A_288 = arith.addi %parallel_loop3A_163, %parallel_loop3A_287 : vector<16xi32>
        %parallel_loop3A_289 = tpu.vector_load_idx %arg5[%parallel_loop3A_288] : memref<41488xf32, #tpu.memory_space<vmem>>[vector<16xi32>], vector<16xf32>,
        %parallel_loop3A_290 = arith.mulf %parallel_loop3A_187, %parallel_loop3A_289 : vector<16xf32>
        %parallel_loop3A_291 = arith.addf %parallel_loop3A_209, %parallel_loop3A_290 : vector<16xf32>
        %parallel_loop3A_292 = arith.constant 2 : i32
        %parallel_loop3A_293 = vector.broadcast %parallel_loop3A_292 : i32 to vector<16xi32>
        %parallel_loop3A_294 = arith.addi %parallel_loop3A_163, %parallel_loop3A_293 : vector<16xi32>
        %parallel_loop3A_295 = tpu.vector_load_idx %arg5[%parallel_loop3A_294] : memref<41488xf32, #tpu.memory_space<vmem>>[vector<16xi32>], vector<16xf32>,
        %parallel_loop3A_296 = arith.mulf %parallel_loop3A_187, %parallel_loop3A_295 : vector<16xf32>
        %parallel_loop3A_297 = arith.addf %parallel_loop3A_214, %parallel_loop3A_296 : vector<16xf32>
        %parallel_loop3A_298 = arith.constant 3 : i32
        %parallel_loop3A_299 = vector.broadcast %parallel_loop3A_298 : i32 to vector<16xi32>
        %parallel_loop3A_300 = arith.addi %parallel_loop3A_163, %parallel_loop3A_299 : vector<16xi32>
        %parallel_loop3A_301 = tpu.vector_load_idx %arg5[%parallel_loop3A_300] : memref<41488xf32, #tpu.memory_space<vmem>>[vector<16xi32>], vector<16xf32>,
        %parallel_loop3A_302 = arith.mulf %parallel_loop3A_187, %parallel_loop3A_301 : vector<16xf32>
        %parallel_loop3A_303 = arith.addf %parallel_loop3A_219, %parallel_loop3A_302 : vector<16xf32>
        %parallel_loop3A_304 = arith.constant 4 : i32
        %parallel_loop3A_305 = vector.broadcast %parallel_loop3A_304 : i32 to vector<16xi32>
        %parallel_loop3A_306 = arith.addi %parallel_loop3A_163, %parallel_loop3A_305 : vector<16xi32>
        %parallel_loop3A_307 = tpu.vector_load_idx %arg5[%parallel_loop3A_306] : memref<41488xf32, #tpu.memory_space<vmem>>[vector<16xi32>], vector<16xf32>,
        %parallel_loop3A_308 = arith.mulf %parallel_loop3A_187, %parallel_loop3A_307 : vector<16xf32>
        %parallel_loop3A_309 = arith.addf %parallel_loop3A_224, %parallel_loop3A_308 : vector<16xf32>
        %parallel_loop3A_310 = arith.constant 5 : i32
        %parallel_loop3A_311 = vector.broadcast %parallel_loop3A_310 : i32 to vector<16xi32>
        %parallel_loop3A_312 = arith.addi %parallel_loop3A_163, %parallel_loop3A_311 : vector<16xi32>
        %parallel_loop3A_313 = tpu.vector_load_idx %arg5[%parallel_loop3A_312] : memref<41488xf32, #tpu.memory_space<vmem>>[vector<16xi32>], vector<16xf32>,
        %parallel_loop3A_314 = arith.mulf %parallel_loop3A_187, %parallel_loop3A_313 : vector<16xf32>
        %parallel_loop3A_315 = arith.addf %parallel_loop3A_229, %parallel_loop3A_314 : vector<16xf32>
        %parallel_loop3A_316 = arith.constant 6 : i32
        %parallel_loop3A_317 = vector.broadcast %parallel_loop3A_316 : i32 to vector<16xi32>
        %parallel_loop3A_318 = arith.addi %parallel_loop3A_163, %parallel_loop3A_317 : vector<16xi32>
        %parallel_loop3A_319 = tpu.vector_load_idx %arg5[%parallel_loop3A_318] : memref<41488xf32, #tpu.memory_space<vmem>>[vector<16xi32>], vector<16xf32>,
        %parallel_loop3A_320 = arith.mulf %parallel_loop3A_187, %parallel_loop3A_319 : vector<16xf32>
        %parallel_loop3A_321 = arith.addf %parallel_loop3A_234, %parallel_loop3A_320 : vector<16xf32>
        %parallel_loop3A_322 = arith.constant 7 : i32
        %parallel_loop3A_323 = vector.broadcast %parallel_loop3A_322 : i32 to vector<16xi32>
        %parallel_loop3A_324 = arith.addi %parallel_loop3A_163, %parallel_loop3A_323 : vector<16xi32>
        %parallel_loop3A_325 = tpu.vector_load_idx %arg5[%parallel_loop3A_324] : memref<41488xf32, #tpu.memory_space<vmem>>[vector<16xi32>], vector<16xf32>,
        %parallel_loop3A_326 = arith.mulf %parallel_loop3A_187, %parallel_loop3A_325 : vector<16xf32>
        %parallel_loop3A_327 = arith.addf %parallel_loop3A_239, %parallel_loop3A_326 : vector<16xf32>
        %parallel_loop3A_328 = arith.constant 8 : i32
        %parallel_loop3A_329 = vector.broadcast %parallel_loop3A_328 : i32 to vector<16xi32>
        %parallel_loop3A_330 = arith.addi %parallel_loop3A_163, %parallel_loop3A_329 : vector<16xi32>
        %parallel_loop3A_331 = tpu.vector_load_idx %arg5[%parallel_loop3A_330] : memref<41488xf32, #tpu.memory_space<vmem>>[vector<16xi32>], vector<16xf32>,
        %parallel_loop3A_332 = arith.mulf %parallel_loop3A_187, %parallel_loop3A_331 : vector<16xf32>
        %parallel_loop3A_333 = arith.addf %parallel_loop3A_244, %parallel_loop3A_332 : vector<16xf32>
        %parallel_loop3A_334 = arith.constant 9 : i32
        %parallel_loop3A_335 = vector.broadcast %parallel_loop3A_334 : i32 to vector<16xi32>
        %parallel_loop3A_336 = arith.addi %parallel_loop3A_163, %parallel_loop3A_335 : vector<16xi32>
        %parallel_loop3A_337 = tpu.vector_load_idx %arg5[%parallel_loop3A_336] : memref<41488xf32, #tpu.memory_space<vmem>>[vector<16xi32>], vector<16xf32>,
        %parallel_loop3A_338 = arith.mulf %parallel_loop3A_187, %parallel_loop3A_337 : vector<16xf32>
        %parallel_loop3A_339 = arith.addf %parallel_loop3A_249, %parallel_loop3A_338 : vector<16xf32>
        %parallel_loop3A_340 = arith.constant 10 : i32
        %parallel_loop3A_341 = vector.broadcast %parallel_loop3A_340 : i32 to vector<16xi32>
        %parallel_loop3A_342 = arith.addi %parallel_loop3A_163, %parallel_loop3A_341 : vector<16xi32>
        %parallel_loop3A_343 = tpu.vector_load_idx %arg5[%parallel_loop3A_342] : memref<41488xf32, #tpu.memory_space<vmem>>[vector<16xi32>], vector<16xf32>,
        %parallel_loop3A_344 = arith.mulf %parallel_loop3A_187, %parallel_loop3A_343 : vector<16xf32>
        %parallel_loop3A_345 = arith.addf %parallel_loop3A_254, %parallel_loop3A_344 : vector<16xf32>
        %parallel_loop3A_346 = arith.constant 11 : i32
        %parallel_loop3A_347 = vector.broadcast %parallel_loop3A_346 : i32 to vector<16xi32>
        %parallel_loop3A_348 = arith.addi %parallel_loop3A_163, %parallel_loop3A_347 : vector<16xi32>
        %parallel_loop3A_349 = tpu.vector_load_idx %arg5[%parallel_loop3A_348] : memref<41488xf32, #tpu.memory_space<vmem>>[vector<16xi32>], vector<16xf32>,
        %parallel_loop3A_350 = arith.mulf %parallel_loop3A_187, %parallel_loop3A_349 : vector<16xf32>
        %parallel_loop3A_351 = arith.addf %parallel_loop3A_259, %parallel_loop3A_350 : vector<16xf32>
        %parallel_loop3A_352 = arith.constant 12 : i32
        %parallel_loop3A_353 = vector.broadcast %parallel_loop3A_352 : i32 to vector<16xi32>
        %parallel_loop3A_354 = arith.addi %parallel_loop3A_163, %parallel_loop3A_353 : vector<16xi32>
        %parallel_loop3A_355 = tpu.vector_load_idx %arg5[%parallel_loop3A_354] : memref<41488xf32, #tpu.memory_space<vmem>>[vector<16xi32>], vector<16xf32>,
        %parallel_loop3A_356 = arith.mulf %parallel_loop3A_187, %parallel_loop3A_355 : vector<16xf32>
        %parallel_loop3A_357 = arith.addf %parallel_loop3A_264, %parallel_loop3A_356 : vector<16xf32>
        %parallel_loop3A_358 = arith.constant 13 : i32
        %parallel_loop3A_359 = vector.broadcast %parallel_loop3A_358 : i32 to vector<16xi32>
        %parallel_loop3A_360 = arith.addi %parallel_loop3A_163, %parallel_loop3A_359 : vector<16xi32>
        %parallel_loop3A_361 = tpu.vector_load_idx %arg5[%parallel_loop3A_360] : memref<41488xf32, #tpu.memory_space<vmem>>[vector<16xi32>], vector<16xf32>,
        %parallel_loop3A_362 = arith.mulf %parallel_loop3A_187, %parallel_loop3A_361 : vector<16xf32>
        %parallel_loop3A_363 = arith.addf %parallel_loop3A_269, %parallel_loop3A_362 : vector<16xf32>
        %parallel_loop3A_364 = arith.constant 14 : i32
        %parallel_loop3A_365 = vector.broadcast %parallel_loop3A_364 : i32 to vector<16xi32>
        %parallel_loop3A_366 = arith.addi %parallel_loop3A_163, %parallel_loop3A_365 : vector<16xi32>
        %parallel_loop3A_367 = tpu.vector_load_idx %arg5[%parallel_loop3A_366] : memref<41488xf32, #tpu.memory_space<vmem>>[vector<16xi32>], vector<16xf32>,
        %parallel_loop3A_368 = arith.mulf %parallel_loop3A_187, %parallel_loop3A_367 : vector<16xf32>
        %parallel_loop3A_369 = arith.addf %parallel_loop3A_274, %parallel_loop3A_368 : vector<16xf32>
        %parallel_loop3A_370 = arith.constant 15 : i32
        %parallel_loop3A_371 = vector.broadcast %parallel_loop3A_370 : i32 to vector<16xi32>
        %parallel_loop3A_372 = arith.addi %parallel_loop3A_163, %parallel_loop3A_371 : vector<16xi32>
        %parallel_loop3A_373 = tpu.vector_load_idx %arg5[%parallel_loop3A_372] : memref<41488xf32, #tpu.memory_space<vmem>>[vector<16xi32>], vector<16xf32>,
        %parallel_loop3A_374 = arith.mulf %parallel_loop3A_187, %parallel_loop3A_373 : vector<16xf32>
        %parallel_loop3A_375 = arith.addf %parallel_loop3A_279, %parallel_loop3A_374 : vector<16xf32>
        %parallel_loop3A_376 = arith.constant 0 : i32
        %parallel_loop3A_377 = vector.broadcast %parallel_loop3A_376 : i32 to vector<16xi32>
        %parallel_loop3A_378 = arith.addi %parallel_loop3A_169, %parallel_loop3A_377 : vector<16xi32>
        %parallel_loop3A_379 = tpu.vector_load_idx %arg5[%parallel_loop3A_378] : memref<41488xf32, #tpu.memory_space<vmem>>[vector<16xi32>], vector<16xf32>,
        %parallel_loop3A_380 = arith.mulf %parallel_loop3A_193, %parallel_loop3A_379 : vector<16xf32>
        %parallel_loop3A_381 = arith.addf %parallel_loop3A_285, %parallel_loop3A_380 : vector<16xf32>
        %parallel_loop3A_382 = arith.constant 1 : i32
        %parallel_loop3A_383 = vector.broadcast %parallel_loop3A_382 : i32 to vector<16xi32>
        %parallel_loop3A_384 = arith.addi %parallel_loop3A_169, %parallel_loop3A_383 : vector<16xi32>
        %parallel_loop3A_385 = tpu.vector_load_idx %arg5[%parallel_loop3A_384] : memref<41488xf32, #tpu.memory_space<vmem>>[vector<16xi32>], vector<16xf32>,
        %parallel_loop3A_386 = arith.mulf %parallel_loop3A_193, %parallel_loop3A_385 : vector<16xf32>
        %parallel_loop3A_387 = arith.addf %parallel_loop3A_291, %parallel_loop3A_386 : vector<16xf32>
        %parallel_loop3A_388 = arith.constant 2 : i32
        %parallel_loop3A_389 = vector.broadcast %parallel_loop3A_388 : i32 to vector<16xi32>
        %parallel_loop3A_390 = arith.addi %parallel_loop3A_169, %parallel_loop3A_389 : vector<16xi32>
        %parallel_loop3A_391 = tpu.vector_load_idx %arg5[%parallel_loop3A_390] : memref<41488xf32, #tpu.memory_space<vmem>>[vector<16xi32>], vector<16xf32>,
        %parallel_loop3A_392 = arith.mulf %parallel_loop3A_193, %parallel_loop3A_391 : vector<16xf32>
        %parallel_loop3A_393 = arith.addf %parallel_loop3A_297, %parallel_loop3A_392 : vector<16xf32>
        %parallel_loop3A_394 = arith.constant 3 : i32
        %parallel_loop3A_395 = vector.broadcast %parallel_loop3A_394 : i32 to vector<16xi32>
        %parallel_loop3A_396 = arith.addi %parallel_loop3A_169, %parallel_loop3A_395 : vector<16xi32>
        %parallel_loop3A_397 = tpu.vector_load_idx %arg5[%parallel_loop3A_396] : memref<41488xf32, #tpu.memory_space<vmem>>[vector<16xi32>], vector<16xf32>,
        %parallel_loop3A_398 = arith.mulf %parallel_loop3A_193, %parallel_loop3A_397 : vector<16xf32>
        %parallel_loop3A_399 = arith.addf %parallel_loop3A_303, %parallel_loop3A_398 : vector<16xf32>
        %parallel_loop3A_400 = arith.constant 4 : i32
        %parallel_loop3A_401 = vector.broadcast %parallel_loop3A_400 : i32 to vector<16xi32>
        %parallel_loop3A_402 = arith.addi %parallel_loop3A_169, %parallel_loop3A_401 : vector<16xi32>
        %parallel_loop3A_403 = tpu.vector_load_idx %arg5[%parallel_loop3A_402] : memref<41488xf32, #tpu.memory_space<vmem>>[vector<16xi32>], vector<16xf32>,
        %parallel_loop3A_404 = arith.mulf %parallel_loop3A_193, %parallel_loop3A_403 : vector<16xf32>
        %parallel_loop3A_405 = arith.addf %parallel_loop3A_309, %parallel_loop3A_404 : vector<16xf32>
        %parallel_loop3A_406 = arith.constant 5 : i32
        %parallel_loop3A_407 = vector.broadcast %parallel_loop3A_406 : i32 to vector<16xi32>
        %parallel_loop3A_408 = arith.addi %parallel_loop3A_169, %parallel_loop3A_407 : vector<16xi32>
        %parallel_loop3A_409 = tpu.vector_load_idx %arg5[%parallel_loop3A_408] : memref<41488xf32, #tpu.memory_space<vmem>>[vector<16xi32>], vector<16xf32>,
        %parallel_loop3A_410 = arith.mulf %parallel_loop3A_193, %parallel_loop3A_409 : vector<16xf32>
        %parallel_loop3A_411 = arith.addf %parallel_loop3A_315, %parallel_loop3A_410 : vector<16xf32>
        %parallel_loop3A_412 = arith.constant 6 : i32
        %parallel_loop3A_413 = vector.broadcast %parallel_loop3A_412 : i32 to vector<16xi32>
        %parallel_loop3A_414 = arith.addi %parallel_loop3A_169, %parallel_loop3A_413 : vector<16xi32>
        %parallel_loop3A_415 = tpu.vector_load_idx %arg5[%parallel_loop3A_414] : memref<41488xf32, #tpu.memory_space<vmem>>[vector<16xi32>], vector<16xf32>,
        %parallel_loop3A_416 = arith.mulf %parallel_loop3A_193, %parallel_loop3A_415 : vector<16xf32>
        %parallel_loop3A_417 = arith.addf %parallel_loop3A_321, %parallel_loop3A_416 : vector<16xf32>
        %parallel_loop3A_418 = arith.constant 7 : i32
        %parallel_loop3A_419 = vector.broadcast %parallel_loop3A_418 : i32 to vector<16xi32>
        %parallel_loop3A_420 = arith.addi %parallel_loop3A_169, %parallel_loop3A_419 : vector<16xi32>
        %parallel_loop3A_421 = tpu.vector_load_idx %arg5[%parallel_loop3A_420] : memref<41488xf32, #tpu.memory_space<vmem>>[vector<16xi32>], vector<16xf32>,
        %parallel_loop3A_422 = arith.mulf %parallel_loop3A_193, %parallel_loop3A_421 : vector<16xf32>
        %parallel_loop3A_423 = arith.addf %parallel_loop3A_327, %parallel_loop3A_422 : vector<16xf32>
        %parallel_loop3A_424 = arith.constant 8 : i32
        %parallel_loop3A_425 = vector.broadcast %parallel_loop3A_424 : i32 to vector<16xi32>
        %parallel_loop3A_426 = arith.addi %parallel_loop3A_169, %parallel_loop3A_425 : vector<16xi32>
        %parallel_loop3A_427 = tpu.vector_load_idx %arg5[%parallel_loop3A_426] : memref<41488xf32, #tpu.memory_space<vmem>>[vector<16xi32>], vector<16xf32>,
        %parallel_loop3A_428 = arith.mulf %parallel_loop3A_193, %parallel_loop3A_427 : vector<16xf32>
        %parallel_loop3A_429 = arith.addf %parallel_loop3A_333, %parallel_loop3A_428 : vector<16xf32>
        %parallel_loop3A_430 = arith.constant 9 : i32
        %parallel_loop3A_431 = vector.broadcast %parallel_loop3A_430 : i32 to vector<16xi32>
        %parallel_loop3A_432 = arith.addi %parallel_loop3A_169, %parallel_loop3A_431 : vector<16xi32>
        %parallel_loop3A_433 = tpu.vector_load_idx %arg5[%parallel_loop3A_432] : memref<41488xf32, #tpu.memory_space<vmem>>[vector<16xi32>], vector<16xf32>,
        %parallel_loop3A_434 = arith.mulf %parallel_loop3A_193, %parallel_loop3A_433 : vector<16xf32>
        %parallel_loop3A_435 = arith.addf %parallel_loop3A_339, %parallel_loop3A_434 : vector<16xf32>
        %parallel_loop3A_436 = arith.constant 10 : i32
        %parallel_loop3A_437 = vector.broadcast %parallel_loop3A_436 : i32 to vector<16xi32>
        %parallel_loop3A_438 = arith.addi %parallel_loop3A_169, %parallel_loop3A_437 : vector<16xi32>
        %parallel_loop3A_439 = tpu.vector_load_idx %arg5[%parallel_loop3A_438] : memref<41488xf32, #tpu.memory_space<vmem>>[vector<16xi32>], vector<16xf32>,
        %parallel_loop3A_440 = arith.mulf %parallel_loop3A_193, %parallel_loop3A_439 : vector<16xf32>
        %parallel_loop3A_441 = arith.addf %parallel_loop3A_345, %parallel_loop3A_440 : vector<16xf32>
        %parallel_loop3A_442 = arith.constant 11 : i32
        %parallel_loop3A_443 = vector.broadcast %parallel_loop3A_442 : i32 to vector<16xi32>
        %parallel_loop3A_444 = arith.addi %parallel_loop3A_169, %parallel_loop3A_443 : vector<16xi32>
        %parallel_loop3A_445 = tpu.vector_load_idx %arg5[%parallel_loop3A_444] : memref<41488xf32, #tpu.memory_space<vmem>>[vector<16xi32>], vector<16xf32>,
        %parallel_loop3A_446 = arith.mulf %parallel_loop3A_193, %parallel_loop3A_445 : vector<16xf32>
        %parallel_loop3A_447 = arith.addf %parallel_loop3A_351, %parallel_loop3A_446 : vector<16xf32>
        %parallel_loop3A_448 = arith.constant 12 : i32
        %parallel_loop3A_449 = vector.broadcast %parallel_loop3A_448 : i32 to vector<16xi32>
        %parallel_loop3A_450 = arith.addi %parallel_loop3A_169, %parallel_loop3A_449 : vector<16xi32>
        %parallel_loop3A_451 = tpu.vector_load_idx %arg5[%parallel_loop3A_450] : memref<41488xf32, #tpu.memory_space<vmem>>[vector<16xi32>], vector<16xf32>,
        %parallel_loop3A_452 = arith.mulf %parallel_loop3A_193, %parallel_loop3A_451 : vector<16xf32>
        %parallel_loop3A_453 = arith.addf %parallel_loop3A_357, %parallel_loop3A_452 : vector<16xf32>
        %parallel_loop3A_454 = arith.constant 13 : i32
        %parallel_loop3A_455 = vector.broadcast %parallel_loop3A_454 : i32 to vector<16xi32>
        %parallel_loop3A_456 = arith.addi %parallel_loop3A_169, %parallel_loop3A_455 : vector<16xi32>
        %parallel_loop3A_457 = tpu.vector_load_idx %arg5[%parallel_loop3A_456] : memref<41488xf32, #tpu.memory_space<vmem>>[vector<16xi32>], vector<16xf32>,
        %parallel_loop3A_458 = arith.mulf %parallel_loop3A_193, %parallel_loop3A_457 : vector<16xf32>
        %parallel_loop3A_459 = arith.addf %parallel_loop3A_363, %parallel_loop3A_458 : vector<16xf32>
        %parallel_loop3A_460 = arith.constant 14 : i32
        %parallel_loop3A_461 = vector.broadcast %parallel_loop3A_460 : i32 to vector<16xi32>
        %parallel_loop3A_462 = arith.addi %parallel_loop3A_169, %parallel_loop3A_461 : vector<16xi32>
        %parallel_loop3A_463 = tpu.vector_load_idx %arg5[%parallel_loop3A_462] : memref<41488xf32, #tpu.memory_space<vmem>>[vector<16xi32>], vector<16xf32>,
        %parallel_loop3A_464 = arith.mulf %parallel_loop3A_193, %parallel_loop3A_463 : vector<16xf32>
        %parallel_loop3A_465 = arith.addf %parallel_loop3A_369, %parallel_loop3A_464 : vector<16xf32>
        %parallel_loop3A_466 = arith.constant 15 : i32
        %parallel_loop3A_467 = vector.broadcast %parallel_loop3A_466 : i32 to vector<16xi32>
        %parallel_loop3A_468 = arith.addi %parallel_loop3A_169, %parallel_loop3A_467 : vector<16xi32>
        %parallel_loop3A_469 = tpu.vector_load_idx %arg5[%parallel_loop3A_468] : memref<41488xf32, #tpu.memory_space<vmem>>[vector<16xi32>], vector<16xf32>,
        %parallel_loop3A_470 = arith.mulf %parallel_loop3A_193, %parallel_loop3A_469 : vector<16xf32>
        %parallel_loop3A_471 = arith.addf %parallel_loop3A_375, %parallel_loop3A_470 : vector<16xf32>
        %parallel_loop3A_472 = arith.constant 0 : i32
        %parallel_loop3A_473 = vector.broadcast %parallel_loop3A_472 : i32 to vector<16xi32>
        %parallel_loop3A_474 = arith.addi %parallel_loop3A_175, %parallel_loop3A_473 : vector<16xi32>
        %parallel_loop3A_475 = tpu.vector_load_idx %arg5[%parallel_loop3A_474] : memref<41488xf32, #tpu.memory_space<vmem>>[vector<16xi32>], vector<16xf32>,
        %parallel_loop3A_476 = arith.mulf %parallel_loop3A_199, %parallel_loop3A_475 : vector<16xf32>
        %parallel_loop3A_477 = arith.addf %parallel_loop3A_381, %parallel_loop3A_476 : vector<16xf32>
        %parallel_loop3A_478 = arith.constant 1 : i32
        %parallel_loop3A_479 = vector.broadcast %parallel_loop3A_478 : i32 to vector<16xi32>
        %parallel_loop3A_480 = arith.addi %parallel_loop3A_175, %parallel_loop3A_479 : vector<16xi32>
        %parallel_loop3A_481 = tpu.vector_load_idx %arg5[%parallel_loop3A_480] : memref<41488xf32, #tpu.memory_space<vmem>>[vector<16xi32>], vector<16xf32>,
        %parallel_loop3A_482 = arith.mulf %parallel_loop3A_199, %parallel_loop3A_481 : vector<16xf32>
        %parallel_loop3A_483 = arith.addf %parallel_loop3A_387, %parallel_loop3A_482 : vector<16xf32>
        %parallel_loop3A_484 = arith.constant 2 : i32
        %parallel_loop3A_485 = vector.broadcast %parallel_loop3A_484 : i32 to vector<16xi32>
        %parallel_loop3A_486 = arith.addi %parallel_loop3A_175, %parallel_loop3A_485 : vector<16xi32>
        %parallel_loop3A_487 = tpu.vector_load_idx %arg5[%parallel_loop3A_486] : memref<41488xf32, #tpu.memory_space<vmem>>[vector<16xi32>], vector<16xf32>,
        %parallel_loop3A_488 = arith.mulf %parallel_loop3A_199, %parallel_loop3A_487 : vector<16xf32>
        %parallel_loop3A_489 = arith.addf %parallel_loop3A_393, %parallel_loop3A_488 : vector<16xf32>
        %parallel_loop3A_490 = arith.constant 3 : i32
        %parallel_loop3A_491 = vector.broadcast %parallel_loop3A_490 : i32 to vector<16xi32>
        %parallel_loop3A_492 = arith.addi %parallel_loop3A_175, %parallel_loop3A_491 : vector<16xi32>
        %parallel_loop3A_493 = tpu.vector_load_idx %arg5[%parallel_loop3A_492] : memref<41488xf32, #tpu.memory_space<vmem>>[vector<16xi32>], vector<16xf32>,
        %parallel_loop3A_494 = arith.mulf %parallel_loop3A_199, %parallel_loop3A_493 : vector<16xf32>
        %parallel_loop3A_495 = arith.addf %parallel_loop3A_399, %parallel_loop3A_494 : vector<16xf32>
        %parallel_loop3A_496 = arith.constant 4 : i32
        %parallel_loop3A_497 = vector.broadcast %parallel_loop3A_496 : i32 to vector<16xi32>
        %parallel_loop3A_498 = arith.addi %parallel_loop3A_175, %parallel_loop3A_497 : vector<16xi32>
        %parallel_loop3A_499 = tpu.vector_load_idx %arg5[%parallel_loop3A_498] : memref<41488xf32, #tpu.memory_space<vmem>>[vector<16xi32>], vector<16xf32>,
        %parallel_loop3A_500 = arith.mulf %parallel_loop3A_199, %parallel_loop3A_499 : vector<16xf32>
        %parallel_loop3A_501 = arith.addf %parallel_loop3A_405, %parallel_loop3A_500 : vector<16xf32>
        %parallel_loop3A_502 = arith.constant 5 : i32
        %parallel_loop3A_503 = vector.broadcast %parallel_loop3A_502 : i32 to vector<16xi32>
        %parallel_loop3A_504 = arith.addi %parallel_loop3A_175, %parallel_loop3A_503 : vector<16xi32>
        %parallel_loop3A_505 = tpu.vector_load_idx %arg5[%parallel_loop3A_504] : memref<41488xf32, #tpu.memory_space<vmem>>[vector<16xi32>], vector<16xf32>,
        %parallel_loop3A_506 = arith.mulf %parallel_loop3A_199, %parallel_loop3A_505 : vector<16xf32>
        %parallel_loop3A_507 = arith.addf %parallel_loop3A_411, %parallel_loop3A_506 : vector<16xf32>
        %parallel_loop3A_508 = arith.constant 6 : i32
        %parallel_loop3A_509 = vector.broadcast %parallel_loop3A_508 : i32 to vector<16xi32>
        %parallel_loop3A_510 = arith.addi %parallel_loop3A_175, %parallel_loop3A_509 : vector<16xi32>
        %parallel_loop3A_511 = tpu.vector_load_idx %arg5[%parallel_loop3A_510] : memref<41488xf32, #tpu.memory_space<vmem>>[vector<16xi32>], vector<16xf32>,
        %parallel_loop3A_512 = arith.mulf %parallel_loop3A_199, %parallel_loop3A_511 : vector<16xf32>
        %parallel_loop3A_513 = arith.addf %parallel_loop3A_417, %parallel_loop3A_512 : vector<16xf32>
        %parallel_loop3A_514 = arith.constant 7 : i32
        %parallel_loop3A_515 = vector.broadcast %parallel_loop3A_514 : i32 to vector<16xi32>
        %parallel_loop3A_516 = arith.addi %parallel_loop3A_175, %parallel_loop3A_515 : vector<16xi32>
        %parallel_loop3A_517 = tpu.vector_load_idx %arg5[%parallel_loop3A_516] : memref<41488xf32, #tpu.memory_space<vmem>>[vector<16xi32>], vector<16xf32>,
        %parallel_loop3A_518 = arith.mulf %parallel_loop3A_199, %parallel_loop3A_517 : vector<16xf32>
        %parallel_loop3A_519 = arith.addf %parallel_loop3A_423, %parallel_loop3A_518 : vector<16xf32>
        %parallel_loop3A_520 = arith.constant 8 : i32
        %parallel_loop3A_521 = vector.broadcast %parallel_loop3A_520 : i32 to vector<16xi32>
        %parallel_loop3A_522 = arith.addi %parallel_loop3A_175, %parallel_loop3A_521 : vector<16xi32>
        %parallel_loop3A_523 = tpu.vector_load_idx %arg5[%parallel_loop3A_522] : memref<41488xf32, #tpu.memory_space<vmem>>[vector<16xi32>], vector<16xf32>,
        %parallel_loop3A_524 = arith.mulf %parallel_loop3A_199, %parallel_loop3A_523 : vector<16xf32>
        %parallel_loop3A_525 = arith.addf %parallel_loop3A_429, %parallel_loop3A_524 : vector<16xf32>
        %parallel_loop3A_526 = arith.constant 9 : i32
        %parallel_loop3A_527 = vector.broadcast %parallel_loop3A_526 : i32 to vector<16xi32>
        %parallel_loop3A_528 = arith.addi %parallel_loop3A_175, %parallel_loop3A_527 : vector<16xi32>
        %parallel_loop3A_529 = tpu.vector_load_idx %arg5[%parallel_loop3A_528] : memref<41488xf32, #tpu.memory_space<vmem>>[vector<16xi32>], vector<16xf32>,
        %parallel_loop3A_530 = arith.mulf %parallel_loop3A_199, %parallel_loop3A_529 : vector<16xf32>
        %parallel_loop3A_531 = arith.addf %parallel_loop3A_435, %parallel_loop3A_530 : vector<16xf32>
        %parallel_loop3A_532 = arith.constant 10 : i32
        %parallel_loop3A_533 = vector.broadcast %parallel_loop3A_532 : i32 to vector<16xi32>
        %parallel_loop3A_534 = arith.addi %parallel_loop3A_175, %parallel_loop3A_533 : vector<16xi32>
        %parallel_loop3A_535 = tpu.vector_load_idx %arg5[%parallel_loop3A_534] : memref<41488xf32, #tpu.memory_space<vmem>>[vector<16xi32>], vector<16xf32>,
        %parallel_loop3A_536 = arith.mulf %parallel_loop3A_199, %parallel_loop3A_535 : vector<16xf32>
        %parallel_loop3A_537 = arith.addf %parallel_loop3A_441, %parallel_loop3A_536 : vector<16xf32>
        %parallel_loop3A_538 = arith.constant 11 : i32
        %parallel_loop3A_539 = vector.broadcast %parallel_loop3A_538 : i32 to vector<16xi32>
        %parallel_loop3A_540 = arith.addi %parallel_loop3A_175, %parallel_loop3A_539 : vector<16xi32>
        %parallel_loop3A_541 = tpu.vector_load_idx %arg5[%parallel_loop3A_540] : memref<41488xf32, #tpu.memory_space<vmem>>[vector<16xi32>], vector<16xf32>,
        %parallel_loop3A_542 = arith.mulf %parallel_loop3A_199, %parallel_loop3A_541 : vector<16xf32>
        %parallel_loop3A_543 = arith.addf %parallel_loop3A_447, %parallel_loop3A_542 : vector<16xf32>
        %parallel_loop3A_544 = arith.constant 12 : i32
        %parallel_loop3A_545 = vector.broadcast %parallel_loop3A_544 : i32 to vector<16xi32>
        %parallel_loop3A_546 = arith.addi %parallel_loop3A_175, %parallel_loop3A_545 : vector<16xi32>
        %parallel_loop3A_547 = tpu.vector_load_idx %arg5[%parallel_loop3A_546] : memref<41488xf32, #tpu.memory_space<vmem>>[vector<16xi32>], vector<16xf32>,
        %parallel_loop3A_548 = arith.mulf %parallel_loop3A_199, %parallel_loop3A_547 : vector<16xf32>
        %parallel_loop3A_549 = arith.addf %parallel_loop3A_453, %parallel_loop3A_548 : vector<16xf32>
        %parallel_loop3A_550 = arith.constant 13 : i32
        %parallel_loop3A_551 = vector.broadcast %parallel_loop3A_550 : i32 to vector<16xi32>
        %parallel_loop3A_552 = arith.addi %parallel_loop3A_175, %parallel_loop3A_551 : vector<16xi32>
        %parallel_loop3A_553 = tpu.vector_load_idx %arg5[%parallel_loop3A_552] : memref<41488xf32, #tpu.memory_space<vmem>>[vector<16xi32>], vector<16xf32>,
        %parallel_loop3A_554 = arith.mulf %parallel_loop3A_199, %parallel_loop3A_553 : vector<16xf32>
        %parallel_loop3A_555 = arith.addf %parallel_loop3A_459, %parallel_loop3A_554 : vector<16xf32>
        %parallel_loop3A_556 = arith.constant 14 : i32
        %parallel_loop3A_557 = vector.broadcast %parallel_loop3A_556 : i32 to vector<16xi32>
        %parallel_loop3A_558 = arith.addi %parallel_loop3A_175, %parallel_loop3A_557 : vector<16xi32>
        %parallel_loop3A_559 = tpu.vector_load_idx %arg5[%parallel_loop3A_558] : memref<41488xf32, #tpu.memory_space<vmem>>[vector<16xi32>], vector<16xf32>,
        %parallel_loop3A_560 = arith.mulf %parallel_loop3A_199, %parallel_loop3A_559 : vector<16xf32>
        %parallel_loop3A_561 = arith.addf %parallel_loop3A_465, %parallel_loop3A_560 : vector<16xf32>
        %parallel_loop3A_562 = arith.constant 15 : i32
        %parallel_loop3A_563 = vector.broadcast %parallel_loop3A_562 : i32 to vector<16xi32>
        %parallel_loop3A_564 = arith.addi %parallel_loop3A_175, %parallel_loop3A_563 : vector<16xi32>
        %parallel_loop3A_565 = tpu.vector_load_idx %arg5[%parallel_loop3A_564] : memref<41488xf32, #tpu.memory_space<vmem>>[vector<16xi32>], vector<16xf32>,
        %parallel_loop3A_566 = arith.mulf %parallel_loop3A_199, %parallel_loop3A_565 : vector<16xf32>
        %parallel_loop3A_567 = arith.addf %parallel_loop3A_471, %parallel_loop3A_566 : vector<16xf32>
        %parallel_loop3A_568 = arith.constant 0 : i32
        %parallel_loop3A_569 = vector.broadcast %parallel_loop3A_568 : i32 to vector<16xi32>
        %parallel_loop3A_570 = arith.addi %iota3A, %parallel_loop3A_569 : vector<16xi32>
        tpu.vector_store_idx %arg7[%parallel_loop3A_151, %parallel_loop3A_570], %parallel_loop3A_477 : memref<128x256xf32, #tpu.memory_space<vmem>>[vector<16xi32>, vector<16xi32>], vector<16xf32>,
        %parallel_loop3A_571 = arith.constant 16 : i32
        %parallel_loop3A_572 = vector.broadcast %parallel_loop3A_571 : i32 to vector<16xi32>
        %parallel_loop3A_573 = arith.addi %iota3A, %parallel_loop3A_572 : vector<16xi32>
        tpu.vector_store_idx %arg7[%parallel_loop3A_151, %parallel_loop3A_573], %parallel_loop3A_483 : memref<128x256xf32, #tpu.memory_space<vmem>>[vector<16xi32>, vector<16xi32>], vector<16xf32>,
        %parallel_loop3A_574 = arith.constant 32 : i32
        %parallel_loop3A_575 = vector.broadcast %parallel_loop3A_574 : i32 to vector<16xi32>
        %parallel_loop3A_576 = arith.addi %iota3A, %parallel_loop3A_575 : vector<16xi32>
        tpu.vector_store_idx %arg7[%parallel_loop3A_151, %parallel_loop3A_576], %parallel_loop3A_489 : memref<128x256xf32, #tpu.memory_space<vmem>>[vector<16xi32>, vector<16xi32>], vector<16xf32>,
        %parallel_loop3A_577 = arith.constant 48 : i32
        %parallel_loop3A_578 = vector.broadcast %parallel_loop3A_577 : i32 to vector<16xi32>
        %parallel_loop3A_579 = arith.addi %iota3A, %parallel_loop3A_578 : vector<16xi32>
        tpu.vector_store_idx %arg7[%parallel_loop3A_151, %parallel_loop3A_579], %parallel_loop3A_495 : memref<128x256xf32, #tpu.memory_space<vmem>>[vector<16xi32>, vector<16xi32>], vector<16xf32>,
        %parallel_loop3A_580 = arith.constant 64 : i32
        %parallel_loop3A_581 = vector.broadcast %parallel_loop3A_580 : i32 to vector<16xi32>
        %parallel_loop3A_582 = arith.addi %iota3A, %parallel_loop3A_581 : vector<16xi32>
        tpu.vector_store_idx %arg7[%parallel_loop3A_151, %parallel_loop3A_582], %parallel_loop3A_501 : memref<128x256xf32, #tpu.memory_space<vmem>>[vector<16xi32>, vector<16xi32>], vector<16xf32>,
        %parallel_loop3A_583 = arith.constant 80 : i32
        %parallel_loop3A_584 = vector.broadcast %parallel_loop3A_583 : i32 to vector<16xi32>
        %parallel_loop3A_585 = arith.addi %iota3A, %parallel_loop3A_584 : vector<16xi32>
        tpu.vector_store_idx %arg7[%parallel_loop3A_151, %parallel_loop3A_585], %parallel_loop3A_507 : memref<128x256xf32, #tpu.memory_space<vmem>>[vector<16xi32>, vector<16xi32>], vector<16xf32>,
        %parallel_loop3A_586 = arith.constant 96 : i32
        %parallel_loop3A_587 = vector.broadcast %parallel_loop3A_586 : i32 to vector<16xi32>
        %parallel_loop3A_588 = arith.addi %iota3A, %parallel_loop3A_587 : vector<16xi32>
        tpu.vector_store_idx %arg7[%parallel_loop3A_151, %parallel_loop3A_588], %parallel_loop3A_513 : memref<128x256xf32, #tpu.memory_space<vmem>>[vector<16xi32>, vector<16xi32>], vector<16xf32>,
        %parallel_loop3A_589 = arith.constant 112 : i32
        %parallel_loop3A_590 = vector.broadcast %parallel_loop3A_589 : i32 to vector<16xi32>
        %parallel_loop3A_591 = arith.addi %iota3A, %parallel_loop3A_590 : vector<16xi32>
        tpu.vector_store_idx %arg7[%parallel_loop3A_151, %parallel_loop3A_591], %parallel_loop3A_519 : memref<128x256xf32, #tpu.memory_space<vmem>>[vector<16xi32>, vector<16xi32>], vector<16xf32>,
        %parallel_loop3A_592 = arith.constant 128 : i32
        %parallel_loop3A_593 = vector.broadcast %parallel_loop3A_592 : i32 to vector<16xi32>
        %parallel_loop3A_594 = arith.addi %iota3A, %parallel_loop3A_593 : vector<16xi32>
        tpu.vector_store_idx %arg7[%parallel_loop3A_151, %parallel_loop3A_594], %parallel_loop3A_525 : memref<128x256xf32, #tpu.memory_space<vmem>>[vector<16xi32>, vector<16xi32>], vector<16xf32>,
        %parallel_loop3A_595 = arith.constant 144 : i32
        %parallel_loop3A_596 = vector.broadcast %parallel_loop3A_595 : i32 to vector<16xi32>
        %parallel_loop3A_597 = arith.addi %iota3A, %parallel_loop3A_596 : vector<16xi32>
        tpu.vector_store_idx %arg7[%parallel_loop3A_151, %parallel_loop3A_597], %parallel_loop3A_531 : memref<128x256xf32, #tpu.memory_space<vmem>>[vector<16xi32>, vector<16xi32>], vector<16xf32>,
        %parallel_loop3A_598 = arith.constant 160 : i32
        %parallel_loop3A_599 = vector.broadcast %parallel_loop3A_598 : i32 to vector<16xi32>
        %parallel_loop3A_600 = arith.addi %iota3A, %parallel_loop3A_599 : vector<16xi32>
        tpu.vector_store_idx %arg7[%parallel_loop3A_151, %parallel_loop3A_600], %parallel_loop3A_537 : memref<128x256xf32, #tpu.memory_space<vmem>>[vector<16xi32>, vector<16xi32>], vector<16xf32>,
        %parallel_loop3A_601 = arith.constant 176 : i32
        %parallel_loop3A_602 = vector.broadcast %parallel_loop3A_601 : i32 to vector<16xi32>
        %parallel_loop3A_603 = arith.addi %iota3A, %parallel_loop3A_602 : vector<16xi32>
        tpu.vector_store_idx %arg7[%parallel_loop3A_151, %parallel_loop3A_603], %parallel_loop3A_543 : memref<128x256xf32, #tpu.memory_space<vmem>>[vector<16xi32>, vector<16xi32>], vector<16xf32>,
        %parallel_loop3A_604 = arith.constant 192 : i32
        %parallel_loop3A_605 = vector.broadcast %parallel_loop3A_604 : i32 to vector<16xi32>
        %parallel_loop3A_606 = arith.addi %iota3A, %parallel_loop3A_605 : vector<16xi32>
        tpu.vector_store_idx %arg7[%parallel_loop3A_151, %parallel_loop3A_606], %parallel_loop3A_549 : memref<128x256xf32, #tpu.memory_space<vmem>>[vector<16xi32>, vector<16xi32>], vector<16xf32>,
        %parallel_loop3A_607 = arith.constant 208 : i32
        %parallel_loop3A_608 = vector.broadcast %parallel_loop3A_607 : i32 to vector<16xi32>
        %parallel_loop3A_609 = arith.addi %iota3A, %parallel_loop3A_608 : vector<16xi32>
        tpu.vector_store_idx %arg7[%parallel_loop3A_151, %parallel_loop3A_609], %parallel_loop3A_555 : memref<128x256xf32, #tpu.memory_space<vmem>>[vector<16xi32>, vector<16xi32>], vector<16xf32>,
        %parallel_loop3A_610 = arith.constant 224 : i32
        %parallel_loop3A_611 = vector.broadcast %parallel_loop3A_610 : i32 to vector<16xi32>
        %parallel_loop3A_612 = arith.addi %iota3A, %parallel_loop3A_611 : vector<16xi32>
        tpu.vector_store_idx %arg7[%parallel_loop3A_151, %parallel_loop3A_612], %parallel_loop3A_561 : memref<128x256xf32, #tpu.memory_space<vmem>>[vector<16xi32>, vector<16xi32>], vector<16xf32>,
        %parallel_loop3A_613 = arith.constant 240 : i32
        %parallel_loop3A_614 = vector.broadcast %parallel_loop3A_613 : i32 to vector<16xi32>
        %parallel_loop3A_615 = arith.addi %iota3A, %parallel_loop3A_614 : vector<16xi32>
        tpu.vector_store_idx %arg7[%parallel_loop3A_151, %parallel_loop3A_615], %parallel_loop3A_567 : memref<128x256xf32, #tpu.memory_space<vmem>>[vector<16xi32>, vector<16xi32>], vector<16xf32>,
      } {sc.loop_unroll_factor = 4 : i64, sc.parallel_access}
      %mul3A_137 = arith.constant 64 : i32
      %mul3A_138 = arith.muli %rem3A_110, %mul3A_137 : i32
      %mul3A_139 = arith.constant 64 : i32
      %mul3A_140 = arith.muli %scan3A_108, %mul3A_139 : i32
      %mul3A_141 = arith.constant 16 : i32
      %mul3A_142 = arith.muli %mul3A_2, %mul3A_141 : i32
      %dma_start3A_143 = arith.constant 0 : i32
      %dma_start3A_144 = tpu.memref_slice %arg7[%mul3A_138, %dma_start3A_143] : memref<128x256xf32, #tpu.memory_space<vmem>> -> memref<64x256xf32, #tpu.memory_space<vmem>>
      %dma_start3A_145 = tpu.memref_slice %arg4[%mul3A_140, %mul3A_142] : memref<2048x8192xf32, #tpu.memory_space<hbm>> -> memref<64x256xf32, #tpu.memory_space<hbm>>
      %dma_start3A_146 = tpu.memref_slice %arg4[%mul3A_140, %mul3A_142] : memref<2048x8192xf32, #tpu.memory_space<hbm>> -> memref<64x256xf32, #tpu.memory_space<hbm>>
      %dma_start3A_147 = arith.constant 0 : i32
      %dma_start3A_148 = tpu.memref_slice %arg7[%mul3A_138, %dma_start3A_147] : memref<128x256xf32, #tpu.memory_space<vmem>> -> memref<64x256xf32, #tpu.memory_space<vmem>>
      tpu.enqueue_dma source(%dma_start3A_148 : memref<64x256xf32, #tpu.memory_space<vmem>>) target(%dma_start3A_146 : memref<64x256xf32, #tpu.memory_space<hbm>>) target_semaphore(%arg11 : memref<!tpu.dma_semaphore, #tpu.memory_space<semaphore_mem>>)
    }
    %scan3A_52 = arith.constant 32 : i32
    %jit3A_53 = arith.constant 30 : i32
    %jit3A_54 = arith.constant 2 : i32
    %eq3A = arith.constant 0 : i32
    %eq3A_55 = arith.cmpi eq, %jit3A_54, %eq3A : i32
    %jit3A_56 = arith.constant 1 : i32
    %select_n3A_57 = arith.select %eq3A_55, %jit3A_56, %jit3A_54 : i32
    %rem3A_58 = arith.remsi %jit3A_53, %select_n3A_57 : i32
    %ne3A_59 = arith.constant 0 : i32
    %ne3A_60 = arith.cmpi ne, %rem3A_58, %ne3A_59 : i32
    %lt3A = arith.constant 0 : i32
    %lt3A_61 = arith.cmpi slt, %rem3A_58, %lt3A : i32
    %lt3A_62 = arith.constant 0 : i32
    %lt3A_63 = arith.cmpi slt, %select_n3A_57, %lt3A_62 : i32
    %ne3A_64 = arith.xori %lt3A_61, %lt3A_63 : i1
    %and3A_65 = arith.andi %ne3A_64, %ne3A_60 : i1
    %add3A_66 = arith.addi %rem3A_58, %select_n3A_57 : i32
    %select_n3A_67 = arith.select %and3A_65, %add3A_66, %rem3A_58 : i32
    %mul3A_68 = arith.constant 64 : i32
    %mul3A_69 = arith.muli %select_n3A_67, %mul3A_68 : i32
    %mul3A_70 = arith.constant 16 : i32
    %mul3A_71 = arith.muli %mul3A_2, %mul3A_70 : i32
    %dma_wait3A = arith.constant 0 : i32
    %dma_wait3A_72 = tpu.memref_slice %arg7[%mul3A_69, %dma_wait3A] : memref<128x256xf32, #tpu.memory_space<vmem>> -> memref<64x256xf32, #tpu.memory_space<vmem>>
    %dma_wait3A_73 = arith.constant 0 : i32
    %dma_wait3A_74 = tpu.memref_slice %arg4[%dma_wait3A_73, %mul3A_71] : memref<2048x8192xf32, #tpu.memory_space<hbm>> -> memref<64x256xf32, #tpu.memory_space<hbm>>
    %dma_wait3A_75 = arith.constant 0 : i32
    %dma_wait3A_76 = tpu.memref_slice %arg4[%dma_wait3A_75, %mul3A_71] : memref<2048x8192xf32, #tpu.memory_space<hbm>> -> memref<64x256xf32, #tpu.memory_space<hbm>>
    %dma_wait3A_77 = arith.constant 0 : i32
    %dma_wait3A_78 = tpu.memref_slice %arg7[%mul3A_69, %dma_wait3A_77] : memref<128x256xf32, #tpu.memory_space<vmem>> -> memref<64x256xf32, #tpu.memory_space<vmem>>
    tpu.wait_dma2 semaphore(%arg11 : memref<!tpu.dma_semaphore, #tpu.memory_space<semaphore_mem>>) src(%dma_wait3A_78 : memref<64x256xf32, #tpu.memory_space<vmem>>) dst(%dma_wait3A_76 : memref<64x256xf32, #tpu.memory_space<hbm>>)
    %jit3A_79 = arith.constant 31 : i32
    %jit3A_80 = arith.constant 2 : i32
    %eq3A_81 = arith.constant 0 : i32
    %eq3A_82 = arith.cmpi eq, %jit3A_80, %eq3A_81 : i32
    %jit3A_83 = arith.constant 1 : i32
    %select_n3A_84 = arith.select %eq3A_82, %jit3A_83, %jit3A_80 : i32
    %rem3A_85 = arith.remsi %jit3A_79, %select_n3A_84 : i32
    %ne3A_86 = arith.constant 0 : i32
    %ne3A_87 = arith.cmpi ne, %rem3A_85, %ne3A_86 : i32
    %lt3A_88 = arith.constant 0 : i32
    %lt3A_89 = arith.cmpi slt, %rem3A_85, %lt3A_88 : i32
    %lt3A_90 = arith.constant 0 : i32
    %lt3A_91 = arith.cmpi slt, %select_n3A_84, %lt3A_90 : i32
    %ne3A_92 = arith.xori %lt3A_89, %lt3A_91 : i1
    %and3A_93 = arith.andi %ne3A_92, %ne3A_87 : i1
    %add3A_94 = arith.addi %rem3A_85, %select_n3A_84 : i32
    %select_n3A_95 = arith.select %and3A_93, %add3A_94, %rem3A_85 : i32
    %mul3A_96 = arith.constant 64 : i32
    %mul3A_97 = arith.muli %select_n3A_95, %mul3A_96 : i32
    %mul3A_98 = arith.constant 16 : i32
    %mul3A_99 = arith.muli %mul3A_2, %mul3A_98 : i32
    %dma_wait3A_100 = arith.constant 0 : i32
    %dma_wait3A_101 = tpu.memref_slice %arg7[%mul3A_97, %dma_wait3A_100] : memref<128x256xf32, #tpu.memory_space<vmem>> -> memref<64x256xf32, #tpu.memory_space<vmem>>
    %dma_wait3A_102 = arith.constant 0 : i32
    %dma_wait3A_103 = tpu.memref_slice %arg4[%dma_wait3A_102, %mul3A_99] : memref<2048x8192xf32, #tpu.memory_space<hbm>> -> memref<64x256xf32, #tpu.memory_space<hbm>>
    %dma_wait3A_104 = arith.constant 0 : i32
    %dma_wait3A_105 = tpu.memref_slice %arg4[%dma_wait3A_104, %mul3A_99] : memref<2048x8192xf32, #tpu.memory_space<hbm>> -> memref<64x256xf32, #tpu.memory_space<hbm>>
    %dma_wait3A_106 = arith.constant 0 : i32
    %dma_wait3A_107 = tpu.memref_slice %arg7[%mul3A_97, %dma_wait3A_106] : memref<128x256xf32, #tpu.memory_space<vmem>> -> memref<64x256xf32, #tpu.memory_space<vmem>>
    tpu.wait_dma2 semaphore(%arg11 : memref<!tpu.dma_semaphore, #tpu.memory_space<semaphore_mem>>) src(%dma_wait3A_107 : memref<64x256xf32, #tpu.memory_space<vmem>>) dst(%dma_wait3A_105 : memref<64x256xf32, #tpu.memory_space<hbm>>)
    return
  }
}

</mosaic_0001>

<sc_bundles>
// kernel: kernel.3.cloned.1.call-start
scs
__scs_entry_jumppad:
0x0: {  	(pc) =	sbr.rel $0x88, $3  }
0x1: {  	(tag) =	ssettag $0x0;
	lr =	simm.s32 $0x1  }
0x2: {  	[smem:$0x3F9F] =	sst lr;
	_ =	strace $0xD0000000  }
0x3: {  	_ = 	snop  }
0x4: {  	_ = 	snop  }
0x5: {  	_ = 	snop  }
0x6: {  	_ = 	snop  }
0x7: {  	_ = 	snop  }
__scs_overlays_trampoline_lowered:
0x8: {  	[smem:$0x3FAE] =	sst s0  }
0x9: {  	[smem:$0x3FAF] =	sst s1  }
0xa: {  	[smem:$0x3FB0] =	sst s2  }
0xb: {  	[smem:$0x3FB1] =	sst s3  }
0xc: {  	[smem:$0x3FB2] =	sst s4  }
0xd: {  	[smem:$0x3FB3] =	sst s5  }
0xe: {  	[smem:$0x3FB4] =	sst s6  }
0xf: {  	[smem:$0x3FB5] =	sst s7  }
0x10: {  	[smem:$0x3FB6] =	sst s8  }
0x11: {  	[smem:$0x3FB7] =	sst s9;
	s0 =	simm.s32 @!p0 $0x0  }
0x12: {  	s1 =	sld [smem:$0x3F9D];
	s0 =	simm.s32 @p0 $0x1  }
0x13: {  	[smem:$0x3FB8] =	sst s0;
	s0 =	simm.s32 @!p1 $0x0  }
0x14: {  	s2 =	sld [smem:$0x3F9C];
	s0 =	simm.s32 @p1 $0x1  }
0x15: {  	[smem:$0x3FB9] =	sst s0;
	s0 =	simm.s32 @!p2 $0x0  }
0x16: {  	s3 =	sld [smem:$0x3FDB];
	s0 =	simm.s32 @p2 $0x1  }
0x17: {  	s4 =	simm.s32 $0x1BF5;
	[smem:$0x3FBB] =	sst s0  }
0x18: {  	s0 =	sld [smem:$0x3F9E];
	_ =	swait.ge [sflag:s4], $0x0  }
0x19: {  	s7 =	sld [smem:$0x3F9F]  }
0x1a: {  	s8 =	sadd.s32 $0xFFFFE003, lr  }
0x1b: {  	s9 =	sadd.s32 $0xFFFFFEF7, lr;
	s5 =	simm.s32 $0xFFFFFFFF;
	p2 =	slt.u32 s8, $0xFFFFF086  }
0x1c: {  	p1 =	slt.u32 s9, $0xF7A;
	s5 =	simm.s32 @!p2 $0x0  }
0x1d: {  	s5 =	simm.s32 @p1 $0x1;
	p0 =	seq.s32 s7, s2  }
0x1e: {  	s7 =	smul.u32 @!p0 $0xF7A, s2;
	p2 =	seq.s32 @!p0 s5, $0x0  }
0x1f: {  	s9 =	smul.u32 $0xF7A, s1;
	s8 =	simm.s32 @!p0 $0x1BF5;
	p2 =	por !p2, p0  }
0x20: {  	[sflag:s8] =	ssyncset.s32 @!p0 $0xFFFFF086;
	s6 =	sadd.s32 @!p0 s3, s7;
	s7 =	simm.s32 @!p0 $0x108  }
0x21: {  	s3 =	sadd.s32 s3, s9;
	s6 =	sadd.s32 @!p0 $0x88, s6;
	s7 =	simm.s32 @p2 $0x1082  }
0x22: {  	[simem:s7], [sflag:s8] =	dma.local @!p0 [hbm:s6], $0xF7A  }
0x23: {  	s9 =	sor.u32 $0xD0000000, s2;
	s6 =	simm.s32 $0x108;
	_ =	swait.ge @!p0 [sflag:s8], $0x0  }
0x24: {  	s3 =	sadd.s32 $0x88, s3;
	s6 =	simm.s32 @!p1 $0x1082;
	[sflag:s4] =	ssyncset.s32 $0xFFFFF086  }
0x25: {  	[simem:s6], [sflag:s4] =	dma.local [hbm:s3], $0xF7A  }
0x26: {  	[smem:$0x3F9F] =	sst s1;
	(tag) =	ssettag s2;
	_ =	strace s9  }
0x27: {  	s1 =	sld [smem:$0x3FAF]  }
0x28: {  	s2 =	sld [smem:$0x3FB0]  }
0x29: {  	s4 =	sld [smem:$0x3FB2]  }
0x2a: {  	p0 =	seq.s32 s5, $0x0;
	s5 =	sld [smem:$0x3FB3]  }
0x2b: {  	s6 =	sld [smem:$0x3FB4]  }
0x2c: {  	s7 =	sld [smem:$0x3FB5]  }
0x2d: {  	s3 =	simm.s32 $0x108;
	s8 =	sld [smem:$0x3FB6]  }
0x2e: {  	s3 =	simm.s32 @!p0 $0x1082;
	s9 =	sld [smem:$0x3FB7]  }
0x2f: {  	lr =	sadd.s32 s0, s3;
	s0 =	sld [smem:$0x3FAE]  }
0x30: {  	s3 =	sld [smem:$0x3FB1]  }
0x31: {  	[smem:$0x3FBA] =	sst s10  }
0x32: {  	s10 =	sld [smem:$0x3FB8];
	_ =	sdelay $0x3  }
0x33: {  	p0 =	seq.s32 s10, $0x1;
	s10 =	sld [smem:$0x3FBA];
	_ =	sdelay $0x3  }
0x34: {  	[smem:$0x3FBA] =	sst s10  }
0x35: {  	s10 =	sld [smem:$0x3FB9];
	_ =	sdelay $0x3  }
0x36: {  	p1 =	seq.s32 s10, $0x1;
	s10 =	sld [smem:$0x3FBA];
	_ =	sdelay $0x3  }
0x37: {  	[smem:$0x3FBA] =	sst s10  }
0x38: {  	s10 =	sld [smem:$0x3FBB]  }
0x39: {  	_ = 	snop;
	(pc) =	sbr.ind lr, $3  }
0x3a: {  	_ = 	snop  }
0x3b: {  	_ = 	snop  }
0x3c: {  	p2 =	seq.s32 s10, $0x1;
	s10 =	sld [smem:$0x3FBA]  }
0x3d: {  	_ =	shalt  }
0x3e: {  	_ =	shalt  }
0x3f: {  	_ =	shalt  }
0x40: {  	_ =	shalt  }
0x41: {  	_ =	shalt  }
0x42: {  	_ =	shalt  }
0x43: {  	_ =	shalt  }
0x44: {  	_ =	shalt  }
0x45: {  	_ =	shalt  }
0x46: {  	_ =	shalt  }
0x47: {  	_ =	shalt  }
0x48: {  	_ =	shalt  }
0x49: {  	_ =	shalt  }
0x4a: {  	_ =	shalt  }
0x4b: {  	_ =	shalt  }
0x4c: {  	_ =	shalt  }
0x4d: {  	_ =	shalt  }
0x4e: {  	_ =	shalt  }
0x4f: {  	_ =	shalt  }
0x50: {  	_ =	shalt  }
0x51: {  	_ =	shalt  }
0x52: {  	_ =	shalt  }
0x53: {  	_ =	shalt  }
0x54: {  	_ =	shalt  }
0x55: {  	_ =	shalt  }
0x56: {  	_ =	shalt  }
0x57: {  	_ =	shalt  }
0x58: {  	_ =	shalt  }
0x59: {  	_ =	shalt  }
0x5a: {  	_ =	shalt  }
0x5b: {  	_ =	shalt  }
0x5c: {  	_ =	shalt  }
0x5d: {  	_ =	shalt  }
0x5e: {  	_ =	shalt  }
0x5f: {  	_ =	shalt  }
0x60: {  	_ =	shalt  }
0x61: {  	_ =	shalt  }
0x62: {  	_ =	shalt  }
0x63: {  	_ =	shalt  }
0x64: {  	_ =	shalt  }
0x65: {  	_ =	shalt  }
0x66: {  	_ =	shalt  }
0x67: {  	_ =	shalt  }
0x68: {  	_ =	shalt  }
0x69: {  	_ =	shalt  }
0x6a: {  	_ =	shalt  }
0x6b: {  	_ =	shalt  }
0x6c: {  	_ =	shalt  }
0x6d: {  	_ =	shalt  }
0x6e: {  	_ =	shalt  }
0x6f: {  	_ =	shalt  }
0x70: {  	_ =	shalt  }
0x71: {  	_ =	shalt  }
0x72: {  	_ =	shalt  }
0x73: {  	_ =	shalt  }
0x74: {  	_ =	shalt  }
0x75: {  	_ =	shalt  }
0x76: {  	_ =	shalt  }
0x77: {  	_ =	shalt  }
0x78: {  	_ =	shalt  }
0x79: {  	_ =	shalt  }
0x7a: {  	_ =	shalt  }
0x7b: {  	_ =	shalt  }
0x7c: {  	_ =	shalt  }
0x7d: {  	_ =	shalt  }
0x7e: {  	_ =	shalt  }
0x7f: {  	_ =	shalt  }
0x80: {  	_ =	shalt  }
0x81: {  	_ =	shalt  }
0x82: {  	_ =	shalt  }
0x83: {  	_ =	shalt  }
0x84: {  	_ =	shalt  }
0x85: {  	_ =	shalt  }
0x86: {  	_ =	shalt  }
0x87: {  	_ =	shalt  }
.Lfunc_end0:
.L_simem_size_0:
called_computation_lowered:
.L_overlay_start_0:
0x88: {  	s2 =	sld [smem:$0x3FD9]  }
0x89: {  	s3 =	sld [smem:$0x3FFE];
	_ =	sdelay $0x1  }
0x8a: {  	s1 =	srdreg.scid  }
0x8b: {  	s0 =	sand.u32 $0x1, s1  }
0x8c: {  	s17 =	sshll.u32 s0, $0xA;
	s2 =	sadd.s32 s3, s2  }
0x8d: {  	s2 =	sadd.s32 s2, s17  }
0x8e: {  	[smem:$0x3FC6] =	sst s2  }
0x8f: {  	_ = 	snop  }
0x90: {  	s2 =	sld [smem:$0x3FC9]  }
0x91: {  	s18 =	sld [smem:$0x3FD0];
	(tm) =	ssettm $0x1  }
0x92: {  	s4 =	sld [smem:$0x3FFB];
	_ =	sdelay $0x3  }
0x93: {  	_ =	strace s4  }
0x94: {  	s4 =	sld [smem:$0x3FFC];
	_ =	sdelay $0x3  }
0x95: {  	_ =	strace s4  }
0x96: {  	s4 =	sld [smem:$0x3FFD];
	_ =	sdelay $0x3  }
0x97: {  	_ =	strace s4  }
0x98: {  	_ =	strace $0x8FFFFFFF  }
0x99: {  	s19 =	sld [smem:$0x3FDB];
	_ =	sdelay $0x1  }
0x9a: {  	s5 =	simm.s32 $_scs_section_size  }
0x9b: {  	s6 =	simm.s32 $_size__tile_overlayer_lowered;
	s7 =	simm.s32 $_tile_overlayer_lowered  }
0x9c: {  	s22 =	simm.s32 $0x1BFF;
	s21 =	sshll.u32 s7, $0x1;
	s4 =	sadd.s32 s5, s19  }
0x9d: {  	s8 =	simm.s32 $0x0;
	s20 =	sshll.u32 s6, $0x1;
	s6 =	sadd.s32 s21, s4  }
0x9e: {  	[timem:s8], [sflag:s22] =	dma.local [hbm:s6], s20  }
0x9f: {  	_ =	swait.ge [sflag:s22], s20  }
0xa0: {  	s5 =	ssub.s32 $0x0, s20;
	[sflag:s22] =	ssyncset.done $0x0  }
0xa1: {  	[sflag:s22] =	ssyncadd.s32 s5;
	_ =	sdelay $0x1  }
0xa2: {  	s23 =	simm.s32 $0x1B8B  }
0xa3: {  	_ =	swait.ge [sflag:s23], $0x1  }
0xa4: {  	[sflag:s23] =	ssyncset.done $0x0  }
0xa5: {  	s25 =	simm.s32 $0x1B8E;
	s24 =	sld [smem:$0x3FFE];
	[sflag:s23] =	ssyncadd.s32 $0xFFFFFFFF  }
0xa6: {  	s26 =	simm.s32 $execute0_lowered;
	[smem:$0x3FD2] =	sst s25  }
0xa7: {  	s6 =	sshll.u32 s26, $0x1;
	_ =	strace $0x80000046;
	[dreg:$0x1] =	wrdreg $0xFFFFFFFF  }
0xa8: {  	s28 =	simm.s32 $_size_execute0_lowered;
	s4 =	sadd.s32 s4, s6;
	[dreg:$0x0] =	wrdreg $0x0  }
0xa9: {  	s6 =	sshll.u32 s28, $0x1;
	[dreg:$0x2] =	wrdreg s4  }
0xaa: {  	[dreg:$0x3] =	wrdreg s6  }
0xab: {  	[dreg:$0x4] =	wrdreg $0xC0  }
0xac: {  	_ =	task [dreg:s8], $0x5FFFF  }
0xad: {  	[dreg:$0x1] =	wrdreg $0xFFFFFFFF  }
0xae: {  	[dreg:$0x0] =	wrdreg $0x60  }
0xaf: {  	[dreg:$0x2] =	wrdreg s2  }
0xb0: {  	[dreg:$0x3] =	wrdreg s24  }
0xb1: {  	[dreg:$0x4] =	wrdreg s18  }
0xb2: {  	[dreg:$0x5] =	wrdreg $0x9  }
0xb3: {  	_ =	task.clear_ibuf [dreg:s8], $0x6FFFF;
	_ =	strace $0x90000046  }
0xb4: {  	s29 =	simm.s32 $0x9;
	_ =	strace $0x80000048  }
0xb5: {  	_ =	swait.ge [sflag:s29], $0x1  }
0xb6: {  	[sflag:s29] =	ssyncadd.s32 $0xFFFFFFFF  }
0xb7: {  	_ =	strace $0x90000048  }
0xb8: {  	_ =	sfence  }
0xb9: {  	s30 =	sld [smem:$0x0];
	_ =	sdelay $0x2  }
0xba: {  	s31 =	sshll.u32 s1, $0xD;
	s1 =	sshrl.u32 s1, $0x2  }
0xbb: {  	s3 =	sand.u32 $0x4000, s31;
	s1 =	sadd.s32 s1, s30  }
0xbc: {  	s0 =	sor.u32 s3, s0;
	s1 =	sshll.u32 s1, $0x11  }
0xbd: {  	s0 =	sor.u32 s1, s0  }
0xbe: {  	s0 =	sadd.s32 $0x8F2B, s0  }
0xbf: {  	[sflag:s0] =	ssyncadd.remote.s32 $0x1  }
0xc0: {  	_ =	sfence.sel $0xFFFF  }
0xc1: {  	[dreg:$0x0] =	wrdreg $0xFFFFFFFF;
	(pc) =	sbr.abs _section_cstart, $3  }
0xc2: {  	[dreg:$0x1] =	wrdreg $0xFFFFFFFF  }
0xc3: {  	_ =	task.clear_ibuf [dreg:s8], $0x2FFFF;
	_ =	strace $0x9FFFFFFF  }
0xc4: {  	(tm) =	ssettm $0x7FFFFFFF  }
0xc5: {  	_ =	shalt  }
tec
execute0_lowered:
.L_overlay_start_1:
0x0: {  	(tag) =	ssettag $0x1  }
0x1: {  	s1 =	srdreg.scid;
	s0 =	stileid.u32  }
0x2: {  	s4 =	sand.u32 $0x1, s1;
	s29 =	sshll.u32 s0, $0x1  }
0x3: {  	s7 =	sor.u32 s4, s29  }
0x4: {  	p1 =	seq.s32 s4, $0x1;
	p0 =	seq.s32 s7, $0x0  }
0x5: {  	p0 =	por !p0, !p1  }
0x6: {  	s5 =	rddreg [dreg:$0x1];
	s6 =	simm.s32 $0x1;
	p0 =	por !p0, !p0  }
0x7: {  	s8 =	rddreg [dreg:$0x2];
	s6 =	simm.s32 @!p0 $0x0  }
0x8: {  	s3 =	simm.s32 $0x0;
	v5 =	vlaneseq.u32;
	s13 =	simm.s32 $0xA280;
	s6 =	ssub.s32 s0, s6  }
0x9: {  	s14 =	simm.s32 $0x2;
	v0 =	vmul.u32 $0x4, v5;
	s10 =	sshll.u32 s7, $0x6;
	s11 =	sshll.u32 s6, $0x7  }
0xa: {  	s15 =	simm.s32 $0xE280;
	s1 =	rddreg [dreg:$0x0];
	v63 =	vmul.u32 $0xA21, v5;
	s10 =	ssub.s32 s10, s11  }
0xb: {  	s16 =	simm.s32 $0x800;
	s17 =	simm.s32 $0x10000;
	[smem:$0x7FF] =	sst s3;
	v61 =	vor.u32 $0x1, v0;
	v1 =	vmov s10  }
0xc: {  	s4 =	ssub.s32 $0x2, s4;
	_ =	strace $0x80000047;
	s9 =	smul.u32 $0x1442, s7;
	v3 =	vor.u32 $0x2, v0;
	[tilespmem:$0x1FFF0] =	vst v63;
	v2 =	vor.u32 s10, v0;
	v1 =	vand.u32 $0xFFFFFF80, v1  }
0xd: {  	s18 =	simm.s32 $0x0;
	s30 =	sshrl.u32 s4, $0x1;
	s12 =	sshll.u32 s7, $0x8;
	v4 =	vor.u32 s10, v3;
	v0 =	vor.u32 $0x3, v0;
	v60 =	vand.u32 $0x7C, v2;
	[tilespmem:$0x1FFA0] =	vst v1  }
0xe: {  	s8 =	sadd.s32 s8, s12;
	s12 =	simm.s32 $0x4000;
	s5 =	sadd.s32 s9, s5;
	v62 =	vand.u32 $0x7E, v4;
	v0 =	vor.u32 s10, v0;
	[tilespmem:$0x1FFB0] =	vst v60  }
0xf: {  	s9 =	ssub.s32 s4, s30;
	s4 =	sadd.s32 $0x400, s5;
	s5 =	sshll.u32 s6, $0xA;
	v1 =	vor.u32 s10, v61;
	[tilespmem:$0x1FFD0] =	vst v62;
	v0 =	vand.u32 $0x7F, v0  }
0x10: {  	s9 =	smax.u32 s9, $0x1;
	s6 =	simm.s32 $0x1;
	s31 =	sshrl.u32 s5, $0x3;
	v1 =	vand.u32 $0x7D, v1;
	[tilespmem:$0x1FFE0] =	vst v0  }
0x11: {  	s11 =	simm.s32 $0x400;
	s7 =	sadd.s32 s1, s31;
	s10 =	simm.s32 $0x3;
	[tilespmem:$0x1FFC0] =	vst v1  }
.LBB2_1:
0x12: {  	[tilespmem:s3], [sflag:$0x3] =	stream.linear.gather [hbm4b:s4+s3], $0xA210, $0x38;
	[tilespmem:$0x18280] =	vst v63  }
0x13: {  	_ =	swait.ge [sflag:s10], $0xA210  }
0x14: {  	[sflag:s10] =	ssyncset.done $0x0  }
0x15: {  	p0 =	por $0x0, $0x0;
	s20 =	simm.s32 $0x0;
	[sflag:s10] =	ssyncadd.s32 $0xFFFF5DF0  }
0x16: {  	[tilespmem:s13], [sflag:$0x1] =	stream.strided.gather [hbm4b:s7+s11], $0x2000, s12, s11, $0x38;
	[tilespmem:$0x18280] =	vst v63  }
.LBB2_2:
0x17: {  	s19 =	sadd.s32 $0x1, s20;
	p1 =	seq.s32 s20, $0x1F;
	_ =	swait.ge [sflag:s6], $0x2000  }
0x18: {  	s21 =	sand.u32 $0x1, s20;
	s22 =	sshll.u32 @!p1 s19, $0x11;
	[sflag:s6] =	ssyncset.done $0x0  }
0x19: {  	s23 =	sshll.u32 @!p1 s21, $0xD;
	s24 =	simm.s32 @!p1 $0x400;
	s22 =	sadd.s32 @!p1 s5, s22  }
0x1a: {  	s25 =	simm.s32 @!p1 $0x4000;
	p2 =	slt.u32 @!p1 s20, $0x2;
	s22 =	sshrl.u32 @!p1 s22, $0x3  }
0x1b: {  	[sflag:s6] =	ssyncadd.s32 $0xFFFFE000;
	s23 =	ssub.s32 @!p1 $0xC280, s23;
	s22 =	sadd.s32 @!p1 s1, s22  }
0x1c: {  	[tilespmem:s23], [sflag:$0x1] =	stream.strided.gather @!p1 [hbm4b:s22+s24], $0x2000, s25, s24, $0x38;
	[tilespmem:$0x18280] =	vst v63  }
0x1d: {  	s26 =	simm.s32 $0x3C0;
	p1 =	por p1, !p2  }
0x1e: {  	s29 =	simm.s32 $0x17480;
	s22 =	simm.s32 $0x1;
	_ =	swait.ge @p1 [sflag:s14], $0x4000  }
0x1f: {  	s31 =	simm.s32 $0x16480;
	s22 =	simm.s32 @!p0 $0x0;
	[sflag:s14] =	ssyncset.done @p1 $0x0  }
0x20: {  	s24 =	simm.s32 $0xFFFFFFF0;
	s22 =	sshll.u32 s22, $0x6;
	[sflag:s14] =	ssyncadd.s32 @p1 $0xFFFFC000  }
.LBB2_3:
0x21: {  	v3 =	vld [tilespmem:$0x1FFA0]  }
0x22: {  	v4 =	vld [tilespmem:$0x1FFB0]  }
0x23: {  	s23 =	sadd.s32 s24, s22;
	v5 =	vld [tilespmem:$0x1FFC0]  }
0x24: {  	v10 =	vld [tilespmem:$0x1FFD0];
	s23 =	sshll.u32 s23, $0x7  }
0x25: {  	v39 =	vld [tilespmem:$0x1FFE0];
	s25 =	sadd.s32 $0x800, s23  }
0x26: {  	v0 =	vadd.s32 s25, v3  }
0x27: {  	v1 =	vor.u32 v4, v0  }
0x28: {  	v6 =	vor.u32 v5, v0  }
0x29: {  	v7 =	vor.u32 v10, v0  }
0x2a: {  	s2 =	sadd.s32 $0x880, s23;
	v0 =	vor.u32 v39, v0  }
0x2b: {  	v42 =	vadd.s32 s2, v3  }
0x2c: {  	v14 =	vor.u32 v4, v42;
	v1 =	vld.idx.msk [tilespmem:v1+s13+$0x0], $0xffff  }
0x2d: {  	v16 =	vor.u32 v10, v42;
	v6 =	vld.idx.msk [tilespmem:v6+s13+$0x0], $0xffff  }
0x2e: {  	v7 =	vld.idx.msk [tilespmem:v7+s13+$0x0], $0xffff  }
0x2f: {  	v51 =	vimm.s32 $0xFFFFFFFF;
	v0 =	vld.idx.msk [tilespmem:v0+s13+$0x0], $0xffff  }
0x30: {  	v2 =	vimm.s32 $0xFFFFFFFD;
	v33 =	vimm.s32 $0xFFFFFFFD;
	v56 =	vimm.s32 $0xFFFFFFF7;
	s2 =	sadd.s32 $0x900, s23  }
0x31: {  	v45 =	vimm.s32 $0xFFFFFFE5;
	v26 =	vimm.s32 $0xFFFFFFE5;
	v58 =	vadd.s32 s2, v3;
	v14 =	vld.idx.msk [tilespmem:v14+s13+$0x0], $0xffff  }
0x32: {  	v44 =	vor.u32 v5, v42;
	v60 =	vor.u32 v4, v58;
	v62 =	vor.u32 v5, v58;
	v48 =	vld.idx.msk [tilespmem:v16+s13+$0x0], $0xffff  }
0x33: {  	v24 =	vor.u32 v10, v58;
	v25 =	vor.u32 v39, v58;
	v8 =	vand.u32 $0x7FFFFFFF, v1  }
0x34: {  	v9 =	vand.u32 $0x7FFFFFFF, v6;
	v11 =	vand.u32 $0x7FFFFFFF, v7;
	v12 =	vand.u32 $0x7FFFFFFF, v0  }
0x35: {  	vm0 =	vge.f32 v1, $0.0e+00;
	vm1 =	vge.f32 v6, $0.0e+00;
	vm4 =	vge.f32 v7, $0.0e+00  }
0x36: {  	vm5 =	vge.f32 v0, $0.0e+00;
	v1 =	vor.u32 v39, v42;
	v52 =	vand.u32 $0x7FFFFFFF, v14  }
0x37: {  	v57 =	vand.u32 $0x7FFFFFFF, v48;
	vm11 =	vge.f32 v14, $0.0e+00;
	vm13 =	vge.f32 v48, $0.0e+00  }
0x38: {  	v43 =	vsel vm0, $0x1, v51;
	v13 =	vsel vm1, $0x3, v2;
	v7 =	vsel vm4, $0x9, v56  }
0x39: {  	v15 =	vsel vm5, $0x1B, v45;
	vm6 =	vle.f32 v8, v9;
	v17 =	vmin.f32 v8, v9  }
0x3a: {  	v32 =	vld.idx.msk [tilespmem:v60+s13+$0x0], $0xffff;
	v8 =	vmax.f32 v8, v9;
	vm7 =	vle.f32 v11, v12;
	v47 =	vmin.f32 v11, v12  }
0x3b: {  	v12 =	vmax.f32 v11, v12;
	v14 =	vsel vm11, $0x1, v51;
	v19 =	vsel vm13, $0x9, v56  }
0x3c: {  	v2 =	vimm.s32 $0xFFFFFFE5;
	v46 =	vsel vm6, v43, v13;
	v6 =	vsel vm6, v13, v43  }
0x3d: {  	v18 =	vsel vm7, v7, v15;
	v7 =	vsel vm7, v15, v7;
	vm8 =	vle.f32 v17, v47  }
0x3e: {  	v0 =	vld.idx.msk [tilespmem:v44+s13+$0x0], $0xffff;
	v41 =	vmin.f32 v17, v47;
	v13 =	vmax.f32 v17, v47;
	vm9 =	vle.f32 v8, v12  }
0x3f: {  	v49 =	vmin.f32 v8, v12;
	v55 =	vmax.f32 v8, v12;
	v47 =	vand.u32 $0x7FFFFFFF, v32  }
0x40: {  	v54 =	vsel vm8, v46, v18;
	v9 =	vsel vm8, v18, v46;
	v50 =	vsel vm9, v6, v7  }
0x41: {  	v17 =	vld.idx.msk [tilespmem:v24+s13+$0x0], $0xffff;
	v37 =	vsel vm9, v7, v6;
	vm10 =	vle.f32 v49, v13;
	v61 =	vmin.f32 v49, v13  }
0x42: {  	v43 =	vmax.f32 v49, v13;
	vm8 =	vge.f32 v32, $0.0e+00;
	v36 =	vsel vm10, v50, v9  }
0x43: {  	v45 =	vsel vm10, v9, v50;
	v1 =	vld.idx.msk [tilespmem:v1+s13+$0x0], $0xffff;
	v53 =	vand.u32 $0x7FFFFFFF, v0;
	vm12 =	vge.f32 v0, $0.0e+00  }
0x44: {  	s2 =	sadd.s32 $0x980, s23;
	v0 =	vld.idx.msk [tilespmem:v62+s13+$0x0], $0xffff;
	v63 =	vsel vm12, $0x3, v33;
	vm15 =	vle.f32 v52, v53;
	v20 =	vmin.f32 v52, v53  }
0x45: {  	v6 =	vmax.f32 v52, v53;
	v52 =	vadd.s32 s2, v3;
	v53 =	vsel vm8, $0x1, v51  }
0x46: {  	v31 =	vsel vm15, v14, v63;
	v14 =	vsel vm15, v63, v14;
	v49 =	vand.u32 $0x7FFFFFFF, v17  }
0x47: {  	v58 =	vor.u32 v4, v52;
	vm10 =	vge.f32 v17, $0.0e+00;
	v62 =	vor.u32 v10, v52  }
0x48: {  	v17 =	vsel vm10, $0x9, v56;
	v59 =	vand.u32 $0x7FFFFFFF, v1;
	vm14 =	vge.f32 v1, $0.0e+00  }
0x49: {  	v48 =	vand.u32 $0x7FFFFFFF, v0;
	vm9 =	vge.f32 v0, $0.0e+00;
	v0 =	vor.u32 v39, v52  }
0x4a: {  	v30 =	vsel vm14, $0x1B, v26;
	vm4 =	vle.f32 v57, v59;
	v21 =	vmin.f32 v57, v59  }
0x4b: {  	v8 =	vmax.f32 v57, v59;
	v57 =	vsel vm9, $0x3, v33;
	v59 =	vor.u32 v5, v52  }
0x4c: {  	vm12 =	vle.f32 v47, v48;
	v24 =	vmin.f32 v47, v48;
	v34 =	vsel vm4, v19, v30  }
0x4d: {  	v9 =	vsel vm4, v30, v19;
	vm5 =	vle.f32 v20, v21;
	v63 =	vmin.f32 v20, v21  }
0x4e: {  	v1 =	vld.idx.msk [tilespmem:v25+s13+$0x0], $0xffff;
	v35 =	vmax.f32 v20, v21;
	vm6 =	vle.f32 v6, v8;
	v40 =	vmin.f32 v6, v8  }
0x4f: {  	v6 =	vmax.f32 v6, v8;
	v25 =	vsel vm12, v53, v57;
	v12 =	vsel vm12, v57, v53  }
0x50: {  	v20 =	vld.idx.msk [tilespmem:v62+s13+$0x0], $0xffff;
	v62 =	vimm.s32 $0xFFFFFFE5;
	v38 =	vsel vm5, v31, v34;
	v7 =	vsel vm5, v34, v31  }
0x51: {  	v42 =	vsel vm6, v14, v9;
	v44 =	vsel vm6, v9, v14;
	vm7 =	vle.f32 v40, v35  }
0x52: {  	v22 =	vmin.f32 v40, v35;
	v29 =	vmax.f32 v40, v35;
	v46 =	vsel vm7, v42, v7  }
0x53: {  	s2 =	sadd.s32 $0xA00, s23;
	[tilespmem:$0x1FC70] =	vst v6;
	v6 =	vsel vm7, v7, v42;
	v50 =	vand.u32 $0x7FFFFFFF, v1;
	vm11 =	vge.f32 v1, $0.0e+00  }
0x54: {  	v27 =	vld.idx.msk [tilespmem:v58+s13+$0x0], $0xffff;
	[tilespmem:$0x1FC50] =	vst v6;
	v6 =	vmax.f32 v47, v48;
	v48 =	vadd.s32 s2, v3;
	v60 =	vsel vm11, $0x1B, v26  }
0x55: {  	vm13 =	vle.f32 v49, v50;
	v26 =	vmin.f32 v49, v50;
	v8 =	vmax.f32 v49, v50  }
0x56: {  	v50 =	vor.u32 v4, v48;
	v53 =	vor.u32 v5, v48;
	v58 =	vor.u32 v10, v48  }
0x57: {  	v28 =	vsel vm13, v17, v60;
	v19 =	vsel vm13, v60, v17;
	vm14 =	vle.f32 v24, v26  }
0x58: {  	v30 =	vmin.f32 v24, v26;
	v14 =	vmax.f32 v24, v26;
	vm15 =	vle.f32 v6, v8  }
0x59: {  	[tilespmem:$0x1FC40] =	vst v44;
	v0 =	vld.idx.msk [tilespmem:v0+s13+$0x0], $0xffff;
	v32 =	vmin.f32 v6, v8;
	v34 =	vmax.f32 v6, v8;
	v44 =	vand.u32 $0x7FFFFFFF, v27  }
0x5a: {  	v1 =	vld.idx.msk [tilespmem:v59+s13+$0x0], $0xffff;
	v47 =	vand.u32 $0x7FFFFFFF, v20;
	vm5 =	vge.f32 v27, $0.0e+00;
	vm7 =	vge.f32 v20, $0.0e+00  }
0x5b: {  	v60 =	vor.u32 v39, v48;
	v31 =	vsel vm14, v25, v28;
	v7 =	vsel vm14, v28, v25  }
0x5c: {  	[tilespmem:$0x1FC80] =	vst v38;
	v35 =	vsel vm15, v12, v19;
	v38 =	vsel vm15, v19, v12;
	vm4 =	vle.f32 v32, v14  }
0x5d: {  	[tilespmem:$0x1FCE0] =	vst v30;
	v17 =	vmin.f32 v32, v14;
	v30 =	vmax.f32 v32, v14;
	v52 =	vsel vm5, $0x1, v51  }
0x5e: {  	v59 =	vsel vm7, $0x9, v56;
	v40 =	vsel vm4, v35, v7;
	v42 =	vsel vm4, v7, v35  }
0x5f: {  	[tilespmem:$0x1FC60] =	vst v46;
	v49 =	vand.u32 $0x7FFFFFFF, v0;
	vm8 =	vge.f32 v0, $0.0e+00;
	v46 =	vand.u32 $0x7FFFFFFF, v1  }
0x60: {  	s2 =	sadd.s32 $0xA80, s23;
	[tilespmem:$0x1FCC0] =	vst v31;
	vm6 =	vge.f32 v1, $0.0e+00;
	v31 =	vsel vm8, $0x1B, v62;
	vm10 =	vle.f32 v47, v49  }
0x61: {  	[tilespmem:$0x1FCD0] =	vst v34;
	v24 =	vmin.f32 v47, v49;
	v8 =	vmax.f32 v47, v49;
	v1 =	vld.idx.msk [tilespmem:v53+s13+$0x0], $0xffff;
	v53 =	vadd.s32 s2, v3  }
0x62: {  	[tilespmem:$0x1FC90] =	vst v38;
	v57 =	vsel vm6, $0x3, v33;
	vm9 =	vle.f32 v44, v46;
	v23 =	vmin.f32 v44, v46  }
0x63: {  	[tilespmem:$0x1FCB0] =	vst v40;
	v6 =	vmax.f32 v44, v46;
	v34 =	vsel vm10, v59, v31;
	v12 =	vsel vm10, v31, v59  }
0x64: {  	v20 =	vld.idx.msk [tilespmem:v58+s13+$0x0], $0xffff;
	v58 =	vor.u32 v4, v53;
	v59 =	vor.u32 v5, v53;
	v32 =	vsel vm9, v52, v57  }
0x65: {  	v9 =	vld.idx.msk [tilespmem:v50+s13+$0x0], $0xffff;
	v19 =	vsel vm9, v57, v52;
	vm11 =	vle.f32 v23, v24;
	v35 =	vmin.f32 v23, v24  }
0x66: {  	[tilespmem:$0x1FCA0] =	vst v42;
	v38 =	vmax.f32 v23, v24;
	vm12 =	vle.f32 v6, v8;
	v42 =	vmin.f32 v6, v8  }
0x67: {  	v0 =	vld.idx.msk [tilespmem:v60+s13+$0x0], $0xffff;
	v6 =	vmax.f32 v6, v8;
	v40 =	vsel vm11, v32, v34;
	v7 =	vsel vm11, v34, v32  }
0x68: {  	v44 =	vsel vm12, v19, v12;
	v46 =	vsel vm12, v12, v19;
	vm13 =	vle.f32 v42, v38  }
0x69: {  	v28 =	vmin.f32 v42, v38;
	v26 =	vmax.f32 v42, v38;
	v47 =	vsel vm13, v44, v7  }
0x6a: {  	[tilespmem:$0x1FD30] =	vst v6;
	v6 =	vsel vm13, v7, v44;
	v48 =	vand.u32 $0x7FFFFFFF, v9;
	v49 =	vand.u32 $0x7FFFFFFF, v1  }
0x6b: {  	v50 =	vand.u32 $0x7FFFFFFF, v20;
	vm14 =	vge.f32 v9, $0.0e+00;
	vm15 =	vge.f32 v1, $0.0e+00  }
0x6c: {  	vm4 =	vge.f32 v20, $0.0e+00;
	v1 =	vor.u32 v39, v53;
	v52 =	vand.u32 $0x7FFFFFFF, v0  }
0x6d: {  	v9 =	vsel vm14, $0x1, v51;
	v57 =	vsel vm15, $0x3, v33;
	vm5 =	vge.f32 v0, $0.0e+00  }
0x6e: {  	v20 =	vsel vm4, $0x9, v56;
	vm6 =	vle.f32 v48, v49;
	v31 =	vmin.f32 v48, v49  }
0x6f: {  	[tilespmem:$0x1FD00] =	vst v6;
	v6 =	vmax.f32 v48, v49;
	v60 =	vsel vm5, $0x1B, v62;
	v62 =	vor.u32 v10, v53  }
0x70: {  	s2 =	sadd.s32 $0xB00, s23;
	[tilespmem:$0x1FD40] =	vst v35;
	v32 =	vsel vm6, v9, v57;
	v9 =	vsel vm6, v57, v9;
	vm7 =	vle.f32 v50, v52  }
0x71: {  	[tilespmem:$0x1FD20] =	vst v40;
	v34 =	vmin.f32 v50, v52;
	v8 =	vmax.f32 v50, v52;
	v57 =	vadd.s32 s2, v3  }
0x72: {  	v35 =	vld.idx.msk [tilespmem:v58+s13+$0x0], $0xffff;
	v38 =	vsel vm7, v20, v60;
	v20 =	vsel vm7, v60, v20;
	vm8 =	vle.f32 v31, v34  }
0x73: {  	v0 =	vld.idx.msk [tilespmem:v59+s13+$0x0], $0xffff;
	v40 =	vmin.f32 v31, v34;
	v14 =	vmax.f32 v31, v34;
	vm9 =	vle.f32 v6, v8  }
0x74: {  	[tilespmem:$0x1FCF0] =	vst v46;
	v46 =	vmin.f32 v6, v8;
	v6 =	vmax.f32 v6, v8;
	v59 =	vor.u32 v4, v57  }
0x75: {  	[tilespmem:$0x1FD10] =	vst v47;
	v42 =	vsel vm8, v32, v38;
	v7 =	vsel vm8, v38, v32;
	v47 =	vsel vm9, v9, v20  }
0x76: {  	[tilespmem:$0x1FDA0] =	vst v40;
	v48 =	vsel vm9, v20, v9;
	vm10 =	vle.f32 v46, v14;
	v40 =	vmin.f32 v46, v14  }
0x77: {  	v18 =	vmax.f32 v46, v14;
	v32 =	vor.u32 v10, v57;
	v1 =	vld.idx.msk [tilespmem:v1+s13+$0x0], $0xffff;
	v49 =	vsel vm10, v47, v7  }
0x78: {  	[tilespmem:$0x1FD90] =	vst v6;
	v6 =	vsel vm10, v7, v47;
	v50 =	vand.u32 $0x7FFFFFFF, v35;
	v52 =	vand.u32 $0x7FFFFFFF, v0;
	v44 =	vld.idx.msk [tilespmem:v62+s13+$0x0], $0xffff  }
0x79: {  	[tilespmem:$0x1FD80] =	vst v42;
	vm11 =	vge.f32 v35, $0.0e+00;
	vm12 =	vge.f32 v0, $0.0e+00;
	v35 =	vor.u32 v39, v57  }
0x7a: {  	[tilespmem:$0x1FD60] =	vst v6;
	v60 =	vsel vm11, $0x1, v51;
	v62 =	vor.u32 v5, v57;
	v31 =	vsel vm12, $0x3, v33  }
0x7b: {  	vm15 =	vle.f32 v50, v52;
	v42 =	vmin.f32 v50, v52;
	v6 =	vmax.f32 v50, v52;
	v12 =	vld.idx.msk [tilespmem:v59+s13+$0x0], $0xffff  }
0x7c: {  	v19 =	vsel vm15, v31, v60;
	v58 =	vand.u32 $0x7FFFFFFF, v1;
	vm14 =	vge.f32 v1, $0.0e+00  }
0x7d: {  	s2 =	sadd.s32 $0xB80, s23;
	v38 =	vsel vm14, $0x1B, v2;
	v53 =	vand.u32 $0x7FFFFFFF, v44;
	vm13 =	vge.f32 v44, $0.0e+00  }
0x7e: {  	v21 =	vld.idx.msk [tilespmem:v32+s13+$0x0], $0xffff;
	v44 =	vsel vm15, v60, v31;
	v31 =	vadd.s32 s2, v3;
	v34 =	vsel vm13, $0x9, v56  }
0x7f: {  	vm4 =	vle.f32 v53, v58;
	v46 =	vmin.f32 v53, v58;
	v8 =	vmax.f32 v53, v58  }
0x80: {  	v58 =	vand.u32 $0x7FFFFFFF, v12;
	vm8 =	vge.f32 v12, $0.0e+00;
	v47 =	vsel vm4, v34, v38  }
0x81: {  	[tilespmem:$0x1FD50] =	vst v48;
	v9 =	vsel vm4, v38, v34;
	vm5 =	vle.f32 v42, v46;
	v48 =	vmin.f32 v42, v46  }
0x82: {  	v20 =	vmax.f32 v42, v46;
	vm6 =	vle.f32 v6, v8;
	v50 =	vmin.f32 v6, v8  }
0x83: {  	v1 =	vld.idx.msk [tilespmem:v35+s13+$0x0], $0xffff;
	v6 =	vmax.f32 v6, v8;
	v60 =	vand.u32 $0x7FFFFFFF, v21;
	v12 =	vsel vm8, $0x1, v51  }
0x84: {  	v0 =	vld.idx.msk [tilespmem:v62+s13+$0x0], $0xffff;
	v38 =	vor.u32 v4, v31;
	vm10 =	vge.f32 v21, $0.0e+00;
	v42 =	vor.u32 v5, v31  }
0x85: {  	[tilespmem:$0x1FD70] =	vst v49;
	v49 =	vsel vm5, v44, v47;
	v7 =	vsel vm5, v47, v44;
	v52 =	vsel vm6, v19, v9  }
0x86: {  	v53 =	vsel vm6, v9, v19;
	vm7 =	vle.f32 v50, v20;
	v35 =	vmin.f32 v50, v20  }
0x87: {  	v32 =	vmax.f32 v50, v20;
	v44 =	vsel vm10, $0x9, v56;
	v47 =	vor.u32 v10, v31  }
0x88: {  	[tilespmem:$0x1FDF0] =	vst v6;
	v57 =	vsel vm7, v52, v7;
	v6 =	vsel vm7, v7, v52;
	v62 =	vand.u32 $0x7FFFFFFF, v1  }
0x89: {  	vm11 =	vge.f32 v1, $0.0e+00;
	v59 =	vand.u32 $0x7FFFFFFF, v0;
	vm9 =	vge.f32 v0, $0.0e+00  }
0x8a: {  	[tilespmem:$0x1FE00] =	vst v48;
	v46 =	vsel vm11, $0x1B, v2;
	v0 =	vor.u32 v39, v31;
	vm13 =	vle.f32 v60, v62  }
0x8b: {  	[tilespmem:$0x1FDE0] =	vst v49;
	v50 =	vmin.f32 v60, v62;
	v8 =	vmax.f32 v60, v62;
	v34 =	vsel vm9, $0x3, v33  }
0x8c: {  	[tilespmem:$0x1FDC0] =	vst v6;
	vm12 =	vle.f32 v58, v59;
	v48 =	vmin.f32 v58, v59;
	v6 =	vmax.f32 v58, v59  }
0x8d: {  	[tilespmem:$0x1FDB0] =	vst v53;
	v53 =	vsel vm13, v44, v46;
	v20 =	vsel vm13, v46, v44;
	v49 =	vsel vm12, v12, v34  }
0x8e: {  	[tilespmem:$0x1FDD0] =	vst v57;
	v12 =	vsel vm12, v34, v12;
	vm14 =	vle.f32 v48, v50;
	v57 =	vmin.f32 v48, v50  }
0x8f: {  	s2 =	sadd.s32 $0xC00, s23;
	v52 =	vld.idx.msk [tilespmem:v38+s13+$0x0], $0xffff;
	v14 =	vmax.f32 v48, v50;
	vm15 =	vle.f32 v6, v8;
	v60 =	vmin.f32 v6, v8  }
0x90: {  	v1 =	vld.idx.msk [tilespmem:v42+s13+$0x0], $0xffff;
	v6 =	vmax.f32 v6, v8;
	v38 =	vadd.s32 s2, v3;
	v58 =	vsel vm14, v49, v53  }
0x91: {  	v59 =	vld.idx.msk [tilespmem:v47+s13+$0x0], $0xffff;
	v7 =	vsel vm14, v53, v49;
	v62 =	vsel vm15, v12, v20;
	v16 =	vsel vm15, v20, v12  }
0x92: {  	vm4 =	vle.f32 v60, v14;
	v34 =	vmin.f32 v60, v14;
	v15 =	vmax.f32 v60, v14  }
0x93: {  	v44 =	vor.u32 v4, v38;
	v47 =	vor.u32 v5, v38;
	v50 =	vor.u32 v10, v38  }
0x94: {  	[tilespmem:$0x1FE50] =	vst v6;
	v20 =	vsel vm4, v62, v7;
	v6 =	vsel vm4, v7, v62;
	v0 =	vld.idx.msk [tilespmem:v0+s13+$0x0], $0xffff;
	v23 =	vand.u32 $0x7FFFFFFF, v52  }
0x95: {  	v24 =	vand.u32 $0x7FFFFFFF, v1;
	vm5 =	vge.f32 v52, $0.0e+00;
	vm6 =	vge.f32 v1, $0.0e+00  }
0x96: {  	v25 =	vand.u32 $0x7FFFFFFF, v59;
	v31 =	vsel vm5, $0x1, v51;
	vm7 =	vge.f32 v59, $0.0e+00  }
0x97: {  	vm3 =	vle.f32 v23, v24;
	v42 =	vmin.f32 v23, v24;
	v46 =	vsel vm6, $0x3, v33  }
0x98: {  	[tilespmem:$0x1FE20] =	vst v6;
	v6 =	vmax.f32 v23, v24;
	v48 =	vsel vm3, v31, v46;
	v7 =	vsel vm3, v46, v31  }
0x99: {  	[tilespmem:$0x1FE70] =	vst v57;
	v21 =	vsel vm7, $0x9, v56;
	v27 =	vand.u32 $0x7FFFFFFF, v0;
	vm2 =	vge.f32 v0, $0.0e+00  }
0x9a: {  	[tilespmem:$0x1FE40] =	vst v58;
	v0 =	vor.u32 v39, v38;
	vm8 =	vle.f32 v25, v27;
	v52 =	vsel vm2, $0x1B, v2  }
0x9b: {  	v14 =	vld.idx.msk [tilespmem:v44+s13+$0x0], $0xffff;
	v49 =	vmin.f32 v25, v27;
	v8 =	vmax.f32 v25, v27;
	v53 =	vsel vm8, v21, v52  }
0x9c: {  	v58 =	vld.idx.msk [tilespmem:v47+s13+$0x0], $0xffff;
	v21 =	vsel vm8, v52, v21;
	vm9 =	vle.f32 v42, v49;
	v57 =	vmin.f32 v42, v49  }
0x9d: {  	s2 =	sadd.s32 $0xC80, s23;
	v24 =	vld.idx.msk [tilespmem:v50+s13+$0x0], $0xffff;
	v1 =	vmax.f32 v42, v49;
	vm10 =	vle.f32 v6, v8;
	v62 =	vmin.f32 v6, v8  }
0x9e: {  	v6 =	vmax.f32 v6, v8;
	v42 =	vadd.s32 s2, v3;
	v59 =	vsel vm9, v48, v53  }
0x9f: {  	[tilespmem:$0x1FE10] =	vst v16;
	v60 =	vsel vm9, v53, v48;
	v16 =	vsel vm10, v7, v21;
	v23 =	vsel vm10, v21, v7  }
0xa0: {  	vm11 =	vle.f32 v62, v1;
	v13 =	vmin.f32 v62, v1;
	v11 =	vmax.f32 v62, v1  }
0xa1: {  	vm12 =	vge.f32 v14, $0.0e+00;
	v31 =	vand.u32 $0x7FFFFFFF, v14;
	vm13 =	vge.f32 v58, $0.0e+00  }
0xa2: {  	v38 =	vand.u32 $0x7FFFFFFF, v58;
	vm15 =	vge.f32 v24, $0.0e+00;
	v7 =	vand.u32 $0x7FFFFFFF, v24  }
0xa3: {  	v44 =	vor.u32 v4, v42;
	v48 =	vor.u32 v5, v42;
	v52 =	vor.u32 v10, v42;
	v0 =	vld.idx.msk [tilespmem:v0+s13+$0x0], $0xffff  }
0xa4: {  	v8 =	vor.u32 v39, v42;
	v25 =	vsel vm11, v16, v60;
	v27 =	vsel vm11, v60, v16  }
0xa5: {  	vm14 =	vle.f32 v31, v38;
	v12 =	vmin.f32 v31, v38;
	v1 =	vmax.f32 v31, v38  }
0xa6: {  	s2 =	sadd.s32 $0xD00, s23;
	v46 =	vsel vm12, $0x1, v51;
	v47 =	vsel vm13, $0x3, v33;
	v53 =	vsel vm15, $0x9, v56  }
0xa7: {  	[tilespmem:$0x1FEC0] =	vst v57;
	v49 =	vsel vm14, v46, v47;
	v19 =	vsel vm14, v47, v46;
	v47 =	vadd.s32 s2, v3  }
0xa8: {  	[tilespmem:$0x1FE90] =	vst v25;
	v57 =	vld.idx.msk [tilespmem:v48+s13+$0x0], $0xffff;
	v48 =	vor.u32 v4, v47;
	vm4 =	vge.f32 v0, $0.0e+00;
	v0 =	vand.u32 $0x7FFFFFFF, v0  }
0xa9: {  	[tilespmem:$0x1FE80] =	vst v27;
	v31 =	vld.idx.msk [tilespmem:v8+s13+$0x0], $0xffff;
	v8 =	vor.u32 v39, v47;
	vm7 =	vle.f32 v7, v0;
	v25 =	vsel vm4, $0x1B, v2  }
0xaa: {  	v14 =	vld.idx.msk [tilespmem:v44+s13+$0x0], $0xffff;
	v50 =	vmin.f32 v7, v0;
	v0 =	vmax.f32 v7, v0;
	v27 =	vsel vm7, v53, v25  }
0xab: {  	v24 =	vsel vm7, v25, v53;
	vm8 =	vle.f32 v12, v50;
	v16 =	vmin.f32 v12, v50  }
0xac: {  	v12 =	vmax.f32 v12, v50;
	vm9 =	vle.f32 v1, v0;
	v60 =	vmin.f32 v1, v0  }
0xad: {  	[tilespmem:$0x1FEA0] =	vst v59;
	v0 =	vmax.f32 v1, v0;
	v58 =	vsel vm8, v49, v27;
	v59 =	vsel vm8, v27, v49  }
0xae: {  	v62 =	vsel vm9, v19, v24;
	v25 =	vsel vm9, v24, v19;
	vm10 =	vle.f32 v60, v12  }
0xaf: {  	[tilespmem:$0x1FEB0] =	vst v6;
	v9 =	vmin.f32 v60, v12;
	v6 =	vmax.f32 v60, v12;
	vm11 =	vge.f32 v14, $0.0e+00  }
0xb0: {  	v27 =	vld.idx.msk [tilespmem:v52+s13+$0x0], $0xffff;
	v42 =	vand.u32 $0x7FFFFFFF, v14;
	vm12 =	vge.f32 v57, $0.0e+00;
	v44 =	vand.u32 $0x7FFFFFFF, v57  }
0xb1: {  	vm15 =	vge.f32 v31, $0.0e+00;
	v7 =	vand.u32 $0x7FFFFFFF, v31;
	v52 =	vor.u32 v5, v47;
	v14 =	vld.idx.msk [tilespmem:v48+s13+$0x0], $0xffff  }
0xb2: {  	[tilespmem:$0x1FF00] =	vst v0;
	v38 =	vsel vm10, v62, v59;
	v0 =	vsel vm10, v59, v62;
	vm13 =	vle.f32 v42, v44  }
0xb3: {  	v46 =	vmin.f32 v42, v44;
	v49 =	vsel vm11, $0x1, v51;
	v50 =	vsel vm12, $0x3, v33  }
0xb4: {  	[tilespmem:$0x1FF10] =	vst v58;
	v58 =	vor.u32 v10, v47;
	v60 =	vsel vm15, $0x1B, v2;
	v2 =	vimm.s32 $0xFFFFFFE5  }
0xb5: {  	[tilespmem:$0x1FEE0] =	vst v0;
	v0 =	vmax.f32 v42, v44;
	v53 =	vsel vm13, v49, v50;
	v19 =	vsel vm13, v50, v49  }
0xb6: {  	s2 =	sadd.s32 $0xD80, s23;
	v8 =	vld.idx.msk [tilespmem:v8+s13+$0x0], $0xffff;
	vm14 =	vge.f32 v27, $0.0e+00;
	v1 =	vand.u32 $0x7FFFFFFF, v27;
	vm12 =	vge.f32 v14, $0.0e+00  }
0xb7: {  	[tilespmem:$0x1FEF0] =	vst v38;
	v38 =	vld.idx.msk [tilespmem:v52+s13+$0x0], $0xffff;
	v48 =	vand.u32 $0x7FFFFFFF, v14;
	v52 =	vadd.s32 s2, v3;
	vm8 =	vle.f32 v1, v7  }
0xb8: {  	v57 =	vmin.f32 v1, v7;
	v1 =	vmax.f32 v1, v7;
	v59 =	vsel vm14, $0x9, v56  }
0xb9: {  	[tilespmem:$0x1FED0] =	vst v25;
	v25 =	vor.u32 v5, v52;
	v62 =	vsel vm8, v59, v60;
	v24 =	vsel vm8, v60, v59  }
0xba: {  	vm9 =	vle.f32 v46, v57;
	v31 =	vmin.f32 v46, v57;
	v12 =	vmax.f32 v46, v57  }
0xbb: {  	vm10 =	vle.f32 v0, v1;
	v46 =	vmin.f32 v0, v1;
	v0 =	vmax.f32 v0, v1  }
0xbc: {  	vm8 =	vge.f32 v8, $0.0e+00;
	v8 =	vand.u32 $0x7FFFFFFF, v8;
	v59 =	vsel vm12, $0x1, v51  }
0xbd: {  	v57 =	vor.u32 v10, v52;
	v42 =	vsel vm9, v53, v62;
	v44 =	vsel vm9, v62, v53  }
0xbe: {  	v7 =	vld.idx.msk [tilespmem:v58+s13+$0x0], $0xffff;
	v47 =	vsel vm10, v19, v24;
	v24 =	vsel vm10, v24, v19;
	vm11 =	vle.f32 v46, v12  }
0xbf: {  	[tilespmem:$0x1FF40] =	vst v31;
	v31 =	vmin.f32 v46, v12;
	v49 =	vmax.f32 v46, v12;
	v53 =	vor.u32 v4, v52  }
0xc0: {  	[tilespmem:$0x1FF20] =	vst v0;
	v12 =	vor.u32 v39, v52;
	v0 =	vimm.s32 $0xFFFFFFFD;
	v27 =	vsel vm11, v47, v44  }
0xc1: {  	[tilespmem:$0x1FE60] =	vst v23;
	v23 =	vsel vm11, v44, v47;
	vm13 =	vge.f32 v38, $0.0e+00;
	v50 =	vand.u32 $0x7FFFFFFF, v38  }
0xc2: {  	v38 =	vsel vm8, $0x1B, v2;
	vm14 =	vle.f32 v48, v50;
	v14 =	vmin.f32 v48, v50  }
0xc3: {  	[tilespmem:$0x1FE30] =	vst v20;
	v1 =	vmax.f32 v48, v50;
	vm15 =	vge.f32 v7, $0.0e+00;
	v60 =	vsel vm13, $0x3, v33  }
0xc4: {  	[tilespmem:$0x1FF30] =	vst v42;
	v7 =	vand.u32 $0x7FFFFFFF, v7;
	v42 =	vsel vm14, v59, v60;
	v20 =	vsel vm14, v60, v59  }
0xc5: {  	vm9 =	vle.f32 v7, v8;
	v62 =	vmin.f32 v7, v8;
	v58 =	vsel vm15, $0x9, v56  }
0xc6: {  	v7 =	vmax.f32 v7, v8;
	v46 =	vsel vm9, v58, v38;
	v48 =	vsel vm9, v38, v58  }
0xc7: {  	vm10 =	vle.f32 v14, v62;
	v52 =	vld.idx.msk [tilespmem:v53+s13+$0x0], $0xffff;
	v59 =	vmin.f32 v14, v62;
	v60 =	vmax.f32 v14, v62  }
0xc8: {  	v62 =	vld.idx.msk [tilespmem:v25+s13+$0x0], $0xffff;
	vm11 =	vle.f32 v1, v7;
	v33 =	vmin.f32 v1, v7;
	v25 =	vsel vm10, v42, v46  }
0xc9: {  	v53 =	vld.idx.msk [tilespmem:v57+s13+$0x0], $0xffff;
	v42 =	vsel vm10, v46, v42;
	v50 =	vsel vm11, v20, v48;
	v14 =	vsel vm11, v48, v20  }
0xca: {  	s2 =	sadd.s32 $0xE00, s23;
	v57 =	vld.idx.msk [tilespmem:v12+s13+$0x0], $0xffff;
	vm12 =	vle.f32 v33, v60;
	v38 =	vmin.f32 v33, v60;
	v33 =	vmax.f32 v33, v60  }
0xcb: {  	v46 =	vadd.s32 s2, v3;
	[tilespmem:$0x1FF50] =	vst v25;
	v25 =	vmax.f32 v1, v7;
	v20 =	vsel vm12, v50, v42  }
0xcc: {  	v19 =	vsel vm12, v42, v50;
	v60 =	vor.u32 v4, v46;
	v12 =	vor.u32 v5, v46  }
0xcd: {  	vm13 =	vge.f32 v52, $0.0e+00;
	v58 =	vand.u32 $0x7FFFFFFF, v52;
	vm14 =	vge.f32 v62, $0.0e+00  }
0xce: {  	[tilespmem:$0x1FF60] =	vst v59;
	v59 =	vand.u32 $0x7FFFFFFF, v62;
	vm8 =	vge.f32 v53, $0.0e+00;
	v7 =	vand.u32 $0x7FFFFFFF, v53  }
0xcf: {  	vm9 =	vge.f32 v57, $0.0e+00;
	v8 =	vand.u32 $0x7FFFFFFF, v57;
	vm15 =	vle.f32 v58, v59  }
0xd0: {  	v21 =	vmin.f32 v58, v59;
	v48 =	vmax.f32 v58, v59;
	v62 =	vsel vm13, $0x1, v51  }
0xd1: {  	v47 =	vsel vm14, $0x3, v0;
	vm10 =	vle.f32 v7, v8;
	v58 =	vmin.f32 v7, v8  }
0xd2: {  	v42 =	vmax.f32 v7, v8;
	v8 =	vor.u32 v10, v46;
	v46 =	vor.u32 v39, v46  }
0xd3: {  	v50 =	vsel vm8, $0x9, v56;
	v53 =	vsel vm9, $0x1B, v2;
	v57 =	vsel vm15, v62, v47;
	v59 =	vld.idx.msk [tilespmem:v60+s13+$0x0], $0xffff  }
0xd4: {  	v52 =	vsel vm15, v47, v62;
	v62 =	vsel vm10, v50, v53;
	v7 =	vsel vm10, v53, v50;
	v44 =	vld.idx.msk [tilespmem:v12+s13+$0x0], $0xffff  }
0xd5: {  	vm11 =	vle.f32 v21, v58;
	v12 =	vmin.f32 v21, v58;
	v60 =	vmax.f32 v21, v58  }
0xd6: {  	vm12 =	vle.f32 v48, v42;
	v58 =	vmin.f32 v48, v42;
	v21 =	vsel vm11, v57, v62  }
0xd7: {  	v57 =	vsel vm11, v62, v57;
	v47 =	vsel vm12, v52, v7;
	vm13 =	vle.f32 v58, v60  }
0xd8: {  	v37 =	vadd.s32 $0x28, v37;
	[tilespmem:$0x1FF70] =	vst v21;
	v21 =	vsel vm13, v47, v57;
	v50 =	vld.idx.msk [tilespmem:v8+s13+$0x0], $0xffff;
	v8 =	vsel vm13, v57, v47  }
0xd9: {  	v46 =	vld.idx.msk [tilespmem:v46+s13+$0x0], $0xffff;
	vm14 =	vge.f32 v59, $0.0e+00;
	v59 =	vand.u32 $0x7FFFFFFF, v59;
	v1 =	vand.u32 $0x7FFFFFFF, v44  }
0xda: {  	vm15 =	vge.f32 v44, $0.0e+00;
	v44 =	vadd.s32 v45, v37;
	vm6 =	vle.f32 v59, v1  }
0xdb: {  	v57 =	vmin.f32 v59, v1;
	v59 =	vmax.f32 v59, v1;
	v1 =	vsel vm15, $0x3, v0;
	v0 =	vld [tilespmem:$0x1FFF0]  }
0xdc: {  	[tilespmem:$0x1FF80] =	vst v12;
	v12 =	vsel vm12, v7, v52;
	v36 =	vadd.s32 v36, v44;
	v7 =	vsel vm14, $0x1, v51  }
0xdd: {  	v53 =	vsel vm6, v7, v1;
	v54 =	vadd.s32 v54, v36  }
0xde: {  	vm7 =	vge.f32 v50, $0.0e+00;
	v47 =	vand.u32 $0x7FFFFFFF, v50;
	v50 =	vand.u32 $0x7FFFFFFF, v46  }
0xdf: {  	v45 =	vsel vm6, v1, v7;
	v7 =	vshll.u32 v54, $0x5;
	vm8 =	vle.f32 v47, v50  }
0xe0: {  	v52 =	vmin.f32 v47, v50;
	v62 =	vmax.f32 v47, v50;
	v47 =	vadd.s32 v0, v7  }
0xe1: {  	v2 =	vimm.s32 $0xFFFFFFE5;
	v36 =	vshll.u32 v36, $0x5;
	v7 =	vld [tilespmem:$0x1FC40];
	[tilespmem:s31+$0xFFFFFE00] =	vst v47  }
0xe2: {  	v44 =	vshll.u32 v44, $0x5;
	v1 =	vsub.f32 v61, v41;
	v36 =	vadd.s32 v0, v36;
	[tilespmem:s29+$0xFFFFFE00] =	vst v41  }
0xe3: {  	v54 =	vsub.f32 v43, v61;
	vm9 =	vge.f32 v46, $0.0e+00;
	v50 =	vsub.f32 v55, v43;
	v47 =	vld [tilespmem:$0x1FC50];
	[tilespmem:s31+$0xFFFFFE10] =	vst v36  }
0xe4: {  	v43 =	vsel vm9, $0x1B, v2;
	v55 =	vld [tilespmem:$0x1FC60];
	v44 =	vadd.s32 v0, v44;
	v41 =	vsel vm7, $0x9, v56;
	[tilespmem:s29+$0xFFFFFE10] =	vst v1  }
0xe5: {  	v61 =	vsel vm8, v41, v43;
	[tilespmem:s31+$0xFFFFFE20] =	vst v44;
	v44 =	vsel vm8, v43, v41;
	v41 =	vld [tilespmem:$0x1FC80]  }
0xe6: {  	v36 =	vadd.s32 $0x28, v7;
	v7 =	vld [tilespmem:$0x1FC70];
	_ =	sdelay $0x1  }
0xe7: {  	v47 =	vadd.s32 v47, v36  }
0xe8: {  	v37 =	vshll.u32 v37, $0x5;
	v46 =	vadd.s32 v55, v47  }
0xe9: {  	v37 =	vadd.s32 v0, v37;
	[tilespmem:s29+$0xFFFFFE20] =	vst v54;
	v43 =	vadd.s32 v41, v46  }
0xea: {  	v55 =	vsub.f32 v29, v22;
	[tilespmem:s31+$0xFFFFFE30] =	vst v37;
	v54 =	vsub.f32 v7, v29;
	v29 =	vshll.u32 v43, $0x5  }
0xeb: {  	s2 =	sadd.s32 $0xE80, s23;
	[tilespmem:s29+$0xFFFFFE30] =	vst v50;
	v29 =	vadd.s32 v0, v29  }
0xec: {  	v22 =	vsub.f32 v22, v63;
	v37 =	vadd.s32 s2, v3;
	s2 =	sadd.s32 $0xFFFFFC80, s26;
	v7 =	vmov v63;
	[tilespmem:s31+$0xFFFFFE40] =	vst v29  }
0xed: {  	vm10 =	vle.f32 v57, v52;
	s28 =	sor.u32 $0x50, s2;
	[tilespmem:s29+$0xFFFFFE40] =	vst v7;
	v7 =	vshll.u32 v47, $0x5;
	v47 =	vld [tilespmem:$0x1FC90]  }
0xee: {  	vm11 =	vle.f32 v59, v62;
	v50 =	vsel vm10, v53, v61;
	[tilespmem:s28+$0x17280] =	vst v22;
	v22 =	vadd.s32 v0, v7;
	v7 =	vld [tilespmem:$0x1FCA0]  }
0xef: {  	v53 =	vsel vm10, v61, v53;
	v61 =	vsel vm11, v45, v44;
	[tilespmem:$0x1FF90] =	vst v50;
	v50 =	vsel vm11, v44, v45;
	v45 =	vld [tilespmem:$0x1FCB0]  }
0xf0: {  	v46 =	vshll.u32 v46, $0x5  }
0xf1: {  	v29 =	vadd.s32 v0, v46  }
0xf2: {  	v46 =	vmin.f32 v59, v62;
	[tilespmem:s28+$0x16280] =	vst v29;
	v29 =	vmax.f32 v57, v52;
	v47 =	vadd.s32 $0x28, v47  }
0xf3: {  	vm12 =	vle.f32 v46, v29;
	v44 =	vadd.s32 v7, v47  }
0xf4: {  	v43 =	vadd.s32 v45, v44;
	v45 =	vsel vm12, v61, v53;
	v53 =	vsel vm12, v53, v61;
	v61 =	vld [tilespmem:$0x1FCC0];
	_ =	sdelay $0x1  }
0xf5: {  	v63 =	vor.u32 v4, v37  }
0xf6: {  	v41 =	vor.u32 v5, v37  }
0xf7: {  	v36 =	vshll.u32 v36, $0x5;
	s28 =	sor.u32 $0x60, s2  }
0xf8: {  	[tilespmem:s28+$0x16280] =	vst v22;
	v22 =	vadd.s32 v0, v36;
	v36 =	vld [tilespmem:$0x1FCD0];
	v7 =	vadd.s32 v61, v43  }
0xf9: {  	[tilespmem:s28+$0x17280] =	vst v55;
	v55 =	vshll.u32 v7, $0x5;
	v7 =	vld [tilespmem:$0x1FCE0]  }
0xfa: {  	v63 =	vld.idx.msk [tilespmem:v63+s13+$0x0], $0xffff  }
0xfb: {  	s25 =	sor.u32 $0x70, s2;
	v41 =	vld.idx.msk [tilespmem:v41+s13+$0x0], $0xffff  }
0xfc: {  	[tilespmem:s25+$0x16280] =	vst v22;
	v22 =	vadd.s32 v0, v55  }
0xfd: {  	v61 =	vsub.f32 v36, v30;
	v43 =	vshll.u32 v43, $0x5;
	[tilespmem:s31+$0xFFFFFE80] =	vst v22  }
0xfe: {  	v30 =	vsub.f32 v30, v17;
	v36 =	vadd.s32 v0, v43;
	v17 =	vsub.f32 v17, v7;
	[tilespmem:s29+$0xFFFFFE80] =	vst v7  }
0xff: {  	v1 =	vshll.u32 v44, $0x5;
	[tilespmem:s31+$0xFFFFFE90] =	vst v36  }
0x100: {  	v2 =	vand.u32 $0x7FFFFFFF, v63;
	v43 =	vadd.s32 v0, v1;
	v55 =	vld [tilespmem:$0x1FCF0];
	v7 =	vand.u32 $0x7FFFFFFF, v41;
	[tilespmem:s29+$0xFFFFFE90] =	vst v17  }
0x101: {  	vm14 =	vle.f32 v2, v7;
	v22 =	vmin.f32 v2, v7;
	v17 =	vmax.f32 v2, v7;
	v7 =	vld [tilespmem:$0x1FD00];
	[tilespmem:s31+$0xFFFFFEA0] =	vst v43  }
0x102: {  	vm13 =	vge.f32 v63, $0.0e+00;
	v63 =	vshll.u32 v47, $0x5;
	[tilespmem:s29+$0xFFFFFEA0] =	vst v30;
	v30 =	vld [tilespmem:$0x1FD10]  }
0x103: {  	vm15 =	vge.f32 v41, $0.0e+00;
	v41 =	vadd.s32 v0, v63;
	v63 =	vld [tilespmem:$0x1FD20];
	_ =	sdelay $0x1  }
0x104: {  	v44 =	vadd.s32 $0x28, v55;
	v55 =	vld [tilespmem:$0x1FD30]  }
0x105: {  	[tilespmem:s25+$0x17280] =	vst v54;
	v54 =	vor.u32 v10, v37;
	v43 =	vadd.s32 v7, v44  }
0x106: {  	v37 =	vor.u32 v39, v37;
	v1 =	vimm.s32 $0xFFFFFFFD;
	v30 =	vadd.s32 v30, v43  }
0x107: {  	v47 =	vsel vm13, $0x1, v51;
	v36 =	vsel vm15, $0x3, v1;
	v7 =	vadd.s32 v63, v30  }
0x108: {  	v2 =	vsel vm14, v47, v36;
	v63 =	vld [tilespmem:$0x1FD40];
	v7 =	vshll.u32 v7, $0x5  }
0x109: {  	[tilespmem:s31+$0xFFFFFEB0] =	vst v41;
	v41 =	vsel vm14, v36, v47;
	v47 =	vsub.f32 v55, v26;
	v55 =	vadd.s32 v0, v7;
	v7 =	vld [tilespmem:$0x1FD50];
	_ =	sdelay $0x1  }
0x10a: {  	v54 =	vld.idx.msk [tilespmem:v54+s13+$0x0], $0xffff  }
0x10b: {  	v37 =	vld.idx.msk [tilespmem:v37+s13+$0x0], $0xffff;
	[tilespmem:s29+$0xFFFFFEB0] =	vst v61  }
0x10c: {  	s2 =	sadd.s32 $0xFFFFFD00, s26;
	v26 =	vsub.f32 v26, v28;
	v61 =	vld [tilespmem:$0x1FD60];
	v30 =	vshll.u32 v30, $0x5;
	[tilespmem:s31+$0xFFFFFEC0] =	vst v55  }
0x10d: {  	s28 =	sor.u32 $0x50, s2;
	v30 =	vadd.s32 v0, v30;
	v28 =	vsub.f32 v28, v63;
	[tilespmem:s29+$0xFFFFFEC0] =	vst v63;
	v55 =	vadd.s32 $0x28, v7;
	v7 =	vld [tilespmem:$0x1FD70]  }
0x10e: {  	v36 =	vld [tilespmem:$0x1FD80];
	v43 =	vshll.u32 v43, $0x5;
	[tilespmem:s28+$0x16280] =	vst v30  }
0x10f: {  	v43 =	vadd.s32 v0, v43;
	[tilespmem:s28+$0x17280] =	vst v28;
	s28 =	sor.u32 $0x60, s2  }
0x110: {  	[tilespmem:s28+$0x16280] =	vst v43  }
0x111: {  	s25 =	sor.u32 $0x70, s2;
	vm4 =	vge.f32 v54, $0.0e+00;
	v61 =	vadd.s32 v61, v55;
	[tilespmem:s28+$0x17280] =	vst v26  }
0x112: {  	vm5 =	vge.f32 v37, $0.0e+00;
	v63 =	vshll.u32 v44, $0x5;
	[tilespmem:s25+$0x17280] =	vst v47;
	v47 =	vld [tilespmem:$0x1FDA0];
	v44 =	vadd.s32 v7, v61  }
0x113: {  	v37 =	vand.u32 $0x7FFFFFFF, v37;
	v28 =	vand.u32 $0x7FFFFFFF, v54;
	v30 =	vadd.s32 v36, v44  }
0x114: {  	vm6 =	vle.f32 v28, v37;
	v26 =	vadd.s32 v0, v63;
	v36 =	vshll.u32 v30, $0x5  }
0x115: {  	v43 =	vsel vm4, $0x9, v56;
	[tilespmem:s25+$0x16280] =	vst v26;
	v7 =	vimm.s32 $0xFFFFFFE5;
	v36 =	vadd.s32 v0, v36  }
0x116: {  	v26 =	vmin.f32 v28, v37;
	v54 =	vsel vm5, $0x1B, v7;
	v44 =	vshll.u32 v44, $0x5;
	[tilespmem:s31+$0xFFFFFF00] =	vst v36  }
0x117: {  	v30 =	vsub.f32 v18, v40;
	v40 =	vsub.f32 v40, v47;
	[tilespmem:s29+$0xFFFFFF00] =	vst v47;
	v47 =	vadd.s32 v0, v44  }
0x118: {  	vm7 =	vle.f32 v22, v26;
	v63 =	vsel vm6, v43, v54;
	[tilespmem:s31+$0xFFFFFF10] =	vst v47;
	v47 =	vld [tilespmem:$0x1FDB0]  }
0x119: {  	v36 =	vsel vm7, v2, v63;
	v2 =	vsel vm7, v63, v2;
	v63 =	vshll.u32 v61, $0x5;
	v61 =	vld [tilespmem:$0x1FDC0];
	_ =	sdelay $0x2  }
0x11a: {  	v28 =	vmax.f32 v28, v37  }
0x11b: {  	v37 =	vadd.s32 v0, v63;
	v63 =	vshll.u32 v55, $0x5;
	v55 =	vld [tilespmem:$0x1FDD0];
	v44 =	vadd.s32 $0x28, v47  }
0x11c: {  	[tilespmem:s29+$0xFFFFFF10] =	vst v40;
	v40 =	vadd.s32 v61, v44;
	v61 =	vld [tilespmem:$0x1FDE0];
	_ =	sdelay $0x3  }
0x11d: {  	v47 =	vadd.s32 v55, v40  }
0x11e: {  	[tilespmem:s31+$0xFFFFFF20] =	vst v37;
	v37 =	vadd.s32 v0, v63;
	v63 =	vadd.s32 v61, v47;
	v61 =	vld [tilespmem:$0x1FE00];
	_ =	sdelay $0x1  }
0x11f: {  	vm8 =	vle.f32 v17, v28;
	v43 =	vsel vm6, v54, v43;
	v54 =	vld [tilespmem:$0x1FD90]  }
0x120: {  	[tilespmem:s29+$0xFFFFFF20] =	vst v30;
	v30 =	vsel vm8, v43, v41;
	v55 =	vsel vm8, v41, v43;
	v43 =	vld [tilespmem:$0x1FDF0];
	v41 =	vshll.u32 v63, $0x5  }
0x121: {  	v42 =	vmax.f32 v48, v42;
	v48 =	vadd.s32 v0, v41  }
0x122: {  	s2 =	sadd.s32 $0xF00, s23;
	s28 =	sadd.s32 $0xFFFFFD80, s26;
	[tilespmem:s31+$0xFFFFFF40] =	vst v48;
	v63 =	vsub.f32 v35, v61  }
0x123: {  	v41 =	vadd.s32 s2, v3;
	s2 =	sor.u32 $0x50, s28;
	[tilespmem:s29+$0xFFFFFF40] =	vst v61;
	v61 =	vld [tilespmem:$0x1FE10]  }
0x124: {  	v54 =	vsub.f32 v54, v18;
	v40 =	vshll.u32 v40, $0x5;
	[tilespmem:s2+$0x17280] =	vst v63;
	v63 =	vld [tilespmem:$0x1FE20]  }
0x125: {  	[tilespmem:s31+$0xFFFFFF30] =	vst v37;
	v37 =	vsub.f32 v43, v32;
	v43 =	vsub.f32 v32, v35;
	v32 =	vadd.s32 v0, v40;
	v40 =	vld [tilespmem:$0x1FE30];
	_ =	sdelay $0x1  }
0x126: {  	v18 =	vmin.f32 v17, v28;
	[tilespmem:s29+$0xFFFFFF30] =	vst v54;
	v54 =	vshll.u32 v47, $0x5  }
0x127: {  	v54 =	vadd.s32 v0, v54;
	v35 =	vmax.f32 v22, v26;
	v47 =	vadd.s32 $0x28, v61  }
0x128: {  	[tilespmem:s2+$0x16280] =	vst v54;
	vm9 =	vle.f32 v18, v35;
	s2 =	sor.u32 $0x60, s28;
	v61 =	vadd.s32 v63, v47  }
0x129: {  	[tilespmem:s2+$0x16280] =	vst v32;
	v32 =	vsel vm9, v55, v2;
	v63 =	vadd.s32 v40, v61;
	v40 =	vsel vm9, v2, v55;
	v55 =	vld [tilespmem:$0x1FE40];
	_ =	sdelay $0x4  }
0x12a: {  	[tilespmem:s2+$0x17280] =	vst v43;
	v43 =	vadd.s32 v55, v63;
	v55 =	vld [tilespmem:$0x1FE50];
	_ =	sdelay $0x2  }
0x12b: {  	v44 =	vshll.u32 v44, $0x5  }
0x12c: {  	v48 =	vor.u32 v4, v41;
	s2 =	sor.u32 $0x70, s28;
	v2 =	vadd.s32 v0, v44  }
0x12d: {  	[tilespmem:s2+$0x16280] =	vst v2;
	v2 =	vsub.f32 v55, v15;
	v55 =	vld [tilespmem:$0x1FE60];
	_ =	sdelay $0x2  }
0x12e: {  	v54 =	vor.u32 v5, v41  }
0x12f: {  	v44 =	vld.idx.msk [tilespmem:v48+s13+$0x0], $0xffff;
	v43 =	vshll.u32 v43, $0x5  }
0x130: {  	[tilespmem:s2+$0x17280] =	vst v37;
	v63 =	vshll.u32 v63, $0x5;
	v37 =	vadd.s32 v0, v43;
	v48 =	vadd.s32 $0x28, v55;
	v55 =	vld [tilespmem:$0x1FE70]  }
0x131: {  	[tilespmem:s31+$0xFFFFFF80] =	vst v37;
	v37 =	vadd.s32 v0, v63;
	v63 =	vld [tilespmem:$0x1FE80];
	_ =	sdelay $0x1  }
0x132: {  	v54 =	vld.idx.msk [tilespmem:v54+s13+$0x0], $0xffff;
	_ =	sdelay $0x1  }
0x133: {  	v15 =	vsub.f32 v15, v34;
	v34 =	vsub.f32 v34, v55;
	[tilespmem:s29+$0xFFFFFF80] =	vst v55;
	v55 =	vshll.u32 v61, $0x5;
	v61 =	vld [tilespmem:$0x1FE90]  }
0x134: {  	v43 =	vadd.s32 v63, v48;
	v63 =	vld [tilespmem:$0x1FEA0]  }
0x135: {  	v47 =	vshll.u32 v47, $0x5  }
0x136: {  	v47 =	vadd.s32 v0, v47;
	vm11 =	vge.f32 v54, $0.0e+00;
	[tilespmem:s31+$0xFFFFFF90] =	vst v37  }
0x137: {  	v1 =	vsel vm11, $0x3, v1;
	vm10 =	vge.f32 v44, $0.0e+00;
	v37 =	vadd.s32 v0, v55;
	[tilespmem:s29+$0xFFFFFF90] =	vst v34  }
0x138: {  	[tilespmem:s31+$0xFFFFFFA0] =	vst v37;
	v37 =	vand.u32 $0x7FFFFFFF, v44;
	v44 =	vand.u32 $0x7FFFFFFF, v54;
	v61 =	vadd.s32 v61, v43  }
0x139: {  	[tilespmem:s29+$0xFFFFFFA0] =	vst v15;
	vm12 =	vle.f32 v37, v44;
	v55 =	vadd.s32 v63, v61;
	v63 =	vsel vm10, $0x1, v51  }
0x13a: {  	[tilespmem:s31+$0xFFFFFFB0] =	vst v47;
	v47 =	vsel vm12, v63, v1;
	v15 =	vsel vm12, v1, v63;
	v63 =	vshll.u32 v55, $0x5;
	v55 =	vld [tilespmem:$0x1FEB0];
	_ =	sdelay $0x1  }
0x13b: {  	v54 =	vadd.s32 v0, v63;
	v63 =	vld [tilespmem:$0x1FEC0];
	_ =	sdelay $0x1  }
0x13c: {  	v34 =	vor.u32 v10, v41  }
0x13d: {  	v41 =	vor.u32 v39, v41;
	[tilespmem:s29+$0xFFFFFFB0] =	vst v2;
	v61 =	vshll.u32 v61, $0x5;
	v2 =	vsub.f32 v55, v11;
	v55 =	vld [tilespmem:$0x1FED0]  }
0x13e: {  	[tilespmem:s31+$0xFFFFFFC0] =	vst v54;
	v54 =	vadd.s32 v0, v61;
	v61 =	vld [tilespmem:$0x1FEE0]  }
0x13f: {  	v11 =	vsub.f32 v11, v13;
	v13 =	vsub.f32 v13, v63;
	[tilespmem:s29+$0xFFFFFFC0] =	vst v63;
	v63 =	vld [tilespmem:$0x1FEF0];
	_ =	sdelay $0x2  }
0x140: {  	s2 =	sadd.s32 $0xFFFFFE00, s26;
	v41 =	vld.idx.msk [tilespmem:v41+s13+$0x0], $0xffff;
	v55 =	vadd.s32 $0x28, v55  }
0x141: {  	s28 =	sor.u32 $0x50, s2;
	v34 =	vld.idx.msk [tilespmem:v34+s13+$0x0], $0xffff;
	v61 =	vadd.s32 v61, v55  }
0x142: {  	v43 =	vshll.u32 v43, $0x5;
	[tilespmem:s28+$0x16280] =	vst v54;
	v54 =	vadd.s32 v63, v61;
	v63 =	vld [tilespmem:$0x1FF10]  }
0x143: {  	v43 =	vadd.s32 v0, v43;
	[tilespmem:s28+$0x17280] =	vst v13;
	s28 =	sor.u32 $0x60, s2  }
0x144: {  	v48 =	vshll.u32 v48, $0x5;
	[tilespmem:s28+$0x16280] =	vst v43  }
0x145: {  	s25 =	sor.u32 $0x70, s2;
	vm14 =	vge.f32 v41, $0.0e+00;
	v13 =	vadd.s32 v0, v48;
	[tilespmem:s28+$0x17280] =	vst v11  }
0x146: {  	v25 =	vsub.f32 v25, v33;
	vm13 =	vge.f32 v34, $0.0e+00;
	v7 =	vsel vm14, $0x1B, v7;
	[tilespmem:s25+$0x16280] =	vst v13  }
0x147: {  	v48 =	vld [tilespmem:$0x1FF00];
	v13 =	vmin.f32 v58, v60;
	[tilespmem:s25+$0x17280] =	vst v2;
	v2 =	vand.u32 $0x7FFFFFFF, v41;
	v1 =	vadd.s32 v63, v54  }
0x148: {  	v61 =	vshll.u32 v61, $0x5;
	v54 =	vshll.u32 v54, $0x5;
	v1 =	vshll.u32 v1, $0x5  }
0x149: {  	v43 =	vadd.s32 v0, v54;
	v54 =	vmax.f32 v58, v60;
	v58 =	vand.u32 $0x7FFFFFFF, v34  }
0x14a: {  	v63 =	vadd.s32 v0, v1;
	v1 =	vsel vm13, $0x9, v56;
	vm15 =	vle.f32 v58, v2  }
0x14b: {  	v41 =	vsel vm15, v1, v7;
	v11 =	vsel vm15, v7, v1;
	v1 =	vshll.u32 v55, $0x5;
	v55 =	vld [tilespmem:$0x1FF30]  }
0x14c: {  	v17 =	vmax.f32 v17, v28;
	v48 =	vsub.f32 v48, v6;
	[tilespmem:s31+$0x0] =	vst v63;
	v63 =	vadd.s32 v0, v61;
	v61 =	vld [tilespmem:$0x1FF40]  }
0x14d: {  	v30 =	vadd.s32 $0x28, v30;
	v6 =	vsub.f32 v6, v9;
	v9 =	vsub.f32 v9, v16;
	[tilespmem:s29+$0x0] =	vst v16  }
0x14e: {  	v22 =	vmin.f32 v22, v26;
	v16 =	vadd.s32 $0x28, v24;
	v24 =	vmin.f32 v57, v52;
	v52 =	vld [tilespmem:$0x1FF20];
	[tilespmem:s31+$0x10] =	vst v43  }
0x14f: {  	v7 =	vadd.s32 v0, v1;
	v23 =	vadd.s32 v23, v16;
	v16 =	vshll.u32 v16, $0x5;
	[tilespmem:s29+$0x10] =	vst v9  }
0x150: {  	v27 =	vadd.s32 v27, v23;
	v9 =	vmin.f32 v58, v2;
	v16 =	vadd.s32 v0, v16;
	[tilespmem:s31+$0x20] =	vst v63  }
0x151: {  	v57 =	vadd.s32 v55, v27;
	[tilespmem:s29+$0x20] =	vst v6;
	v63 =	vsub.f32 v31, v61;
	v6 =	vmin.f32 v37, v44  }
0x152: {  	v55 =	vmax.f32 v37, v44;
	v27 =	vshll.u32 v27, $0x5;
	v37 =	vadd.s32 $0x28, v14  }
0x153: {  	v14 =	vmax.f32 v58, v2;
	v34 =	vsub.f32 v52, v49;
	v43 =	vshll.u32 v57, $0x5;
	[tilespmem:s31+$0x30] =	vst v7  }
0x154: {  	v44 =	vld [tilespmem:$0x1FF50];
	v49 =	vsub.f32 v49, v31;
	vm4 =	vle.f32 v6, v9;
	[tilespmem:s29+$0x30] =	vst v48;
	v31 =	vadd.s32 v0, v43  }
0x155: {  	s2 =	sadd.s32 $0xFFFFFE80, s26;
	v27 =	vadd.s32 v0, v27;
	vm5 =	vle.f32 v55, v14;
	v2 =	vsel vm4, v47, v41;
	[tilespmem:s31+$0x40] =	vst v31  }
0x156: {  	s28 =	sor.u32 $0x50, s2;
	v43 =	vshll.u32 v23, $0x5;
	v31 =	vsel vm4, v41, v47;
	v41 =	vadd.s32 v19, v37;
	[tilespmem:s29+$0x40] =	vst v61  }
0x157: {  	v19 =	vadd.s32 v0, v43;
	v43 =	vmax.f32 v59, v62;
	v59 =	vsel vm5, v15, v11;
	[tilespmem:s28+$0x16280] =	vst v27  }
0x158: {  	v11 =	vsel vm5, v11, v15;
	v62 =	vadd.s32 $0x28, v12;
	v20 =	vadd.s32 v20, v41;
	[tilespmem:s28+$0x17280] =	vst v63;
	s28 =	sor.u32 $0x60, s2  }
0x159: {  	v8 =	vadd.s32 v8, v62;
	v11 =	vadd.s32 $0x28, v11;
	v47 =	vadd.s32 v44, v20;
	[tilespmem:s28+$0x17280] =	vst v49;
	v49 =	vld [tilespmem:$0x1FF60]  }
0x15a: {  	s25 =	sor.u32 $0x70, s2;
	v27 =	vsub.f32 v33, v38;
	v58 =	vshll.u32 v20, $0x5;
	[tilespmem:s28+$0x16280] =	vst v19;
	v48 =	vshll.u32 v47, $0x5  }
0x15b: {  	v20 =	vmin.f32 v55, v14;
	v63 =	vmin.f32 v46, v29;
	v57 =	vadd.s32 v0, v48;
	[tilespmem:s25+$0x16280] =	vst v16;
	v48 =	vld [tilespmem:$0x1FF70]  }
0x15c: {  	v44 =	vadd.s32 v21, v8;
	v19 =	vmax.f32 v6, v9;
	v61 =	vadd.s32 v0, v58;
	[tilespmem:s25+$0x17280] =	vst v34  }
0x15d: {  	v47 =	vsub.f32 v42, v54;
	vm6 =	vle.f32 v20, v19;
	v34 =	vshll.u32 v41, $0x5;
	[tilespmem:s31+$0x80] =	vst v57  }
0x15e: {  	v33 =	vsel vm6, v59, v31;
	v15 =	vsel vm6, v31, v59;
	v52 =	vsub.f32 v38, v49;
	[tilespmem:s29+$0x80] =	vst v49  }
0x15f: {  	v15 =	vadd.s32 v15, v11;
	v49 =	vsub.f32 v54, v13;
	v54 =	vadd.s32 $0x28, v50;
	[tilespmem:s31+$0x90] =	vst v61  }
0x160: {  	v38 =	vadd.s32 v0, v34;
	v21 =	vadd.s32 v48, v44;
	v57 =	vadd.s32 v53, v54;
	[tilespmem:s29+$0x90] =	vst v52  }
0x161: {  	v23 =	vshll.u32 v54, $0x5;
	v54 =	vadd.s32 v33, v15;
	v21 =	vshll.u32 v21, $0x5;
	[tilespmem:s31+$0xA0] =	vst v38  }
0x162: {  	v41 =	vshll.u32 v37, $0x5;
	v2 =	vadd.s32 v2, v54;
	v21 =	vadd.s32 v0, v21;
	[tilespmem:s29+$0xA0] =	vst v27  }
0x163: {  	s23 =	sadd.s32 $0xF80, s23;
	v29 =	vmax.f32 v46, v29;
	v46 =	vadd.s32 v0, v41;
	v52 =	vld [tilespmem:$0x1FF80];
	v2 =	vshll.u32 v2, $0x5;
	[tilespmem:s31+$0xC0] =	vst v21  }
0x164: {  	v7 =	vshll.u32 v62, $0x5;
	v62 =	vadd.s32 s23, v3;
	v2 =	vadd.s32 v0, v2;
	[tilespmem:s31+$0xB0] =	vst v46  }
0x165: {  	v8 =	vshll.u32 v8, $0x5;
	v7 =	vadd.s32 v0, v7;
	v12 =	vshll.u32 v44, $0x5;
	[tilespmem:s31+$0x180] =	vst v2  }
0x166: {  	v3 =	vor.u32 v4, v62;
	v6 =	vmin.f32 v6, v9;
	v12 =	vadd.s32 v0, v12;
	[tilespmem:s29+$0xB0] =	vst v25  }
0x167: {  	s25 =	sadd.s32 $0xFFFFFF00, s26;
	v59 =	vadd.s32 v45, v57;
	v21 =	vshll.u32 v57, $0x5;
	v46 =	vadd.s32 v40, v30;
	[tilespmem:s29+$0x180] =	vst v6  }
0x168: {  	s28 =	sor.u32 $0x50, s25;
	v32 =	vadd.s32 v32, v46;
	v57 =	vshll.u32 v46, $0x5;
	v46 =	vshll.u32 v54, $0x5;
	[tilespmem:s29+$0xC0] =	vst v52  }
0x169: {  	v8 =	vadd.s32 v0, v8;
	v61 =	vld [tilespmem:$0x1FF90];
	v13 =	vsub.f32 v13, v52;
	v9 =	vadd.s32 v0, v46;
	[tilespmem:s28+$0x16280] =	vst v12  }
0x16a: {  	v58 =	vsub.f32 v63, v24;
	v42 =	vmax.f32 v18, v35;
	v16 =	vsub.f32 v29, v63;
	[tilespmem:s31+$0x190] =	vst v9  }
0x16b: {  	v60 =	vimm.s32 $0xFFFFFFE5;
	s2 =	sor.u32 $0x60, s25;
	v26 =	vld.idx.msk [tilespmem:v3+s13+$0x0], $0xffff;
	v38 =	vor.u32 v5, v62;
	v48 =	vadd.s32 v36, v32;
	[tilespmem:s28+$0x17280] =	vst v13  }
0x16c: {  	v41 =	vmin.f32 v18, v35;
	v45 =	vor.u32 v39, v62;
	v18 =	vshll.u32 v48, $0x5;
	[tilespmem:s2+$0x16280] =	vst v8  }
0x16d: {  	v17 =	vsub.f32 v17, v42;
	v28 =	vsub.f32 v42, v41;
	v52 =	vadd.s32 v0, v18;
	[tilespmem:s2+$0x17280] =	vst v49  }
0x16e: {  	s25 =	sor.u32 $0x70, s25;
	v11 =	vshll.u32 v11, $0x5;
	v12 =	vsub.f32 v43, v29;
	v29 =	vadd.s32 v61, v59;
	[tilespmem:s31+$0x140] =	vst v52  }
0x16f: {  	v23 =	vadd.s32 v0, v23;
	v43 =	vor.u32 v10, v62;
	v63 =	vshll.u32 v29, $0x5;
	[tilespmem:s25+$0x16280] =	vst v7  }
0x170: {  	v37 =	vshll.u32 v59, $0x5;
	vm7 =	vge.f32 v26, $0.0e+00;
	v25 =	vld.idx.msk [tilespmem:v38+s13+$0x0], $0xffff;
	v44 =	vadd.s32 v0, v63;
	[tilespmem:s25+$0x17280] =	vst v47  }
0x171: {  	v21 =	vadd.s32 v0, v21;
	v31 =	vsel vm7, $0x1, v51;
	v50 =	vshll.u32 v32, $0x5;
	v13 =	vld.idx.msk [tilespmem:v45+s13+$0x0], $0xffff;
	[tilespmem:s31+$0x100] =	vst v44  }
0x172: {  	s23 =	sadd.s32 $0xFFFFFF80, s26;
	v1 =	vadd.s32 v0, v57;
	v32 =	vimm.s32 $0xFFFFFFFD;
	v53 =	vadd.s32 v0, v50;
	[tilespmem:s29+$0x140] =	vst v22  }
0x173: {  	v48 =	vmax.f32 v20, v19;
	v45 =	vmin.f32 v20, v19;
	v8 =	vadd.s32 v0, v37;
	s2 =	sor.u32 $0x50, s23;
	[tilespmem:s29+$0x100] =	vst v24  }
0x174: {  	v61 =	vand.u32 $0x7FFFFFFF, v26;
	v6 =	vsub.f32 v45, v6;
	v2 =	vsub.f32 v48, v45;
	[tilespmem:s2+$0x16280] =	vst v53;
	v49 =	vld.idx.msk [tilespmem:v43+s13+$0x0], $0xffff  }
0x175: {  	v47 =	vsub.f32 v41, v22;
	[tilespmem:s31+$0x110] =	vst v8;
	v62 =	vand.u32 $0x7FFFFFFF, v25;
	vm8 =	vge.f32 v25, $0.0e+00  }
0x176: {  	[tilespmem:s29+$0x110] =	vst v58;
	v58 =	vshll.u32 v30, $0x5;
	v30 =	vand.u32 $0x7FFFFFFF, v13;
	v33 =	vsel vm8, $0x3, v32  }
0x177: {  	vm10 =	vge.f32 v13, $0.0e+00;
	vm11 =	vle.f32 v61, v62;
	v35 =	vmin.f32 v61, v62;
	[tilespmem:s31+$0x120] =	vst v21  }
0x178: {  	v59 =	vadd.s32 v0, v58;
	v36 =	vsel vm11, v31, v33;
	v37 =	vsel vm10, $0x1B, v60;
	[tilespmem:s29+$0x120] =	vst v16  }
0x179: {  	v16 =	vmax.f32 v61, v62;
	[tilespmem:s31+$0x130] =	vst v23;
	v63 =	vand.u32 $0x7FFFFFFF, v49;
	vm9 =	vge.f32 v49, $0.0e+00  }
0x17a: {  	[tilespmem:s29+$0x130] =	vst v12;
	v12 =	vsel vm11, v33, v31;
	v34 =	vsel vm9, $0x9, v56;
	vm12 =	vle.f32 v63, v30  }
0x17b: {  	[tilespmem:s29+$0x190] =	vst v6;
	v38 =	vmin.f32 v63, v30;
	v23 =	vmax.f32 v63, v30;
	v39 =	vsel vm12, v34, v37  }
0x17c: {  	[tilespmem:s2+$0x17280] =	vst v47;
	s2 =	sor.u32 $0x60, s23;
	v40 =	vsel vm12, v37, v34;
	vm13 =	vle.f32 v35, v38;
	v41 =	vmax.f32 v35, v38  }
0x17d: {  	[tilespmem:s2+$0x16280] =	vst v1;
	vm14 =	vle.f32 v16, v23;
	v26 =	vmin.f32 v16, v23;
	v42 =	vsel vm13, v39, v36  }
0x17e: {  	s23 =	sor.u32 $0x70, s23;
	[tilespmem:s2+$0x17280] =	vst v28;
	v43 =	vsel vm14, v12, v40;
	v1 =	vsel vm14, v40, v12;
	vm15 =	vle.f32 v26, v41  }
0x17f: {  	[tilespmem:s23+$0x17280] =	vst v17;
	v49 =	vshll.u32 v15, $0x5;
	v18 =	vsel vm15, v42, v43;
	v1 =	vadd.s32 $0x28, v1  }
0x180: {  	[tilespmem:s23+$0x16280] =	vst v59;
	v50 =	vadd.s32 v0, v49;
	v44 =	vsel vm15, v43, v42;
	v51 =	vadd.s32 v18, v1  }
0x181: {  	v47 =	vmax.f32 v55, v14;
	[tilespmem:s31+$0x1A0] =	vst v50;
	v52 =	vsel vm13, v36, v39;
	v12 =	vadd.s32 v44, v51  }
0x182: {  	v53 =	vadd.s32 v0, v11;
	v3 =	vsub.f32 v47, v48;
	[tilespmem:s29+$0x1A0] =	vst v2;
	v6 =	vadd.s32 v52, v12  }
0x183: {  	[tilespmem:s31+$0x1B0] =	vst v53;
	v54 =	vshll.u32 v6, $0x5  }
0x184: {  	[tilespmem:s29+$0x1B0] =	vst v3;
	v55 =	vadd.s32 v0, v54  }
0x185: {  	v56 =	vmin.f32 v35, v38;
	v57 =	vmin.f32 v26, v41;
	v58 =	vshll.u32 v12, $0x5;
	[tilespmem:s31+$0x1C0] =	vst v55  }
0x186: {  	s24 =	sadd.s32 $0x10, s24;
	s2 =	sor.u32 $0x50, s26;
	v2 =	vsub.f32 v57, v56;
	v6 =	vadd.s32 v0, v58;
	[tilespmem:s29+$0x1C0] =	vst v56  }
0x187: {  	p1 =	slt.u32 s24, $0x30;
	v59 =	vmax.f32 v26, v41;
	v60 =	vshll.u32 v51, $0x5;
	[tilespmem:s2+$0x16280] =	vst v6  }
.Ltmp0:
0x188: {  	s25 =	sor.u32 $0x60, s26;
	v3 =	vsub.f32 v59, v57;
	v61 =	vadd.s32 v0, v60;
	[tilespmem:s2+$0x17280] =	vst v2;
	(pc) =	sbr.rel @p1 .LBB2_3-.Ltmp0, $4  }
0x189: {  	v62 =	vmax.f32 v16, v23;
	v1 =	vshll.u32 v1, $0x5;
	[tilespmem:s25+$0x16280] =	vst v61  }
0x18a: {  	s30 =	simm.s32 $0x16300;
	v63 =	vsub.f32 v62, v59;
	v0 =	vadd.s32 v0, v1;
	s2 =	sor.u32 $0x70, s26;
	[tilespmem:s25+$0x17280] =	vst v3  }
0x18b: {  	s28 =	simm.s32 $0x17300;
	s23 =	simm.s32 $0xFFFFFFFC;
	s31 =	sadd.s32 $0x400, s31;
	[tilespmem:s2+$0x16280] =	vst v0  }
0x18c: {  	s29 =	sadd.s32 $0x400, s29;
	s26 =	sadd.s32 $0x400, s26;
	s25 =	simm.s32 $0xC0;
	[tilespmem:s2+$0x17280] =	vst v63  }
.LBB2_4:
0x18d: {  	v2 =	vld [tilespmem:s30+$0xFFFFFF80]  }
0x18e: {  	v8 =	vld [tilespmem:s30+$0xFFFFFF90]  }
0x18f: {  	v9 =	vld [tilespmem:s30+$0xFFFFFFA0]  }
0x190: {  	v6 =	vld [tilespmem:s30+$0xFFFFFFB0]  }
0x191: {  	v11 =	vld [tilespmem:s28+$0xFFFFFF80]  }
0x192: {  	v7 =	vld [tilespmem:s28+$0xFFFFFF90]  }
0x193: {  	v1 =	vld [tilespmem:s28+$0xFFFFFFA0];
	v12 =	vadd.s32 $0x1, v2  }
0x194: {  	v0 =	vld [tilespmem:s28+$0xFFFFFFB0];
	v13 =	vadd.s32 $0x2, v2  }
0x195: {  	v14 =	vadd.s32 $0x3, v2;
	v16 =	vld.idx.msk [tilespmem:v2+s3+$0x0], $0xffff  }
0x196: {  	v15 =	vadd.s32 $0x4, v2;
	v31 =	vld.idx.msk [tilespmem:v8+s3+$0x0], $0xffff  }
0x197: {  	v17 =	vadd.s32 $0x5, v2;
	v46 =	vld.idx.msk [tilespmem:v9+s3+$0x0], $0xffff  }
0x198: {  	v18 =	vadd.s32 $0x6, v2;
	v12 =	vld.idx.msk [tilespmem:v12+s3+$0x0], $0xffff  }
0x199: {  	v19 =	vadd.s32 $0x7, v2;
	v13 =	vld.idx.msk [tilespmem:v13+s3+$0x0], $0xffff  }
0x19a: {  	v20 =	vadd.s32 $0x8, v2;
	v14 =	vld.idx.msk [tilespmem:v14+s3+$0x0], $0xffff  }
0x19b: {  	v21 =	vadd.s32 $0x9, v2;
	v15 =	vld.idx.msk [tilespmem:v15+s3+$0x0], $0xffff  }
0x19c: {  	v22 =	vadd.s32 $0xA, v2;
	v17 =	vld.idx.msk [tilespmem:v17+s3+$0x0], $0xffff  }
0x19d: {  	v23 =	vadd.s32 $0xB, v2;
	v18 =	vld.idx.msk [tilespmem:v18+s3+$0x0], $0xffff  }
0x19e: {  	v24 =	vadd.s32 $0xC, v2;
	v19 =	vld.idx.msk [tilespmem:v19+s3+$0x0], $0xffff  }
0x19f: {  	v25 =	vadd.s32 $0xD, v2;
	v20 =	vld.idx.msk [tilespmem:v20+s3+$0x0], $0xffff  }
0x1a0: {  	v26 =	vadd.s32 $0xE, v2;
	v21 =	vld.idx.msk [tilespmem:v21+s3+$0x0], $0xffff  }
0x1a1: {  	v27 =	vadd.s32 $0x1, v8;
	v22 =	vld.idx.msk [tilespmem:v22+s3+$0x0], $0xffff  }
0x1a2: {  	v28 =	vadd.s32 $0x2, v8;
	v23 =	vld.idx.msk [tilespmem:v23+s3+$0x0], $0xffff  }
0x1a3: {  	v29 =	vadd.s32 $0x3, v8;
	v24 =	vld.idx.msk [tilespmem:v24+s3+$0x0], $0xffff  }
0x1a4: {  	v30 =	vadd.s32 $0x4, v8;
	v25 =	vld.idx.msk [tilespmem:v25+s3+$0x0], $0xffff  }
0x1a5: {  	v32 =	vadd.s32 $0x5, v8;
	v26 =	vld.idx.msk [tilespmem:v26+s3+$0x0], $0xffff  }
0x1a6: {  	v33 =	vadd.s32 $0x6, v8;
	v27 =	vld.idx.msk [tilespmem:v27+s3+$0x0], $0xffff  }
0x1a7: {  	v34 =	vadd.s32 $0x7, v8;
	v28 =	vld.idx.msk [tilespmem:v28+s3+$0x0], $0xffff  }
0x1a8: {  	v35 =	vadd.s32 $0x8, v8;
	v29 =	vld.idx.msk [tilespmem:v29+s3+$0x0], $0xffff  }
0x1a9: {  	v36 =	vadd.s32 $0x9, v8;
	v30 =	vld.idx.msk [tilespmem:v30+s3+$0x0], $0xffff  }
0x1aa: {  	v37 =	vadd.s32 $0xA, v8;
	v32 =	vld.idx.msk [tilespmem:v32+s3+$0x0], $0xffff  }
0x1ab: {  	v38 =	vadd.s32 $0xB, v8;
	v33 =	vld.idx.msk [tilespmem:v33+s3+$0x0], $0xffff  }
0x1ac: {  	v39 =	vadd.s32 $0xC, v8;
	v34 =	vld.idx.msk [tilespmem:v34+s3+$0x0], $0xffff  }
0x1ad: {  	v40 =	vadd.s32 $0xD, v8;
	v35 =	vld.idx.msk [tilespmem:v35+s3+$0x0], $0xffff  }
0x1ae: {  	v41 =	vadd.s32 $0xE, v8;
	v36 =	vld.idx.msk [tilespmem:v36+s3+$0x0], $0xffff  }
0x1af: {  	v49 =	vadd.s32 $0x7, v9;
	v37 =	vld.idx.msk [tilespmem:v37+s3+$0x0], $0xffff  }
0x1b0: {  	v56 =	vadd.s32 $0x4, v6;
	v38 =	vld.idx.msk [tilespmem:v38+s3+$0x0], $0xffff  }
0x1b1: {  	v42 =	vadd.s32 $0x1, v9;
	v43 =	vadd.s32 $0x2, v9;
	v39 =	vld.idx.msk [tilespmem:v39+s3+$0x0], $0xffff  }
0x1b2: {  	v44 =	vadd.s32 $0x3, v9;
	v45 =	vadd.s32 $0x4, v9;
	v47 =	vadd.s32 $0x5, v9;
	v40 =	vld.idx.msk [tilespmem:v40+s3+$0x0], $0xffff  }
0x1b3: {  	v48 =	vadd.s32 $0x6, v9;
	v50 =	vadd.s32 $0x8, v9;
	v51 =	vadd.s32 $0x9, v9;
	v41 =	vld.idx.msk [tilespmem:v41+s3+$0x0], $0xffff  }
0x1b4: {  	v52 =	vadd.s32 $0xA, v9;
	v53 =	vadd.s32 $0xB, v9;
	v5 =	vmul.f32 v31, v7;
	v31 =	vld.idx.msk [tilespmem:v49+s3+$0x0], $0xffff  }
0x1b5: {  	v57 =	vadd.s32 $0xC, v9;
	v16 =	vmul.f32 v16, v11;
	v49 =	vld.idx.msk [tilespmem:v56+s3+$0x0], $0xffff;
	v56 =	vmul.f32 v46, v1  }
0x1b6: {  	v54 =	vadd.s32 $0xD, v9;
	v42 =	vld.idx.msk [tilespmem:v42+s3+$0x0], $0xffff;
	v12 =	vmul.f32 v12, v11;
	v13 =	vmul.f32 v13, v11  }
0x1b7: {  	v59 =	vadd.s32 $0xE, v9;
	v43 =	vld.idx.msk [tilespmem:v43+s3+$0x0], $0xffff;
	v14 =	vmul.f32 v14, v11;
	v15 =	vmul.f32 v15, v11  }
0x1b8: {  	v2 =	vadd.s32 $0xF, v2;
	v44 =	vld.idx.msk [tilespmem:v44+s3+$0x0], $0xffff;
	v17 =	vmul.f32 v17, v11;
	v18 =	vmul.f32 v18, v11  }
0x1b9: {  	v8 =	vadd.s32 $0xF, v8;
	v45 =	vld.idx.msk [tilespmem:v45+s3+$0x0], $0xffff;
	v19 =	vmul.f32 v19, v11;
	v20 =	vmul.f32 v20, v11  }
0x1ba: {  	v9 =	vadd.s32 $0xF, v9;
	v47 =	vld.idx.msk [tilespmem:v47+s3+$0x0], $0xffff;
	v21 =	vmul.f32 v21, v11;
	v22 =	vmul.f32 v22, v11  }
0x1bb: {  	v48 =	vld.idx.msk [tilespmem:v48+s3+$0x0], $0xffff;
	v23 =	vmul.f32 v23, v11;
	v24 =	vmul.f32 v24, v11  }
0x1bc: {  	v50 =	vld.idx.msk [tilespmem:v50+s3+$0x0], $0xffff;
	v25 =	vmul.f32 v25, v11;
	v26 =	vmul.f32 v26, v11  }
0x1bd: {  	v2 =	vld.idx.msk [tilespmem:v2+s3+$0x0], $0xffff;
	v27 =	vmul.f32 v27, v7;
	v28 =	vmul.f32 v28, v7  }
0x1be: {  	v8 =	vld.idx.msk [tilespmem:v8+s3+$0x0], $0xffff;
	v58 =	vmul.f32 v29, v7;
	v60 =	vmul.f32 v30, v7  }
0x1bf: {  	v3 =	vadd.s32 $0x1, v6;
	v9 =	vld.idx.msk [tilespmem:v9+s3+$0x0], $0xffff;
	v61 =	vmul.f32 v32, v7;
	v62 =	vmul.f32 v33, v7  }
0x1c0: {  	v4 =	vadd.s32 $0x2, v6;
	v29 =	vld.idx.msk [tilespmem:v51+s3+$0x0], $0xffff;
	v63 =	vmul.f32 v34, v7;
	v35 =	vmul.f32 v35, v7  }
0x1c1: {  	v55 =	vadd.s32 $0xB, v6;
	v34 =	vld.idx.msk [tilespmem:v57+s3+$0x0], $0xffff;
	v36 =	vmul.f32 v36, v7;
	v37 =	vmul.f32 v37, v7  }
0x1c2: {  	v32 =	vld.idx.msk [tilespmem:v59+s3+$0x0], $0xffff;
	v38 =	vmul.f32 v38, v7;
	v57 =	vadd.s32 $0x5, v6;
	v59 =	vadd.s32 $0x7, v6  }
0x1c3: {  	v30 =	vld.idx.msk [tilespmem:v53+s3+$0x0], $0xffff;
	v41 =	vmul.f32 v41, v7;
	v12 =	vadd.f32 v27, v12;
	v13 =	vadd.f32 v28, v13  }
0x1c4: {  	v42 =	vmul.f32 v42, v1;
	v27 =	vld.idx.msk [tilespmem:v52+s3+$0x0], $0xffff;
	v14 =	vadd.f32 v58, v14;
	v15 =	vadd.f32 v60, v15  }
0x1c5: {  	v43 =	vmul.f32 v43, v1;
	v18 =	vadd.f32 v62, v18;
	v19 =	vadd.f32 v63, v19;
	v52 =	vld.idx.msk [tilespmem:v6+s3+$0x0], $0xffff  }
0x1c6: {  	v44 =	vmul.f32 v44, v1;
	v20 =	vadd.f32 v35, v20;
	v21 =	vadd.f32 v36, v21;
	v35 =	vld.idx.msk [tilespmem:v3+s3+$0x0], $0xffff  }
0x1c7: {  	v58 =	vadd.s32 $0x6, v6;
	v22 =	vadd.f32 v37, v22;
	v23 =	vadd.f32 v38, v23;
	v28 =	vld.idx.msk [tilespmem:v4+s3+$0x0], $0xffff  }
0x1c8: {  	s26 =	sadd.s32 $0xFFFFFF80, s25;
	v60 =	vmul.f32 v39, v7;
	v62 =	vadd.s32 $0x8, v6;
	v63 =	vadd.s32 $0x9, v6;
	v36 =	vld.idx.msk [tilespmem:v55+s3+$0x0], $0xffff  }
0x1c9: {  	s29 =	sor.u32 $0x50, s26;
	s2 =	sor.u32 $0x60, s26;
	s26 =	sor.u32 $0x70, s26;
	v2 =	vmul.f32 v2, v11;
	v11 =	vadd.f32 v5, v16;
	v16 =	vadd.f32 v61, v17;
	v17 =	vld.idx.msk [tilespmem:v54+s3+$0x0], $0xffff  }
0x1ca: {  	v26 =	vadd.f32 v41, v26;
	v61 =	vmul.f32 v40, v7;
	v7 =	vmul.f32 v8, v7;
	v8 =	vld [tilespmem:s26+$0x16280]  }
0x1cb: {  	v5 =	vadd.s32 $0x3, v6;
	v54 =	vadd.s32 $0xA, v6;
	v24 =	vadd.f32 v60, v24;
	v38 =	vld.idx.msk [tilespmem:v57+s3+$0x0], $0xffff  }
0x1cc: {  	v31 =	vmul.f32 v31, v1;
	v12 =	vadd.f32 v42, v12;
	v13 =	vadd.f32 v43, v13;
	v37 =	vld.idx.msk [tilespmem:v59+s3+$0x0], $0xffff  }
0x1cd: {  	v14 =	vadd.f32 v44, v14;
	v60 =	vmul.f32 v45, v1;
	v2 =	vadd.f32 v7, v2;
	v7 =	vld.idx.msk [tilespmem:v58+s3+$0x0], $0xffff  }
0x1ce: {  	v25 =	vadd.f32 v61, v25;
	v57 =	vadd.s32 $0xC, v6;
	v11 =	vadd.f32 v56, v11;
	v40 =	vld.idx.msk [tilespmem:v62+s3+$0x0], $0xffff  }
0x1cf: {  	v59 =	vadd.s32 $0xE, v6;
	v61 =	vmul.f32 v47, v1;
	v10 =	vmul.f32 v29, v1;
	v41 =	vld.idx.msk [tilespmem:v63+s3+$0x0], $0xffff  }
0x1d0: {  	v31 =	vadd.f32 v31, v19;
	v63 =	vmul.f32 v50, v1;
	v50 =	vmul.f32 v30, v1;
	v30 =	vld [tilespmem:s30+$0xFFFFFFC0]  }
0x1d1: {  	v62 =	vmul.f32 v48, v1;
	v48 =	vmul.f32 v27, v1;
	v27 =	vadd.f32 v10, v21;
	v21 =	vld [tilespmem:s2+$0x16280]  }
0x1d2: {  	v51 =	vmul.f32 v34, v1;
	v53 =	vmul.f32 v32, v1;
	v3 =	vadd.f32 v61, v16;
	v16 =	vld [tilespmem:s26+$0x17280]  }
0x1d3: {  	v15 =	vadd.f32 v60, v15;
	v58 =	vadd.s32 $0xD, v6;
	v6 =	vadd.s32 $0xF, v6;
	v33 =	vld.idx.msk [tilespmem:v5+s3+$0x0], $0xffff  }
0x1d4: {  	v47 =	vadd.f32 v51, v24;
	v55 =	vmul.f32 v35, v0;
	v56 =	vmul.f32 v28, v0;
	v39 =	vld.idx.msk [tilespmem:v54+s3+$0x0], $0xffff  }
0x1d5: {  	v61 =	vmul.f32 v49, v0;
	v36 =	vmul.f32 v36, v0;
	v43 =	vadd.f32 v62, v18;
	v18 =	vld [tilespmem:s29+$0x16280]  }
0x1d6: {  	s24 =	sadd.s32 s23, s22;
	v17 =	vmul.f32 v17, v1;
	v1 =	vmul.f32 v9, v1;
	v34 =	vadd.f32 v48, v22;
	v22 =	vld [tilespmem:s28+$0xFFFFFFC0]  }
0x1d7: {  	s31 =	sadd.s32 $0x4, s24;
	v54 =	vmul.f32 v52, v0;
	v42 =	vadd.f32 v63, v20;
	v46 =	vadd.f32 v50, v23;
	v20 =	vld [tilespmem:s29+$0x17280]  }
0x1d8: {  	v48 =	vmov s31;
	v35 =	vadd.f32 v55, v12;
	v50 =	vadd.f32 v56, v13;
	v45 =	vld.idx.msk [tilespmem:v57+s3+$0x0], $0xffff  }
0x1d9: {  	v13 =	vlaneseq.u32;
	v17 =	vadd.f32 v17, v25;
	v29 =	vld.idx.msk [tilespmem:v58+s3+$0x0], $0xffff;
	v58 =	vadd.s32 $0x1, v30  }
0x1da: {  	v44 =	vld.idx.msk [tilespmem:v59+s3+$0x0], $0xffff;
	v25 =	vadd.f32 v53, v26;
	v2 =	vadd.f32 v1, v2;
	v59 =	vadd.s32 $0x2, v30  }
0x1db: {  	v62 =	vmul.f32 v38, v0;
	v10 =	vmul.f32 v37, v0;
	v32 =	vld.idx.msk [tilespmem:v6+s3+$0x0], $0xffff;
	v60 =	vadd.s32 $0x3, v30  }
0x1dc: {  	v38 =	vadd.f32 v61, v15;
	v9 =	vor.u32 $0x30, v13;
	v6 =	vld [tilespmem:s2+$0x17280];
	v63 =	vadd.s32 $0x4, v30  }
0x1dd: {  	v55 =	vadd.f32 v36, v46;
	v7 =	vmul.f32 v7, v0;
	v52 =	vadd.s32 $0x5, v30;
	v37 =	vld.idx.msk [tilespmem:v30+s3+$0x0], $0xffff  }
0x1de: {  	v1 =	vadd.f32 v62, v3;
	v53 =	vadd.s32 $0x6, v30;
	v23 =	vadd.f32 v10, v31;
	v49 =	vld.idx.msk [tilespmem:v58+s3+$0x0], $0xffff  }
0x1df: {  	v62 =	vadd.s32 $0x9, v30;
	v56 =	vadd.s32 $0xB, v30;
	v57 =	vmul.f32 v33, v0;
	v31 =	vld.idx.msk [tilespmem:v59+s3+$0x0], $0xffff  }
0x1e0: {  	v33 =	vadd.f32 v54, v11;
	v54 =	vadd.s32 $0x7, v30;
	v58 =	vmul.f32 v40, v0;
	v40 =	vld.idx.msk [tilespmem:v60+s3+$0x0], $0xffff  }
0x1e1: {  	v10 =	vor.u32 $0x40, v13;
	v61 =	vmul.f32 v39, v0;
	v19 =	vadd.f32 v7, v43;
	v39 =	vld.idx.msk [tilespmem:v63+s3+$0x0], $0xffff  }
0x1e2: {  	v43 =	vshll.u32 v48, $0x8;
	v3 =	vadd.s32 $0x5, v18;
	v59 =	vmul.f32 v41, v0;
	v41 =	vld.idx.msk [tilespmem:v52+s3+$0x0], $0xffff  }
0x1e3: {  	[tilespmem:$0x1FBC0] =	vst v55;
	v55 =	vadd.s32 $0x1, v18;
	v7 =	vadd.f32 v61, v34;
	v60 =	vadd.s32 $0x8, v30;
	v34 =	vld.idx.msk [tilespmem:v53+s3+$0x0], $0xffff  }
0x1e4: {  	v51 =	vadd.f32 v57, v14;
	v5 =	vmul.f32 v44, v0;
	v44 =	vadd.s32 $0x6, v18;
	v52 =	vld.idx.msk [tilespmem:v62+s3+$0x0], $0xffff  }
0x1e5: {  	v57 =	vmul.f32 v45, v0;
	v61 =	vand.u32 $0x7800, v43;
	v63 =	vadd.s32 $0xA, v30;
	v36 =	vld.idx.msk [tilespmem:v54+s3+$0x0], $0xffff  }
0x1e6: {  	v14 =	vor.u32 $0x20, v13;
	v62 =	vadd.s32 $0xE, v30;
	v54 =	vld.idx.msk [tilespmem:v56+s3+$0x0], $0xffff;
	v24 =	vadd.f32 v58, v42  }
0x1e7: {  	v26 =	vadd.f32 v59, v27;
	v58 =	vadd.s32 $0xC, v30;
	v59 =	vshll.u32 v48, $0x7;
	v3 =	vld.idx.msk [tilespmem:v3+s3+$0x0], $0xffff  }
0x1e8: {  	v29 =	vmul.f32 v29, v0;
	v48 =	vand.u32 $0x200, v59;
	v45 =	vld.idx.msk [tilespmem:v60+s3+$0x0], $0xffff;
	v60 =	vadd.s32 $0xD, v30  }
0x1e9: {  	v28 =	vadd.f32 v57, v47;
	v44 =	vld.idx.msk [tilespmem:v44+s3+$0x0], $0xffff;
	v46 =	vor.u32 v48, v61;
	v30 =	vadd.s32 $0xF, v30  }
0x1ea: {  	v27 =	vadd.f32 v29, v17;
	v47 =	vld.idx.msk [tilespmem:v63+s3+$0x0], $0xffff;
	v17 =	vor.u32 v13, v46;
	v63 =	vor.u32 $0x10, v13  }
0x1eb: {  	v0 =	vmul.f32 v32, v0;
	v37 =	vmul.f32 v37, v22;
	v53 =	vld.idx.msk [tilespmem:v62+s3+$0x0], $0xffff;
	v29 =	vor.u32 v63, v46  }
0x1ec: {  	v56 =	vor.u32 v14, v46;
	v59 =	vor.u32 v9, v46;
	v12 =	vmovc v63;
	v63 =	vadd.s32 $0x4, v18;
	v42 =	vld.idx.msk [tilespmem:v58+s3+$0x0], $0xffff  }
0x1ed: {  	v15 =	vmovc v9;
	[tilespmem:$0x1FBD0] =	vst v10;
	v61 =	vor.u32 v10, v46;
	v9 =	vadd.s32 $0x7, v18;
	v10 =	vadd.s32 $0x8, v18;
	v57 =	vld.idx.msk [tilespmem:v60+s3+$0x0], $0xffff  }
0x1ee: {  	v49 =	vmul.f32 v49, v22;
	v31 =	vmul.f32 v31, v22;
	v58 =	vadd.s32 $0x2, v18;
	v62 =	vld.idx.msk [tilespmem:v30+s3+$0x0], $0xffff  }
0x1ef: {  	v40 =	vmul.f32 v40, v22;
	v39 =	vmul.f32 v39, v22;
	[tilespmem:v17+s15+$0x0] =	vst.idx.msk $0xffff, v33;
	v33 =	vld.idx.msk [tilespmem:v18+s3+$0x0], $0xffff  }
0x1f0: {  	v11 =	vor.u32 $0x50, v13;
	v41 =	vmul.f32 v41, v22;
	v60 =	vadd.s32 $0x3, v18;
	[tilespmem:v29+s15+$0x0] =	vst.idx.msk $0xffff, v35;
	v35 =	vld.idx.msk [tilespmem:v55+s3+$0x0], $0xffff  }
0x1f1: {  	[tilespmem:$0x1FBE0] =	vst v11;
	v17 =	vor.u32 v11, v46;
	v11 =	vadd.s32 $0x9, v18;
	v29 =	vadd.f32 v0, v2;
	v2 =	vld.idx.msk [tilespmem:v63+s3+$0x0], $0xffff  }
0x1f2: {  	v30 =	vadd.f32 v5, v25;
	v5 =	vadd.s32 $0xC, v18;
	v0 =	vor.u32 v48, v43;
	v43 =	vld.idx.msk [tilespmem:v9+s3+$0x0], $0xffff  }
0x1f3: {  	v34 =	vmul.f32 v34, v22;
	v52 =	vmul.f32 v52, v22;
	v32 =	vld.idx.msk [tilespmem:v58+s3+$0x0], $0xffff  }
0x1f4: {  	v4 =	vadd.s32 $0xB, v18;
	v36 =	vmul.f32 v36, v22;
	v63 =	vadd.s32 $0xA, v18;
	[tilespmem:v56+s15+$0x0] =	vst.idx.msk $0xffff, v50;
	v50 =	vld.idx.msk [tilespmem:v10+s3+$0x0], $0xffff  }
0x1f5: {  	v54 =	vmul.f32 v54, v22;
	v45 =	vmul.f32 v45, v22;
	[tilespmem:v59+s15+$0x0] =	vst.idx.msk $0xffff, v51;
	v51 =	vld.idx.msk [tilespmem:v60+s3+$0x0], $0xffff  }
0x1f6: {  	v47 =	vmul.f32 v47, v22;
	v9 =	vadd.s32 $0xD, v18;
	[tilespmem:v61+s15+$0x0] =	vst.idx.msk $0xffff, v38;
	v38 =	vld.idx.msk [tilespmem:v11+s3+$0x0], $0xffff  }
0x1f7: {  	v53 =	vmul.f32 v53, v22;
	v10 =	vadd.s32 $0xE, v18;
	v42 =	vmul.f32 v42, v22;
	v48 =	vld.idx.msk [tilespmem:v5+s3+$0x0], $0xffff  }
0x1f8: {  	v11 =	vadd.s32 $0xF, v18;
	v57 =	vmul.f32 v57, v22;
	v22 =	vmul.f32 v62, v22;
	v62 =	vld.idx.msk [tilespmem:v21+s3+$0x0], $0xffff  }
0x1f9: {  	v61 =	vor.u32 $0x70, v13;
	[tilespmem:v17+s15+$0x0] =	vst.idx.msk $0xffff, v1;
	v60 =	vor.u32 $0x60, v13;
	v18 =	vadd.s32 $0x1, v21;
	v56 =	vld.idx.msk [tilespmem:v63+s3+$0x0], $0xffff  }
0x1fa: {  	v25 =	vor.u32 v61, v46;
	v1 =	vadd.s32 $0x2, v21;
	v58 =	vor.u32 v60, v46;
	v46 =	vld.idx.msk [tilespmem:v4+s3+$0x0], $0xffff  }
0x1fb: {  	v5 =	vadd.s32 $0x4, v21;
	v55 =	vld.idx.msk [tilespmem:v9+s3+$0x0], $0xffff  }
0x1fc: {  	[tilespmem:$0x1FC00] =	vst v61;
	v33 =	vmul.f32 v33, v20;
	v61 =	vadd.s32 $0x7, v21;
	v59 =	vld.idx.msk [tilespmem:v10+s3+$0x0], $0xffff  }
0x1fd: {  	v3 =	vmul.f32 v3, v20;
	[tilespmem:$0x1FBF0] =	vst v60;
	v4 =	vadd.s32 $0x3, v21;
	v60 =	vld.idx.msk [tilespmem:v11+s3+$0x0], $0xffff  }
0x1fe: {  	v35 =	vmul.f32 v35, v20;
	v10 =	vadd.s32 $0x5, v21;
	v33 =	vadd.f32 v33, v37;
	v37 =	vld.idx.msk [tilespmem:v18+s3+$0x0], $0xffff  }
0x1ff: {  	v2 =	vmul.f32 v2, v20;
	v9 =	vadd.s32 $0x3, v8;
	v11 =	vmul.f32 v51, v20;
	v51 =	vld.idx.msk [tilespmem:v1+s3+$0x0], $0xffff  }
0x200: {  	v32 =	vmul.f32 v32, v20;
	v35 =	vadd.f32 v35, v49;
	v49 =	vadd.s32 $0x6, v21;
	v5 =	vld.idx.msk [tilespmem:v5+s3+$0x0], $0xffff  }
0x201: {  	v50 =	vmul.f32 v50, v20;
	v2 =	vadd.f32 v2, v39;
	v39 =	vadd.s32 $0xA, v21;
	v61 =	vld.idx.msk [tilespmem:v61+s3+$0x0], $0xffff  }
0x202: {  	v3 =	vadd.f32 v3, v41;
	v63 =	vadd.s32 $0x8, v21;
	v31 =	vadd.f32 v32, v31;
	v4 =	vld.idx.msk [tilespmem:v4+s3+$0x0], $0xffff  }
0x203: {  	v45 =	vadd.f32 v50, v45;
	v18 =	vmul.f32 v44, v20;
	v44 =	vadd.s32 $0x9, v21;
	v10 =	vld.idx.msk [tilespmem:v10+s3+$0x0], $0xffff  }
0x204: {  	v17 =	vor.u32 $0x400, v13;
	v1 =	vadd.s32 $0xC, v21;
	[tilespmem:v58+s15+$0x0] =	vst.idx.msk $0xffff, v19;
	v58 =	vmul.f32 v59, v20;
	v59 =	vld.idx.msk [tilespmem:v9+s3+$0x0], $0xffff  }
0x205: {  	v19 =	vadd.s32 $0xD, v21;
	v32 =	vadd.f32 v11, v40;
	v40 =	vmul.f32 v43, v20;
	v41 =	vld.idx.msk [tilespmem:v49+s3+$0x0], $0xffff  }
0x206: {  	v38 =	vmul.f32 v38, v20;
	v48 =	vmul.f32 v48, v20;
	v43 =	vadd.s32 $0xB, v21;
	v39 =	vld.idx.msk [tilespmem:v39+s3+$0x0], $0xffff  }
0x207: {  	v56 =	vmul.f32 v56, v20;
	v11 =	vadd.s32 $0xE, v21;
	v36 =	vadd.f32 v40, v36;
	v40 =	vld.idx.msk [tilespmem:v63+s3+$0x0], $0xffff  }
0x208: {  	v46 =	vmul.f32 v46, v20;
	v34 =	vadd.f32 v18, v34;
	v21 =	vadd.s32 $0xF, v21;
	v44 =	vld.idx.msk [tilespmem:v44+s3+$0x0], $0xffff  }
0x209: {  	v18 =	vor.u32 $0x410, v13;
	v42 =	vadd.f32 v48, v42;
	v47 =	vadd.f32 v56, v47;
	v1 =	vld.idx.msk [tilespmem:v1+s3+$0x0], $0xffff  }
0x20a: {  	v46 =	vadd.f32 v46, v54;
	v54 =	vadd.s32 $0x1, v8;
	v63 =	vmul.f32 v55, v20;
	v55 =	vld.idx.msk [tilespmem:v19+s3+$0x0], $0xffff  }
0x20b: {  	v56 =	vadd.s32 $0x2, v8;
	v53 =	vadd.f32 v58, v53;
	v20 =	vmul.f32 v60, v20;
	v43 =	vld.idx.msk [tilespmem:v43+s3+$0x0], $0xffff  }
0x20c: {  	v51 =	vmul.f32 v51, v6;
	v48 =	vadd.f32 v63, v57;
	v63 =	vadd.s32 $0x6, v8;
	v50 =	vld.idx.msk [tilespmem:v11+s3+$0x0], $0xffff  }
0x20d: {  	v5 =	vmul.f32 v5, v6;
	v19 =	vmul.f32 v37, v6;
	v57 =	vadd.s32 $0x7, v8;
	v60 =	vld.idx.msk [tilespmem:v21+s3+$0x0], $0xffff  }
0x20e: {  	v4 =	vmul.f32 v4, v6;
	v11 =	vmul.f32 v62, v6;
	v21 =	vadd.s32 $0x4, v8;
	v62 =	vld.idx.msk [tilespmem:v8+s3+$0x0], $0xffff  }
0x20f: {  	v58 =	vadd.f32 v20, v22;
	v20 =	vadd.s32 $0x5, v8;
	v22 =	vadd.s32 $0x8, v8;
	v37 =	vld.idx.msk [tilespmem:v54+s3+$0x0], $0xffff  }
0x210: {  	v56 =	vld.idx.msk [tilespmem:v56+s3+$0x0], $0xffff;
	v9 =	vadd.f32 v4, v32;
	v4 =	vadd.f32 v5, v2;
	v2 =	vmul.f32 v10, v6  }
0x211: {  	v35 =	vadd.f32 v19, v35;
	v32 =	vadd.s32 $0xA, v8;
	v19 =	vmul.f32 v61, v6;
	v54 =	vld.idx.msk [tilespmem:v63+s3+$0x0], $0xffff  }
0x212: {  	v61 =	vadd.s32 $0xB, v8;
	v3 =	vadd.f32 v2, v3;
	v2 =	vmul.f32 v40, v6;
	v40 =	vld.idx.msk [tilespmem:v57+s3+$0x0], $0xffff  }
0x213: {  	v31 =	vadd.f32 v51, v31;
	v33 =	vadd.f32 v11, v33;
	v11 =	vmul.f32 v41, v6;
	v51 =	vld.idx.msk [tilespmem:v21+s3+$0x0], $0xffff  }
0x214: {  	v38 =	vadd.f32 v38, v52;
	v52 =	vor.u32 v18, v0;
	v36 =	vadd.f32 v19, v36;
	v10 =	vld.idx.msk [tilespmem:v20+s3+$0x0], $0xffff  }
0x215: {  	v19 =	vmul.f32 v39, v6;
	v57 =	vadd.s32 $0xC, v8;
	v63 =	vadd.f32 v11, v34;
	v41 =	vld.idx.msk [tilespmem:v22+s3+$0x0], $0xffff  }
0x216: {  	[tilespmem:$0x1FC10] =	vst v18;
	v34 =	vadd.s32 $0xD, v8;
	v22 =	vmul.f32 v44, v6;
	v18 =	vmul.f32 v43, v6;
	v43 =	vld.idx.msk [tilespmem:v32+s3+$0x0], $0xffff  }
0x217: {  	v1 =	vmul.f32 v1, v6;
	v47 =	vadd.f32 v19, v47;
	v19 =	vmul.f32 v55, v6;
	v61 =	vld.idx.msk [tilespmem:v61+s3+$0x0], $0xffff  }
0x218: {  	v49 =	vor.u32 v17, v0;
	v11 =	vor.u32 $0x420, v13;
	v32 =	vld [tilespmem:s30+$0x20];
	v38 =	vadd.f32 v22, v38  }
0x219: {  	[tilespmem:$0x1FC20] =	vst v11;
	v22 =	vor.u32 v11, v0;
	v11 =	vadd.f32 v1, v42;
	v42 =	vadd.f32 v19, v48;
	v48 =	vld [tilespmem:s30+$0x0]  }
0x21a: {  	v21 =	vadd.s32 $0x9, v8;
	v57 =	vld.idx.msk [tilespmem:v57+s3+$0x0], $0xffff  }
0x21b: {  	v46 =	vadd.f32 v18, v46;
	v18 =	vmul.f32 v50, v6;
	v6 =	vmul.f32 v60, v6;
	v55 =	vld.idx.msk [tilespmem:v34+s3+$0x0], $0xffff  }
0x21c: {  	v5 =	vadd.f32 v2, v45;
	v45 =	vadd.s32 $0xE, v8;
	v19 =	vmul.f32 v62, v16;
	v34 =	vld [tilespmem:s30+$0x10]  }
0x21d: {  	[tilespmem:v25+s15+$0x0] =	vst.idx.msk $0xffff, v23;
	v8 =	vadd.s32 $0xF, v8;
	v20 =	vmul.f32 v37, v16;
	v37 =	vadd.f32 v6, v58;
	v6 =	vld [tilespmem:s30+$0x30]  }
0x21e: {  	v23 =	vor.u32 $0x450, v13;
	[tilespmem:v49+s15+$0x0] =	vst.idx.msk $0xffff, v24;
	v39 =	vor.u32 $0x440, v13;
	v49 =	vadd.f32 v19, v33;
	v19 =	vld [tilespmem:$0x1FBC0]  }
0x21f: {  	v25 =	vor.u32 $0x460, v13;
	v24 =	vor.u32 $0x470, v13;
	[tilespmem:v52+s15+$0x0] =	vst.idx.msk $0xffff, v26;
	v2 =	vor.u32 v39, v0;
	v33 =	vld [tilespmem:s28+$0x10]  }
0x220: {  	v53 =	vadd.f32 v18, v53;
	v18 =	vmul.f32 v56, v16;
	v44 =	vld.idx.msk [tilespmem:v21+s3+$0x0], $0xffff;
	v21 =	vor.u32 $0x430, v13  }
0x221: {  	v1 =	vor.u32 v23, v0;
	v60 =	vor.u32 v25, v0;
	v45 =	vld.idx.msk [tilespmem:v45+s3+$0x0], $0xffff;
	v50 =	vor.u32 v21, v0  }
0x222: {  	v8 =	vld.idx.msk [tilespmem:v8+s3+$0x0], $0xffff;
	v58 =	vadd.f32 v18, v31;
	v18 =	vmul.f32 v10, v16;
	v10 =	vadd.s32 $0x3, v48  }
0x223: {  	v62 =	vor.u32 v24, v0;
	v0 =	vld [tilespmem:s28+$0x30];
	[tilespmem:v22+s15+$0x0] =	vst.idx.msk $0xffff, v7;
	v22 =	vadd.f32 v20, v35;
	v52 =	vadd.s32 $0x1, v48  }
0x224: {  	v35 =	vld [tilespmem:s28+$0x0];
	v20 =	vmul.f32 v59, v16;
	v56 =	vadd.s32 $0x2, v48;
	v59 =	vmul.f32 v41, v16  }
0x225: {  	v51 =	vmul.f32 v51, v16;
	v7 =	vld [tilespmem:s28+$0x20];
	v41 =	vadd.s32 $0x6, v48;
	v3 =	vadd.f32 v18, v3  }
0x226: {  	v18 =	vadd.s32 $0x7, v48;
	v5 =	vadd.f32 v59, v5;
	[tilespmem:v50+s15+$0x0] =	vst.idx.msk $0xffff, v19;
	v50 =	vld.idx.msk [tilespmem:v48+s3+$0x0], $0xffff  }
0x227: {  	v59 =	vadd.s32 $0x8, v48;
	v19 =	vmul.f32 v54, v16;
	v54 =	vadd.s32 $0xA, v48;
	[tilespmem:v2+s15+$0x0] =	vst.idx.msk $0xffff, v28;
	v10 =	vld.idx.msk [tilespmem:v10+s3+$0x0], $0xffff  }
0x228: {  	[tilespmem:v1+s15+$0x0] =	vst.idx.msk $0xffff, v27;
	v1 =	vadd.f32 v20, v9;
	v20 =	vmul.f32 v40, v16;
	v40 =	vld.idx.msk [tilespmem:v52+s3+$0x0], $0xffff  }
0x229: {  	s29 =	sadd.s32 $0x5, s24;
	v4 =	vadd.f32 v51, v4;
	v51 =	vadd.f32 v19, v63;
	v63 =	vmul.f32 v44, v16;
	v44 =	vld.idx.msk [tilespmem:v56+s3+$0x0], $0xffff  }
0x22a: {  	v26 =	vmov s29;
	v27 =	vadd.s32 $0x5, v48;
	[tilespmem:v60+s15+$0x0] =	vst.idx.msk $0xffff, v30;
	v30 =	vld.idx.msk [tilespmem:v41+s3+$0x0], $0xffff  }
0x22b: {  	v9 =	vadd.s32 $0x4, v48;
	v19 =	vmul.f32 v43, v16;
	v60 =	vshll.u32 v26, $0x8;
	v41 =	vld.idx.msk [tilespmem:v18+s3+$0x0], $0xffff  }
0x22c: {  	v26 =	vshll.u32 v26, $0x7;
	v18 =	vmul.f32 v61, v16;
	v56 =	vld.idx.msk [tilespmem:v59+s3+$0x0], $0xffff;
	v36 =	vadd.f32 v20, v36  }
0x22d: {  	v31 =	vadd.f32 v63, v38;
	v20 =	vadd.s32 $0x9, v48;
	v63 =	vand.u32 $0x7800, v60;
	v54 =	vld.idx.msk [tilespmem:v54+s3+$0x0], $0xffff  }
0x22e: {  	[tilespmem:v62+s15+$0x0] =	vst.idx.msk $0xffff, v29;
	v26 =	vand.u32 $0x280, v26;
	v29 =	vadd.s32 $0xB, v48;
	v28 =	vadd.f32 v18, v46;
	v18 =	vld [tilespmem:$0x1FBE0]  }
0x22f: {  	v2 =	vadd.f32 v19, v47;
	v47 =	vadd.s32 $0xC, v48;
	v43 =	vld.idx.msk [tilespmem:v27+s3+$0x0], $0xffff;
	v27 =	vor.u32 v26, v63  }
0x230: {  	v38 =	vld.idx.msk [tilespmem:v9+s3+$0x0], $0xffff;
	v19 =	vor.u32 v13, v27  }
0x231: {  	v63 =	vld [tilespmem:$0x1FBD0]  }
0x232: {  	v59 =	vadd.s32 $0xD, v48;
	v61 =	vld.idx.msk [tilespmem:v20+s3+$0x0], $0xffff;
	v20 =	vmul.f32 v55, v16  }
0x233: {  	v57 =	vmul.f32 v57, v16;
	v62 =	vadd.s32 $0xE, v48;
	v60 =	vor.u32 v12, v27;
	v46 =	vld.idx.msk [tilespmem:v29+s3+$0x0], $0xffff  }
0x234: {  	v48 =	vadd.s32 $0xF, v48;
	v55 =	vor.u32 v14, v27;
	v9 =	vadd.f32 v20, v42;
	v42 =	vld.idx.msk [tilespmem:v47+s3+$0x0], $0xffff  }
0x235: {  	v26 =	vadd.f32 v57, v11;
	v11 =	vor.u32 v15, v27;
	[tilespmem:v19+s15+$0x0] =	vst.idx.msk $0xffff, v49;
	v19 =	vld [tilespmem:$0x1FBF0]  }
0x236: {  	v45 =	vmul.f32 v45, v16;
	v47 =	vadd.s32 $0x1, v34;
	v20 =	vld [tilespmem:$0x1FC00];
	v29 =	vor.u32 v63, v27  }
0x237: {  	v10 =	vmul.f32 v10, v35;
	v57 =	vadd.s32 $0x2, v34;
	v52 =	vld.idx.msk [tilespmem:v59+s3+$0x0], $0xffff;
	v49 =	vor.u32 v18, v27  }
0x238: {  	v40 =	vmul.f32 v40, v35;
	v59 =	vld.idx.msk [tilespmem:v62+s3+$0x0], $0xffff;
	v62 =	vadd.s32 $0x5, v34;
	[tilespmem:v60+s15+$0x0] =	vst.idx.msk $0xffff, v22  }
0x239: {  	v44 =	vmul.f32 v44, v35;
	v48 =	vld.idx.msk [tilespmem:v48+s3+$0x0], $0xffff;
	[tilespmem:v55+s15+$0x0] =	vst.idx.msk $0xffff, v58;
	v58 =	vadd.s32 $0x4, v34  }
0x23a: {  	v60 =	vadd.s32 $0x3, v34;
	[tilespmem:v11+s15+$0x0] =	vst.idx.msk $0xffff, v1;
	v11 =	vld.idx.msk [tilespmem:v34+s3+$0x0], $0xffff;
	v22 =	vor.u32 v19, v27  }
0x23b: {  	v30 =	vmul.f32 v30, v35;
	v55 =	vor.u32 v20, v27;
	[tilespmem:v29+s15+$0x0] =	vst.idx.msk $0xffff, v4;
	v4 =	vld.idx.msk [tilespmem:v47+s3+$0x0], $0xffff  }
0x23c: {  	v1 =	vmul.f32 v8, v16;
	v8 =	vadd.s32 $0x6, v34;
	[tilespmem:v49+s15+$0x0] =	vst.idx.msk $0xffff, v3;
	v3 =	vld.idx.msk [tilespmem:v57+s3+$0x0], $0xffff  }
0x23d: {  	v41 =	vmul.f32 v41, v35;
	v16 =	vadd.s32 $0x7, v34;
	v49 =	vmul.f32 v50, v35;
	v50 =	vld.idx.msk [tilespmem:v62+s3+$0x0], $0xffff  }
0x23e: {  	v56 =	vmul.f32 v56, v35;
	v29 =	vadd.f32 v45, v53;
	v57 =	vadd.s32 $0x8, v34;
	v45 =	vld.idx.msk [tilespmem:v58+s3+$0x0], $0xffff  }
0x23f: {  	v54 =	vmul.f32 v54, v35;
	[tilespmem:v22+s15+$0x0] =	vst.idx.msk $0xffff, v51;
	v22 =	vld.idx.msk [tilespmem:v60+s3+$0x0], $0xffff;
	v60 =	vadd.s32 $0x9, v34  }
0x240: {  	v38 =	vmul.f32 v38, v35;
	v58 =	vmul.f32 v61, v35;
	v61 =	vld [tilespmem:$0x1FC10];
	v51 =	vadd.s32 $0xA, v34  }
0x241: {  	v53 =	vadd.s32 $0xB, v34;
	v8 =	vld.idx.msk [tilespmem:v8+s3+$0x0], $0xffff;
	[tilespmem:v55+s15+$0x0] =	vst.idx.msk $0xffff, v36;
	v36 =	vor.u32 v17, v27  }
0x242: {  	v43 =	vmul.f32 v43, v35;
	v16 =	vld.idx.msk [tilespmem:v16+s3+$0x0], $0xffff;
	v11 =	vmul.f32 v11, v33;
	v55 =	vadd.s32 $0xC, v34  }
0x243: {  	v46 =	vmul.f32 v46, v35;
	v1 =	vadd.f32 v1, v37;
	v37 =	vld.idx.msk [tilespmem:v57+s3+$0x0], $0xffff;
	v57 =	vadd.s32 $0xD, v34  }
0x244: {  	[tilespmem:$0x1FC30] =	vst v17;
	v4 =	vmul.f32 v4, v33;
	v11 =	vadd.f32 v11, v49;
	v17 =	vadd.s32 $0xE, v34;
	v47 =	vld.idx.msk [tilespmem:v60+s3+$0x0], $0xffff  }
0x245: {  	v3 =	vmul.f32 v3, v33;
	v62 =	vmul.f32 v50, v33;
	v34 =	vadd.s32 $0xF, v34;
	v51 =	vld.idx.msk [tilespmem:v51+s3+$0x0], $0xffff  }
0x246: {  	v4 =	vadd.f32 v4, v40;
	[tilespmem:v36+s15+$0x0] =	vst.idx.msk $0xffff, v5;
	v5 =	vmul.f32 v42, v35;
	v42 =	vld.idx.msk [tilespmem:v53+s3+$0x0], $0xffff  }
0x247: {  	v40 =	vadd.s32 $0x4, v32;
	v8 =	vmul.f32 v8, v33;
	v36 =	vmul.f32 v52, v35;
	v53 =	vld.idx.msk [tilespmem:v55+s3+$0x0], $0xffff  }
0x248: {  	v60 =	vadd.s32 $0x5, v32;
	v52 =	vmul.f32 v59, v35;
	v35 =	vmul.f32 v48, v35;
	v48 =	vld.idx.msk [tilespmem:v57+s3+$0x0], $0xffff  }
0x249: {  	v3 =	vadd.f32 v3, v44;
	v16 =	vmul.f32 v16, v33;
	v55 =	vadd.s32 $0x1, v32;
	v49 =	vld.idx.msk [tilespmem:v17+s3+$0x0], $0xffff  }
0x24a: {  	v8 =	vadd.f32 v8, v30;
	v30 =	vmul.f32 v37, v33;
	v57 =	vadd.s32 $0x2, v32;
	v34 =	vld.idx.msk [tilespmem:v34+s3+$0x0], $0xffff  }
0x24b: {  	v22 =	vmul.f32 v22, v33;
	v59 =	vadd.s32 $0x3, v32;
	v17 =	vmul.f32 v45, v33;
	v45 =	vld.idx.msk [tilespmem:v32+s3+$0x0], $0xffff  }
0x24c: {  	v16 =	vadd.f32 v16, v41;
	v37 =	vld.idx.msk [tilespmem:v40+s3+$0x0], $0xffff;
	v40 =	vadd.s32 $0x9, v32;
	v30 =	vadd.f32 v30, v56  }
0x24d: {  	v56 =	vadd.s32 $0xB, v32;
	v38 =	vadd.f32 v17, v38;
	v17 =	vmul.f32 v47, v33;
	v47 =	vld.idx.msk [tilespmem:v60+s3+$0x0], $0xffff  }
0x24e: {  	v10 =	vadd.f32 v22, v10;
	v22 =	vadd.f32 v62, v43;
	v60 =	vadd.s32 $0xA, v32;
	v50 =	vld.idx.msk [tilespmem:v55+s3+$0x0], $0xffff  }
0x24f: {  	v51 =	vmul.f32 v51, v33;
	v55 =	vadd.s32 $0x6, v32;
	v44 =	vld.idx.msk [tilespmem:v57+s3+$0x0], $0xffff;
	v57 =	vadd.s32 $0x7, v32  }
0x250: {  	v43 =	vld.idx.msk [tilespmem:v59+s3+$0x0], $0xffff;
	v59 =	vadd.s32 $0x8, v32;
	v41 =	vadd.f32 v17, v58;
	v17 =	vmul.f32 v48, v33  }
0x251: {  	v42 =	vmul.f32 v42, v33;
	v53 =	vmul.f32 v53, v33;
	v40 =	vld.idx.msk [tilespmem:v40+s3+$0x0], $0xffff;
	v58 =	vadd.s32 $0xC, v32  }
0x252: {  	v36 =	vadd.f32 v17, v36;
	v17 =	vmul.f32 v49, v33;
	v33 =	vmul.f32 v34, v33;
	v34 =	vld.idx.msk [tilespmem:v56+s3+$0x0], $0xffff  }
0x253: {  	v48 =	vadd.s32 $0xE, v32;
	v60 =	vld.idx.msk [tilespmem:v60+s3+$0x0], $0xffff  }
0x254: {  	v55 =	vld.idx.msk [tilespmem:v55+s3+$0x0], $0xffff  }
0x255: {  	v5 =	vadd.f32 v53, v5;
	v53 =	vor.u32 v61, v27;
	v57 =	vld.idx.msk [tilespmem:v57+s3+$0x0], $0xffff;
	v62 =	vmul.f32 v50, v7  }
0x256: {  	v45 =	vmul.f32 v45, v7;
	v51 =	vadd.f32 v51, v54;
	v56 =	vadd.s32 $0x1, v6;
	v54 =	vld.idx.msk [tilespmem:v59+s3+$0x0], $0xffff  }
0x257: {  	v37 =	vmul.f32 v37, v7;
	v50 =	vld.idx.msk [tilespmem:v58+s3+$0x0], $0xffff;
	v4 =	vadd.f32 v62, v4;
	v62 =	vadd.s32 $0x3, v6  }
0x258: {  	v42 =	vadd.f32 v42, v46;
	v11 =	vadd.f32 v45, v11;
	v49 =	vadd.s32 $0x4, v6;
	v45 =	vld.idx.msk [tilespmem:v48+s3+$0x0], $0xffff  }
0x259: {  	s2 =	sor.u32 $0x50, s25;
	v37 =	vadd.f32 v37, v38;
	v59 =	vadd.s32 $0xD, v32;
	v43 =	vmul.f32 v43, v7;
	v58 =	vld.idx.msk [tilespmem:v6+s3+$0x0], $0xffff  }
0x25a: {  	v47 =	vmul.f32 v47, v7;
	v46 =	vadd.f32 v17, v52;
	v17 =	vadd.s32 $0x2, v6;
	[tilespmem:v53+s15+$0x0] =	vst.idx.msk $0xffff, v31;
	v31 =	vld [tilespmem:s2+$0x16280]  }
0x25b: {  	v32 =	vadd.s32 $0xF, v32;
	v44 =	vmul.f32 v44, v7;
	v10 =	vadd.f32 v43, v10;
	v43 =	vld.idx.msk [tilespmem:v56+s3+$0x0], $0xffff  }
0x25c: {  	v33 =	vadd.f32 v33, v35;
	v40 =	vmul.f32 v40, v7;
	v48 =	vld.idx.msk [tilespmem:v62+s3+$0x0], $0xffff;
	v62 =	vadd.s32 $0x8, v6  }
0x25d: {  	v22 =	vadd.f32 v47, v22;
	v47 =	vadd.s32 $0x7, v6;
	v3 =	vadd.f32 v44, v3;
	v49 =	vld.idx.msk [tilespmem:v49+s3+$0x0], $0xffff  }
0x25e: {  	v44 =	vadd.s32 $0x6, v6;
	v40 =	vadd.f32 v40, v41;
	v34 =	vmul.f32 v34, v7;
	v35 =	vld.idx.msk [tilespmem:v59+s3+$0x0], $0xffff  }
0x25f: {  	v59 =	vadd.s32 $0x5, v6;
	v38 =	vld.idx.msk [tilespmem:v17+s3+$0x0], $0xffff;
	v52 =	vmul.f32 v55, v7;
	v17 =	vmul.f32 v57, v7  }
0x260: {  	v32 =	vld.idx.msk [tilespmem:v32+s3+$0x0], $0xffff;
	v54 =	vmul.f32 v54, v7;
	v57 =	vadd.s32 $0x9, v6;
	v55 =	vadd.s32 $0xA, v6  }
0x261: {  	v34 =	vadd.f32 v34, v42;
	v50 =	vmul.f32 v50, v7;
	v52 =	vadd.f32 v52, v8;
	v56 =	vld.idx.msk [tilespmem:v62+s3+$0x0], $0xffff  }
0x262: {  	v16 =	vadd.f32 v17, v16;
	v54 =	vadd.f32 v54, v30;
	v17 =	vmul.f32 v60, v7;
	v62 =	vld [tilespmem:$0x1FC20]  }
0x263: {  	v47 =	vld.idx.msk [tilespmem:v47+s3+$0x0], $0xffff;
	v30 =	vadd.s32 $0xB, v6;
	v60 =	vadd.s32 $0xD, v6;
	v5 =	vadd.f32 v50, v5  }
0x264: {  	v41 =	vld.idx.msk [tilespmem:v44+s3+$0x0], $0xffff;
	v49 =	vmul.f32 v49, v0;
	v44 =	vadd.f32 v17, v51;
	v17 =	vmul.f32 v58, v0  }
0x265: {  	v51 =	vadd.s32 $0xE, v6;
	v58 =	vmul.f32 v43, v0;
	v8 =	vld.idx.msk [tilespmem:v59+s3+$0x0], $0xffff;
	v35 =	vmul.f32 v35, v7  }
0x266: {  	v59 =	vadd.s32 $0xC, v6;
	v42 =	vld.idx.msk [tilespmem:v57+s3+$0x0], $0xffff;
	v57 =	vmul.f32 v45, v7;
	v6 =	vadd.s32 $0xF, v6  }
0x267: {  	v7 =	vmul.f32 v32, v7;
	v35 =	vadd.f32 v35, v36;
	v36 =	vld.idx.msk [tilespmem:v55+s3+$0x0], $0xffff;
	v50 =	vor.u32 v62, v27  }
0x268: {  	v32 =	vor.u32 v21, v27;
	v11 =	vadd.f32 v17, v11;
	v4 =	vadd.f32 v58, v4;
	v43 =	vld.idx.msk [tilespmem:v60+s3+$0x0], $0xffff  }
0x269: {  	v46 =	vadd.f32 v57, v46;
	v57 =	vor.u32 v39, v27;
	v60 =	vmul.f32 v48, v0;
	v48 =	vld [tilespmem:s30+$0x40]  }
0x26a: {  	v17 =	vor.u32 v25, v27;
	v45 =	vld.idx.msk [tilespmem:v30+s3+$0x0], $0xffff;
	v30 =	vadd.f32 v7, v33;
	v7 =	vor.u32 v23, v27  }
0x26b: {  	s31 =	sadd.s32 $0x6, s24;
	v58 =	vmul.f32 v41, v0;
	v10 =	vadd.f32 v60, v10;
	v55 =	vld.idx.msk [tilespmem:v59+s3+$0x0], $0xffff;
	v59 =	vmul.f32 v38, v0  }
0x26c: {  	v33 =	vld.idx.msk [tilespmem:v51+s3+$0x0], $0xffff;
	v8 =	vmul.f32 v8, v0;
	v42 =	vmul.f32 v42, v0;
	[tilespmem:v50+s15+$0x0] =	vst.idx.msk $0xffff, v2;
	v50 =	vmov s31  }
0x26d: {  	s29 =	sor.u32 $0x60, s25;
	v53 =	vld.idx.msk [tilespmem:v6+s3+$0x0], $0xffff;
	v3 =	vadd.f32 v59, v3;
	[tilespmem:v32+s15+$0x0] =	vst.idx.msk $0xffff, v28;
	v59 =	vshll.u32 v50, $0x8;
	v2 =	vshll.u32 v50, $0x7  }
0x26e: {  	v22 =	vadd.f32 v8, v22;
	v8 =	vld [tilespmem:s29+$0x16280];
	s31 =	sor.u32 $0x70, s25;
	[tilespmem:v57+s15+$0x0] =	vst.idx.msk $0xffff, v26;
	v60 =	vand.u32 $0x7800, v59;
	v2 =	vand.u32 $0x300, v2  }
0x26f: {  	v27 =	vor.u32 v24, v27;
	v38 =	vadd.s32 $0x1, v48;
	v6 =	vld [tilespmem:s31+$0x16280];
	[tilespmem:v7+s15+$0x0] =	vst.idx.msk $0xffff, v9;
	v9 =	vor.u32 v2, v60  }
0x270: {  	v37 =	vadd.f32 v49, v37;
	v32 =	vld [tilespmem:s28+$0x40];
	v41 =	vor.u32 v13, v9  }
0x271: {  	v40 =	vadd.f32 v42, v40;
	v28 =	vadd.f32 v58, v52;
	v52 =	vld.idx.msk [tilespmem:v48+s3+$0x0], $0xffff;
	v2 =	vadd.s32 $0x2, v48  }
0x272: {  	v36 =	vmul.f32 v36, v0;
	v26 =	vld [tilespmem:s2+$0x17280];
	v60 =	vadd.s32 $0x4, v48;
	v49 =	vor.u32 v12, v9  }
0x273: {  	v7 =	vld [tilespmem:s29+$0x17280];
	[tilespmem:v17+s15+$0x0] =	vst.idx.msk $0xffff, v29;
	v17 =	vmul.f32 v47, v0;
	v47 =	vadd.s32 $0x3, v48;
	v51 =	vor.u32 v14, v9  }
0x274: {  	v29 =	vld.idx.msk [tilespmem:v38+s3+$0x0], $0xffff;
	v38 =	vadd.s32 $0x6, v48;
	v42 =	vor.u32 v15, v9;
	[tilespmem:v27+s15+$0x0] =	vst.idx.msk $0xffff, v1  }
0x275: {  	v27 =	vmul.f32 v56, v0;
	v1 =	vld [tilespmem:s31+$0x17280];
	v56 =	vadd.s32 $0x5, v48;
	[tilespmem:v41+s15+$0x0] =	vst.idx.msk $0xffff, v11;
	v11 =	vor.u32 v63, v9  }
0x276: {  	v45 =	vmul.f32 v45, v0;
	v57 =	vmov v18;
	v18 =	vor.u32 v18, v9;
	v2 =	vld.idx.msk [tilespmem:v2+s3+$0x0], $0xffff  }
0x277: {  	v36 =	vadd.f32 v36, v44;
	[tilespmem:v49+s15+$0x0] =	vst.idx.msk $0xffff, v4;
	v49 =	vld.idx.msk [tilespmem:v60+s3+$0x0], $0xffff;
	v60 =	vadd.s32 $0x9, v48  }
0x278: {  	v27 =	vadd.f32 v27, v54;
	v54 =	vadd.s32 $0x7, v48;
	v41 =	vld.idx.msk [tilespmem:v47+s3+$0x0], $0xffff;
	[tilespmem:v51+s15+$0x0] =	vst.idx.msk $0xffff, v3  }
0x279: {  	v34 =	vadd.f32 v45, v34;
	v59 =	vadd.s32 $0xC, v48;
	v38 =	vld.idx.msk [tilespmem:v38+s3+$0x0], $0xffff;
	[tilespmem:v42+s15+$0x0] =	vst.idx.msk $0xffff, v10  }
0x27a: {  	v16 =	vadd.f32 v17, v16;
	v17 =	vadd.s32 $0x8, v48;
	v3 =	vld.idx.msk [tilespmem:v56+s3+$0x0], $0xffff;
	[tilespmem:v11+s15+$0x0] =	vst.idx.msk $0xffff, v37  }
0x27b: {  	v55 =	vmul.f32 v55, v0;
	v47 =	vadd.s32 $0xD, v48;
	v51 =	vadd.s32 $0xA, v48;
	[tilespmem:v18+s15+$0x0] =	vst.idx.msk $0xffff, v22;
	v18 =	vld [tilespmem:$0x1FC30]  }
0x27c: {  	v56 =	vadd.s32 $0xB, v48;
	v22 =	vld.idx.msk [tilespmem:v60+s3+$0x0], $0xffff;
	v60 =	vadd.s32 $0xE, v48;
	v48 =	vadd.s32 $0xF, v48  }
0x27d: {  	v5 =	vadd.f32 v55, v5;
	v50 =	vadd.s32 $0x5, v31;
	v58 =	vor.u32 v19, v9;
	v42 =	vld.idx.msk [tilespmem:v54+s3+$0x0], $0xffff  }
0x27e: {  	v44 =	vor.u32 v61, v9;
	v45 =	vor.u32 v62, v9;
	v29 =	vmul.f32 v29, v32;
	v54 =	vld.idx.msk [tilespmem:v59+s3+$0x0], $0xffff  }
0x27f: {  	v10 =	vor.u32 v21, v9;
	v59 =	vmul.f32 v43, v0;
	v11 =	vor.u32 v20, v9;
	v37 =	vld.idx.msk [tilespmem:v17+s3+$0x0], $0xffff  }
0x280: {  	v2 =	vmul.f32 v2, v32;
	v17 =	vmul.f32 v33, v0;
	v51 =	vld.idx.msk [tilespmem:v51+s3+$0x0], $0xffff;
	v4 =	vor.u32 v18, v9  }
0x281: {  	v0 =	vmul.f32 v53, v0;
	v41 =	vmul.f32 v41, v32;
	v33 =	vld.idx.msk [tilespmem:v48+s3+$0x0], $0xffff;
	v48 =	vadd.s32 $0x4, v31  }
0x282: {  	v38 =	vmul.f32 v38, v32;
	v55 =	vld.idx.msk [tilespmem:v56+s3+$0x0], $0xffff;
	[tilespmem:v58+s15+$0x0] =	vst.idx.msk $0xffff, v28;
	v56 =	vadd.s32 $0x1, v31;
	v58 =	vadd.s32 $0x2, v31  }
0x283: {  	v28 =	vadd.f32 v59, v35;
	v35 =	vld.idx.msk [tilespmem:v31+s3+$0x0], $0xffff;
	v59 =	vadd.s32 $0x8, v31;
	v3 =	vmul.f32 v3, v32  }
0x284: {  	v0 =	vadd.f32 v0, v30;
	v42 =	vmul.f32 v42, v32;
	[tilespmem:v11+s15+$0x0] =	vst.idx.msk $0xffff, v16;
	v16 =	vld.idx.msk [tilespmem:v47+s3+$0x0], $0xffff  }
0x285: {  	v54 =	vmul.f32 v54, v32;
	v11 =	vor.u32 v39, v9;
	[tilespmem:v4+s15+$0x0] =	vst.idx.msk $0xffff, v27;
	v4 =	vld.idx.msk [tilespmem:v60+s3+$0x0], $0xffff  }
0x286: {  	v47 =	vmul.f32 v49, v32;
	v49 =	vadd.s32 $0xB, v31;
	v60 =	vadd.s32 $0x3, v31;
	[tilespmem:v44+s15+$0x0] =	vst.idx.msk $0xffff, v40;
	v40 =	vld.idx.msk [tilespmem:v48+s3+$0x0], $0xffff  }
0x287: {  	v37 =	vmul.f32 v37, v32;
	v22 =	vmul.f32 v22, v32;
	[tilespmem:v45+s15+$0x0] =	vst.idx.msk $0xffff, v36;
	v36 =	vld.idx.msk [tilespmem:v50+s3+$0x0], $0xffff  }
0x288: {  	v51 =	vmul.f32 v51, v32;
	v35 =	vmul.f32 v35, v26;
	v48 =	vadd.s32 $0xA, v31;
	v45 =	vld.idx.msk [tilespmem:v59+s3+$0x0], $0xffff  }
0x289: {  	v44 =	vmul.f32 v52, v32;
	[tilespmem:v10+s15+$0x0] =	vst.idx.msk $0xffff, v34;
	v10 =	vld.idx.msk [tilespmem:v56+s3+$0x0], $0xffff;
	v56 =	vadd.s32 $0x6, v31  }
0x28a: {  	v16 =	vmul.f32 v16, v32;
	[tilespmem:v11+s15+$0x0] =	vst.idx.msk $0xffff, v5;
	v5 =	vld.idx.msk [tilespmem:v58+s3+$0x0], $0xffff;
	v58 =	vadd.s32 $0x7, v31  }
0x28b: {  	v30 =	vmul.f32 v33, v32;
	v33 =	vadd.f32 v35, v44;
	v44 =	vadd.s32 $0x1, v8;
	v43 =	vld.idx.msk [tilespmem:v60+s3+$0x0], $0xffff  }
0x28c: {  	v52 =	vmul.f32 v55, v32;
	v60 =	vadd.s32 $0x9, v31;
	v4 =	vmul.f32 v4, v32;
	v32 =	vld.idx.msk [tilespmem:v49+s3+$0x0], $0xffff  }
0x28d: {  	v59 =	vadd.s32 $0xD, v31;
	v48 =	vld.idx.msk [tilespmem:v48+s3+$0x0], $0xffff  }
0x28e: {  	v36 =	vmul.f32 v36, v26;
	v34 =	vld.idx.msk [tilespmem:v56+s3+$0x0], $0xffff;
	v56 =	vadd.s32 $0x2, v8  }
0x28f: {  	v11 =	vld.idx.msk [tilespmem:v58+s3+$0x0], $0xffff;
	v58 =	vadd.s32 $0xC, v31  }
0x290: {  	v53 =	vadd.s32 $0x5, v8;
	v3 =	vadd.f32 v36, v3;
	v36 =	vld.idx.msk [tilespmem:v44+s3+$0x0], $0xffff;
	v44 =	vadd.s32 $0x6, v8  }
0x291: {  	v27 =	vadd.f32 v17, v46;
	v55 =	vmul.f32 v45, v26;
	v46 =	vld.idx.msk [tilespmem:v60+s3+$0x0], $0xffff;
	v60 =	vadd.s32 $0xE, v31  }
0x292: {  	v10 =	vmul.f32 v10, v26;
	v31 =	vadd.s32 $0xF, v31;
	v17 =	vmul.f32 v43, v26;
	v43 =	vld.idx.msk [tilespmem:v59+s3+$0x0], $0xffff  }
0x293: {  	v5 =	vmul.f32 v5, v26;
	v37 =	vadd.f32 v55, v37;
	v59 =	vadd.s32 $0x3, v8;
	v45 =	vld.idx.msk [tilespmem:v56+s3+$0x0], $0xffff  }
0x294: {  	v55 =	vor.u32 v23, v9;
	v10 =	vadd.f32 v10, v29;
	v32 =	vmul.f32 v32, v26;
	v35 =	vld.idx.msk [tilespmem:v58+s3+$0x0], $0xffff  }
0x295: {  	v2 =	vadd.f32 v5, v2;
	v29 =	vadd.f32 v17, v41;
	v17 =	vadd.s32 $0x8, v8;
	v44 =	vld.idx.msk [tilespmem:v44+s3+$0x0], $0xffff  }
0x296: {  	v32 =	vadd.f32 v32, v52;
	v34 =	vmul.f32 v34, v26;
	v58 =	vmul.f32 v40, v26;
	v40 =	vld.idx.msk [tilespmem:v60+s3+$0x0], $0xffff  }
0x297: {  	v56 =	vadd.s32 $0x7, v8;
	v11 =	vmul.f32 v11, v26;
	v31 =	vld.idx.msk [tilespmem:v31+s3+$0x0], $0xffff;
	v60 =	vadd.s32 $0x4, v8  }
0x298: {  	v5 =	vadd.f32 v58, v47;
	v58 =	vmul.f32 v46, v26;
	v46 =	vld.idx.msk [tilespmem:v59+s3+$0x0], $0xffff;
	v59 =	vmul.f32 v48, v26  }
0x299: {  	v52 =	vadd.s32 $0x2, v6;
	v11 =	vadd.f32 v11, v42;
	v42 =	vld.idx.msk [tilespmem:v53+s3+$0x0], $0xffff;
	v53 =	vadd.s32 $0xA, v8  }
0x29a: {  	v34 =	vadd.f32 v34, v38;
	v47 =	vld.idx.msk [tilespmem:v8+s3+$0x0], $0xffff;
	v38 =	vadd.f32 v59, v51;
	v51 =	vadd.s32 $0xB, v8  }
0x29b: {  	v43 =	vmul.f32 v43, v26;
	v50 =	vld.idx.msk [tilespmem:v17+s3+$0x0], $0xffff;
	v22 =	vadd.f32 v58, v22;
	v58 =	vadd.s32 $0xC, v8  }
0x29c: {  	[tilespmem:v55+s15+$0x0] =	vst.idx.msk $0xffff, v28;
	v55 =	vadd.s32 $0xD, v6;
	v48 =	vadd.s32 $0x3, v6;
	v49 =	vld.idx.msk [tilespmem:v56+s3+$0x0], $0xffff;
	v59 =	vadd.s32 $0xD, v8  }
0x29d: {  	v16 =	vadd.f32 v43, v16;
	v56 =	vmul.f32 v36, v7;
	v35 =	vmul.f32 v35, v26;
	v41 =	vld.idx.msk [tilespmem:v60+s3+$0x0], $0xffff  }
0x29e: {  	v60 =	vadd.s32 $0x9, v8;
	v40 =	vmul.f32 v40, v26;
	v26 =	vmul.f32 v31, v26;
	v53 =	vld.idx.msk [tilespmem:v53+s3+$0x0], $0xffff  }
0x29f: {  	v31 =	vor.u32 v25, v9;
	v9 =	vor.u32 v24, v9;
	v17 =	vmul.f32 v47, v7;
	v47 =	vld.idx.msk [tilespmem:v51+s3+$0x0], $0xffff  }
0x2a0: {  	v10 =	vadd.f32 v56, v10;
	v35 =	vadd.f32 v35, v54;
	v54 =	vadd.s32 $0x5, v6;
	v36 =	vld.idx.msk [tilespmem:v58+s3+$0x0], $0xffff  }
0x2a1: {  	v4 =	vadd.f32 v40, v4;
	v26 =	vadd.f32 v26, v30;
	v58 =	vmul.f32 v45, v7;
	v45 =	vld.idx.msk [tilespmem:v59+s3+$0x0], $0xffff  }
0x2a2: {  	v33 =	vadd.f32 v17, v33;
	v59 =	vmul.f32 v46, v7;
	v17 =	vmul.f32 v42, v7;
	v42 =	vld.idx.msk [tilespmem:v6+s3+$0x0], $0xffff  }
0x2a3: {  	v51 =	vadd.s32 $0x1, v6;
	v43 =	vld.idx.msk [tilespmem:v60+s3+$0x0], $0xffff;
	v60 =	vadd.s32 $0xE, v8;
	v2 =	vadd.f32 v58, v2  }
0x2a4: {  	v29 =	vadd.f32 v59, v29;
	v58 =	vmul.f32 v44, v7;
	v59 =	vmul.f32 v49, v7  }
0x2a5: {  	v8 =	vadd.s32 $0xF, v8;
	v3 =	vadd.f32 v17, v3;
	v49 =	vld.idx.msk [tilespmem:v52+s3+$0x0], $0xffff;
	v52 =	vadd.s32 $0x7, v6;
	[tilespmem:v31+s15+$0x0] =	vst.idx.msk $0xffff, v27  }
0x2a6: {  	[tilespmem:v9+s15+$0x0] =	vst.idx.msk $0xffff, v0;
	v9 =	vadd.s32 $0xE, v6;
	v34 =	vadd.f32 v58, v34;
	v11 =	vadd.f32 v59, v11  }
0x2a7: {  	v58 =	vmul.f32 v53, v7;
	v53 =	vld.idx.msk [tilespmem:v54+s3+$0x0], $0xffff;
	v59 =	vadd.s32 $0xA, v6;
	v40 =	vmul.f32 v47, v7  }
0x2a8: {  	v44 =	vld.idx.msk [tilespmem:v51+s3+$0x0], $0xffff;
	v51 =	vadd.s32 $0x6, v6;
	v36 =	vmul.f32 v36, v7;
	v54 =	vmul.f32 v42, v1  }
0x2a9: {  	v38 =	vadd.f32 v58, v38;
	v46 =	vld.idx.msk [tilespmem:v60+s3+$0x0], $0xffff;
	v60 =	vmul.f32 v41, v7;
	v41 =	vadd.s32 $0x4, v6  }
0x2aa: {  	v17 =	vmul.f32 v43, v7;
	v43 =	vadd.s32 $0x9, v6;
	v32 =	vadd.f32 v40, v32  }
0x2ab: {  	v47 =	vld.idx.msk [tilespmem:v52+s3+$0x0], $0xffff;
	v5 =	vadd.f32 v60, v5;
	v60 =	vmul.f32 v50, v7;
	v50 =	vadd.s32 $0x8, v6  }
0x2ac: {  	s31 =	sadd.s32 $0x7, s24;
	v8 =	vld.idx.msk [tilespmem:v8+s3+$0x0], $0xffff;
	v35 =	vadd.f32 v36, v35;
	v22 =	vadd.f32 v17, v22;
	v17 =	vadd.s32 $0xC, v6  }
0x2ad: {  	v30 =	vld.idx.msk [tilespmem:v51+s3+$0x0], $0xffff;
	v51 =	vadd.s32 $0xB, v6;
	v37 =	vadd.f32 v60, v37;
	v60 =	vmov s31  }
0x2ae: {  	v48 =	vld.idx.msk [tilespmem:v48+s3+$0x0], $0xffff;
	v6 =	vadd.s32 $0xF, v6;
	v56 =	vshll.u32 v60, $0x8;
	v28 =	vshll.u32 v60, $0x7  }
0x2af: {  	v0 =	vld.idx.msk [tilespmem:v43+s3+$0x0], $0xffff;
	v60 =	vmul.f32 v46, v7;
	v58 =	vand.u32 $0x7800, v56;
	v28 =	vand.u32 $0x380, v28  }
0x2b0: {  	v43 =	vmul.f32 v47, v1;
	v56 =	vmul.f32 v44, v1;
	v27 =	vld.idx.msk [tilespmem:v50+s3+$0x0], $0xffff;
	v28 =	vor.u32 v28, v58  }
0x2b1: {  	v50 =	vld.idx.msk [tilespmem:v59+s3+$0x0], $0xffff;
	v59 =	vmul.f32 v45, v7;
	v4 =	vadd.f32 v60, v4;
	v7 =	vmul.f32 v8, v7  }
0x2b2: {  	v8 =	vld.idx.msk [tilespmem:v55+s3+$0x0], $0xffff;
	v55 =	vadd.f32 v54, v33;
	v58 =	vmul.f32 v49, v1;
	v11 =	vadd.f32 v43, v11  }
0x2b3: {  	v41 =	vld.idx.msk [tilespmem:v41+s3+$0x0], $0xffff;
	v13 =	vor.u32 v13, v28;
	v10 =	vadd.f32 v56, v10;
	v60 =	vor.u32 v12, v28  }
0x2b4: {  	v30 =	vmul.f32 v30, v1;
	v42 =	vor.u32 v14, v28;
	v44 =	vor.u32 v15, v28  }
0x2b5: {  	v46 =	vld.idx.msk [tilespmem:v51+s3+$0x0], $0xffff;
	v45 =	vor.u32 v63, v28;
	v47 =	vor.u32 v57, v28;
	v51 =	vor.u32 v18, v28  }
0x2b6: {  	v57 =	vor.u32 v21, v28;
	v63 =	vor.u32 v24, v28;
	v16 =	vadd.f32 v59, v16  }
0x2b7: {  	v9 =	vld.idx.msk [tilespmem:v9+s3+$0x0], $0xffff;
	v7 =	vadd.f32 v7, v26;
	v59 =	vmul.f32 v48, v1;
	v2 =	vadd.f32 v58, v2  }
0x2b8: {  	v40 =	vld.idx.msk [tilespmem:v17+s3+$0x0], $0xffff;
	v48 =	vor.u32 v19, v28;
	v58 =	vor.u32 v39, v28;
	v41 =	vmul.f32 v41, v1  }
0x2b9: {  	v6 =	vld.idx.msk [tilespmem:v6+s3+$0x0], $0xffff;
	v30 =	vadd.f32 v30, v34;
	v26 =	vadd.f32 v59, v29;
	[tilespmem:v13+s15+$0x0] =	vst.idx.msk $0xffff, v55  }
0x2ba: {  	v5 =	vadd.f32 v41, v5;
	v41 =	vmul.f32 v53, v1;
	[tilespmem:v60+s15+$0x0] =	vst.idx.msk $0xffff, v10  }
0x2bb: {  	v49 =	vmul.f32 v50, v1;
	v50 =	vor.u32 v20, v28;
	[tilespmem:v42+s15+$0x0] =	vst.idx.msk $0xffff, v2  }
0x2bc: {  	v0 =	vmul.f32 v0, v1;
	v3 =	vadd.f32 v41, v3;
	[tilespmem:v44+s15+$0x0] =	vst.idx.msk $0xffff, v26  }
0x2bd: {  	v27 =	vmul.f32 v27, v1;
	v53 =	vor.u32 v61, v28;
	[tilespmem:v45+s15+$0x0] =	vst.idx.msk $0xffff, v5  }
0x2be: {  	v0 =	vadd.f32 v0, v22;
	v55 =	vor.u32 v62, v28;
	[tilespmem:v47+s15+$0x0] =	vst.idx.msk $0xffff, v3  }
0x2bf: {  	v56 =	vmul.f32 v40, v1;
	v27 =	vadd.f32 v27, v37;
	[tilespmem:v48+s15+$0x0] =	vst.idx.msk $0xffff, v30  }
0x2c0: {  	v8 =	vmul.f32 v8, v1;
	v54 =	vmul.f32 v46, v1;
	[tilespmem:v50+s15+$0x0] =	vst.idx.msk $0xffff, v11  }
0x2c1: {  	v52 =	vadd.f32 v49, v38;
	v60 =	vor.u32 v23, v28;
	[tilespmem:v51+s15+$0x0] =	vst.idx.msk $0xffff, v27  }
0x2c2: {  	s23 =	sadd.s32 $0x4, s23;
	v61 =	vor.u32 v25, v28;
	v14 =	vadd.f32 v54, v32;
	[tilespmem:v53+s15+$0x0] =	vst.idx.msk $0xffff, v0  }
0x2c3: {  	p1 =	slt.u32 s23, $0x3C;
	v62 =	vmul.f32 v9, v1;
	v59 =	vadd.f32 v56, v35;
	[tilespmem:v55+s15+$0x0] =	vst.idx.msk $0xffff, v52  }
.Ltmp1:
0x2c4: {  	v1 =	vmul.f32 v6, v1;
	v8 =	vadd.f32 v8, v16;
	[tilespmem:v57+s15+$0x0] =	vst.idx.msk $0xffff, v14;
	(pc) =	sbr.rel @p1 .LBB2_4-.Ltmp1, $4  }
0x2c5: {  	v4 =	vadd.f32 v62, v4;
	[tilespmem:v58+s15+$0x0] =	vst.idx.msk $0xffff, v59  }
0x2c6: {  	v1 =	vadd.f32 v1, v7;
	[tilespmem:v60+s15+$0x0] =	vst.idx.msk $0xffff, v8  }
0x2c7: {  	[tilespmem:v61+s15+$0x0] =	vst.idx.msk $0xffff, v4  }
0x2c8: {  	s30 =	sadd.s32 $0x100, s30;
	s25 =	sadd.s32 $0x100, s25;
	s28 =	sadd.s32 $0x100, s28;
	[tilespmem:v63+s15+$0x0] =	vst.idx.msk $0xffff, v1  }
0x2c9: {  	p1 =	sne.s32 s19, $0x20  }
.Ltmp2:
0x2ca: {  	_ = 	snop;
	(pc) =	sbr.rel @p1 .LBB2_2-.Ltmp2, $4  }
0x2cb: {  	s2 =	sshll.u32 s21, $0xE;
	s20 =	sshll.u32 s20, $0x10  }
0x2cc: {  	s2 =	sadd.s32 $0xE280, s2;
	s20 =	sadd.s32 s20, s8  }
0x2cd: {  	[hbm4b:s20+s16] =	stream.strided.scatter [tilespmem:s2], [sflag:$0x2], $0x4000, s17, s16, $0x38;
	[tilespmem:$0x18280] =	vst v63  }
0x2ce: {  	p0 =	por !p0, !p0;
	s20 =	smov.u32 s19  }
0x2cf: {  	s18 =	sadd.s32 $0x1, s18  }
0x2d0: {  	_ =	swait.ge [sflag:s14], $0x4000;
	p0 =	sne.s32 s18, s9  }
.Ltmp3:
0x2d1: {  	[sflag:s14] =	ssyncset.done $0x0;
	(pc) =	sbr.rel @p0 .LBB2_1-.Ltmp3, $4  }
0x2d2: {  	[sflag:s14] =	ssyncadd.s32 $0xFFFFC000  }
0x2d3: {  	_ =	swait.ge [sflag:s14], $0x4000  }
0x2d4: {  	[sflag:s14] =	ssyncset.done $0x0  }
0x2d5: {  	[sflag:s14] =	ssyncadd.s32 $0xFFFFC000  }
0x2d6: {  	_ =	sfence.sel $0x180000  }
0x2d7: {  	[bflag:$0x0] =	sbarrier.arrive $0xFFFF  }
0x2d8: {  	_ =	strace $0x90000047  }
0x2d9: {  	[bflag:$0x2] =	sbarrier.arrive $0xFFFF  }
0x2da: {  	p0 =	sne.s32 s0, $0x0;
	s0 =	rddreg [dreg:$0x3]  }
0x2db: {  	s0 =	sadd.s32 @!p0 $0x100000, s0  }
0x2dc: {  	[sflag:s0] =	ssyncadd.tile.s32 @!p0 $0x1;
	_ =	shalt  }
.Lfunc_end2:
_tile_overlayer_lowered:
.L_overlay_start_2:
0x2dd: {  	(tag) =	ssettag $0x2  }
0x2de: {  	s0 =	rddreg [dreg:$0x0];
	s2 =	stileid.u32  }
0x2df: {  	s1 =	rddreg [dreg:$0x1];
	p0 =	sne.s32 s2, $0x0  }
0x2e0: {  	s3 =	rddreg [dreg:$0x2];
	[bflag:$0x3] =	sbarrier.arrive $0xFFFF;
	s2 =	simm.s32 @!p0 $0x1C03  }
0x2e1: {  	[timem:s3], [sflag:s2] =	dma.local @!p0 [hbm:s0], s1  }
0x2e2: {  	s0 =	simm.s32 @!p0 $0x3  }
0x2e3: {  	_ =	swait.ge @!p0 [sflag:s0], s1  }
0x2e4: {  	s1 =	ssub.s32 @!p0 $0x0, s1;
	[sflag:s0] =	ssyncset.done @!p0 $0x0  }
0x2e5: {  	[sflag:s0] =	ssyncadd.s32 @!p0 s1  }
0x2e6: {  	[bflag:$0x3] =	sbarrier.arrive $0xFFFF  }
0x2e7: {  	_ =	shalt  }

</sc_bundles>
